<compile_context>
chip_gen: v7x
topology: tpu7x:2x2x1
jax: 0.10.2.dev20260603
libtpu: 0.0.44.dev20260713+nightly
codegen_flags: <defaults>
</compile_context>

<pallas_src>
import functools

import numpy as np
import jax
import jax.numpy as jnp
from jax import lax
from jax.experimental import pallas as pl
from jax.experimental.pallas import tpu as pltpu
from jax.experimental.pallas import tpu_sc as plsc

B = 128
N = 32768
K = 16384
L = 16
NC = 2
NS = 16
NW = NC * NS
ROWS_PER_W = B // NW
NVEC = N // L
NBKT = 256
NCHUNK = NBKT // L
BIG = np.int32(0x7FFFFFFF)
MASK8 = np.int32(0xFF)
UNROLL = 8


def _bucket_search(hist_v, tmp_v, lane, rem):
  @plsc.parallel_loop(0, NCHUNK)
  def _(c):
    tot = jnp.zeros((L,), jnp.int32)
    zero = jnp.zeros((L,), jnp.int32)
    for l in range(L):
      tot = tot + hist_v[pl.ds(l * NBKT + c * L, L)]
      hist_v[pl.ds(l * NBKT + c * L, L)] = zero
    plsc.store_scatter(tmp_v, [lane * NCHUNK + c], tot)

  vec_s = jnp.zeros((L,), jnp.int32)
  for l in range(L):
    vec_s = vec_s + tmp_v[pl.ds(l * NCHUNK, NCHUNK)]
  vec_cum = plsc.cumsum(vec_s)
  total = jnp.max(vec_cum)
  target = total - rem + 1
  cmask = vec_cum >= target
  cstar = jnp.min(jnp.where(cmask, lane, BIG))
  base = jnp.min(jnp.where(lane == cstar, vec_cum - vec_s, BIG))
  tot_star = plsc.load_gather(tmp_v, [lane * NCHUNK + cstar])
  cum = plsc.cumsum(tot_star) + base
  mask = cum >= target
  dstar = cstar * L + jnp.min(jnp.where(mask, lane, BIG))
  cumat = jnp.min(jnp.where(mask, cum, BIG))
  return dstar, rem - (total - cumat)


def _process_row(x_v, cb_v, hist_v, tmp_v, lane, lane_base, ones):
  @plsc.parallel_loop(0, NVEC, unroll=UNROLL)
  def _(i):
    xv = x_v[pl.ds(i * L, L)]
    key = lax.bitcast_convert_type(xv, jnp.int32) & BIG
    plsc.addupdate_scatter(
        hist_v, [lax.shift_right_logical(key, 23) + lane_base], ones)

  d1, rem = _bucket_search(hist_v, tmp_v, lane, np.int32(K))

  @plsc.parallel_loop(0, NVEC, unroll=UNROLL,
                      carry=jnp.zeros((L,), jnp.int32))
  def off1(i, off):
    xv = x_v[pl.ds(i * L, L)]
    key = lax.bitcast_convert_type(xv, jnp.int32) & BIG
    ok = lax.shift_right_logical(key, 23) == d1
    pos = plsc.cumsum(jnp.where(ok, 1, 0).astype(jnp.int32))
    plsc.store_scatter(cb_v, [off + pos - 1], key, mask=ok)
    return off + plsc.all_reduce_population_count(ok)

  m1 = jnp.max(off1)

  trip0 = lax.shift_right_logical(m1 + (L - 1), 4)

  @plsc.parallel_loop(0, trip0, unroll=8)
  def _(i):
    key = cb_v[pl.ds(i * L, L)]
    ok = (i * L + lane) < m1
    digit = lax.shift_right_logical(key, 15) & MASK8
    plsc.addupdate_scatter(hist_v, [digit + lane_base], ones, mask=ok)

  d2, rem = _bucket_search(hist_v, tmp_v, lane, rem)
  pfx2 = d1 * NBKT + d2

  trip1 = lax.shift_right_logical(m1 + (L - 1), 4)

  @plsc.parallel_loop(0, trip1, unroll=8, carry=jnp.zeros((L,), jnp.int32))
  def off2(i, off):
    key = cb_v[pl.ds(i * L, L)]
    ok = ((i * L + lane) < m1) & (lax.shift_right_logical(key, 15) == pfx2)
    digit = lax.shift_right_logical(key, 7) & MASK8
    plsc.addupdate_scatter(hist_v, [digit + lane_base], ones, mask=ok)
    pos = plsc.cumsum(jnp.where(ok, 1, 0).astype(jnp.int32))
    plsc.store_scatter(cb_v, [off + pos - 1], key, mask=ok)
    return off + plsc.all_reduce_population_count(ok)

  m2 = jnp.max(off2)
  d3, rem = _bucket_search(hist_v, tmp_v, lane, rem)
  pfx3 = pfx2 * NBKT + d3

  trip2 = lax.shift_right_logical(m2 + (L - 1), 4)

  @plsc.parallel_loop(0, trip2, unroll=8)
  def _(i):
    key = cb_v[pl.ds(i * L, L)]
    ok = ((i * L + lane) < m2) & (lax.shift_right_logical(key, 7) == pfx3)
    digit = key & np.int32(0x7F)
    plsc.addupdate_scatter(hist_v, [digit + lane_base], ones, mask=ok)

  d4, rem = _bucket_search(hist_v, tmp_v, lane, rem)

  thr = pfx3 * 128 + d4

  @plsc.parallel_loop(0, NVEC, unroll=UNROLL)
  def _(i):
    sl = pl.ds(i * L, L)
    xv = x_v[sl]
    key = lax.bitcast_convert_type(xv, jnp.int32) & BIG
    x_v[sl] = jnp.where(key >= thr, xv, jnp.zeros((L,), jnp.float32))


_mesh = plsc.VectorSubcoreMesh(
    core_axis_name="c", subcore_axis_name="s", num_cores=NC, num_subcores=NS)


NBUF = 2


@functools.partial(
    pl.kernel,
    out_type=jax.ShapeDtypeStruct((B, N), jnp.float32),
    mesh=_mesh,
    compiler_params=pltpu.CompilerParams(needs_layout_passes=False),
    scratch_types=[
        [pltpu.VMEM((N,), jnp.float32)] * NBUF,
        pltpu.VMEM((N,), jnp.int32),
        pltpu.VMEM((L * NBKT,), jnp.int32),
        pltpu.VMEM((NBKT,), jnp.int32),
        [pltpu.SemaphoreType.DMA] * NBUF,
        [pltpu.SemaphoreType.DMA] * NBUF,
    ],
)
def _topk_mask(x_hbm, out_hbm, bufs, cb_v, hist_v, tmp_v, sin, sout):
  wid = lax.axis_index("s") * NC + lax.axis_index("c")
  lane = lax.iota(jnp.int32, L)
  lane_base = lane * NBKT
  ones = jnp.ones((L,), jnp.int32)

  @plsc.parallel_loop(0, (L * NBKT) // L)
  def _(i):
    hist_v[pl.ds(i * L, L)] = jnp.zeros((L,), jnp.int32)

  row0 = wid * ROWS_PER_W

  def row_body(j, _):
    r = row0 + j
    pltpu.sync_copy(x_hbm.at[r], bufs[0])
    _process_row(bufs[0], cb_v, hist_v, tmp_v, lane, lane_base, ones)
    pltpu.sync_copy(bufs[0], out_hbm.at[r])
    return 0

  lax.fori_loop(0, ROWS_PER_W, row_body, 0)


def kernel(batch_feature, epoch):
  del epoch
  return _topk_mask(batch_feature)

# --- scband reference (transcript-rebuilt; emitter-appended) ---
"""Pipeline reference for scband-feature-penalty-34617436406082 (READ-ONLY COPY).

The authoritative reference and input builder live on the scoring server;
editing this copy changes nothing except your own understanding.
"""

import jax, jax.numpy as jnp
import numpy as np

TOTAL_DIMENSION = 32768
TOTAL_EPOCH = 70
BASE = 4096
START_DIMENSION = 4096
REVERSE = False
RESCALE = False


def get_batchIdToEndIndex(total_dimension, total_epoch, base, reverse=False, start_dimension=None):
    batchIdToEndIndex = {}
    start_dimension = base if start_dimension is None else start_dimension
    num_expand = (total_dimension - start_dimension) // base
    to_expand = total_epoch // num_expand
    dim = start_dimension
    for epoch in range(total_epoch):
        if epoch % to_expand == 0 and epoch != 0:
            dim += base
        if not reverse:
            batchIdToEndIndex[epoch] = dim
        else:
            batchIdToEndIndex[total_epoch - epoch - 1] = dim
    return batchIdToEndIndex


def setup_inputs(seed: int = 0) -> dict:
    key = jax.random.key(seed)
    batch_feature = jax.random.normal(key, (128, 32768), dtype=jnp.float32)
    return {"batch_feature": batch_feature, "epoch": 35}


def reference(batch_feature, epoch):
    mapping = get_batchIdToEndIndex(TOTAL_DIMENSION, TOTAL_EPOCH, BASE, reverse=REVERSE, start_dimension=START_DIMENSION)
    end_index = mapping[35]
    scale_factor = 1.0 if not RESCALE else TOTAL_DIMENSION / end_index
    # topK=True branch: mask keeping top-|end_index| entries by absolute value per row
    _, topk_idx = jax.lax.top_k(jnp.abs(batch_feature), end_index)
    rows = jnp.arange(batch_feature.shape[0]).reshape(-1, 1)
    mask = jnp.zeros_like(batch_feature).at[rows, topk_idx].set(1.0)
    return scale_factor * batch_feature * mask + 0.0 * epoch

if __name__ == "__main__":
    import jax
    _d = setup_inputs()
    print(jax.jit(kernel)(*tuple(_d.values())))

</pallas_src>

<mosaic_0001>
#map = affine_map<(d0, d1) -> (0, 0)>
module attributes {stable_mosaic.version = 14 : i64} {
  func.func @_topk_mask(%arg0: i32, %arg1: i32, %arg2: memref<128x32768xf32, #tpu.memory_space<hbm>>, %arg3: memref<128x32768xf32, #tpu.memory_space<hbm>>, %arg4: memref<32768xf32, #tpu.memory_space<vmem>>, %arg5: memref<32768xf32, #tpu.memory_space<vmem>>, %arg6: memref<32768xi32, #tpu.memory_space<vmem>>, %arg7: memref<4096xi32, #tpu.memory_space<vmem>>, %arg8: memref<256xi32, #tpu.memory_space<vmem>>, %arg9: memref<!tpu.dma_semaphore, #tpu.memory_space<semaphore_mem>>, %arg10: memref<!tpu.dma_semaphore, #tpu.memory_space<semaphore_mem>>, %arg11: memref<!tpu.dma_semaphore, #tpu.memory_space<semaphore_mem>>, %arg12: memref<!tpu.dma_semaphore, #tpu.memory_space<semaphore_mem>>) attributes {dimension_semantics = [#tpu.dimension_semantics<core_parallel>, #tpu.dimension_semantics<subcore_parallel>], iteration_bounds = array<i64: 2, 16>, scalar_prefetch = 0 : i64, scratch_operands = 9 : i64, tpu.core_type = #tpu.core_type<sc_vector_subcore>, window_params = [{transform_indices = #map}, {transform_indices = #map}]} {
    %mul3A = arith.constant 2 : i32
    %mul3A_0 = arith.muli %arg1, %mul3A : i32
    %add3A = arith.addi %mul3A_0, %arg0 : i32
    %iota3A = tpu.iota {dimensions = array<i32: 0>} : vector<16xi32>
    %mul3A_1 = arith.constant 256 : i32
    %mul3A_2 = vector.broadcast %mul3A_1 : i32 to vector<16xi32>
    %mul3A_3 = arith.muli %iota3A, %mul3A_2 : vector<16xi32>
    %broadcast_in_dim3A = arith.constant 1 : i32
    %broadcast_in_dim3A_4 = vector.broadcast %broadcast_in_dim3A : i32 to vector<16xi32>
    %parallel_loop3A = arith.constant 0 : i32
    %parallel_loop3A_5 = arith.constant 256 : i32
    %parallel_loop3A_6 = arith.constant 1 : i32
    scf.for %parallel_loop3A_15 = %parallel_loop3A to %parallel_loop3A_5 step %parallel_loop3A_6  : i32 {
      %parallel_loop3A_16 = arith.constant 0 : i32
      %parallel_loop3A_17 = vector.broadcast %parallel_loop3A_16 : i32 to vector<16xi32>
      %parallel_loop3A_18 = arith.constant 16 : i32
      %parallel_loop3A_19 = arith.muli %parallel_loop3A_15, %parallel_loop3A_18 : i32
      %parallel_loop3A_20 = arith.index_cast %parallel_loop3A_19 : i32 to index
      %parallel_loop3A_21 = tpu.vector_load %arg7[%parallel_loop3A_20] {strides = array<i32>} : memref<4096xi32, #tpu.memory_space<vmem>>, vector<16xi32>,
      tpu.vector_store %arg7[%parallel_loop3A_20], %parallel_loop3A_17 {strides = array<i32>} : memref<4096xi32, #tpu.memory_space<vmem>>, vector<16xi32>,
    } {sc.loop_unroll_factor = 1 : i64, sc.parallel_access}
    %mul3A_7 = arith.constant 4 : i32
    %mul3A_8 = arith.muli %add3A, %mul3A_7 : i32
    %scan3A = arith.constant 0 : i32
    %scan3A_9 = arith.constant 0 : i32
    %scan3A_10 = arith.constant 4 : i32
    %scan3A_11 = arith.addi %scan3A_9, %scan3A_10 : i32
    %scan3A_12 = arith.constant 1 : i32
    %scan3A_13 = scf.for %scan3A_15 = %scan3A_9 to %scan3A_11 step %scan3A_12 iter_args(%scan3A_16 = %scan3A) -> (i32)  : i32 {
      %add3A_17 = arith.addi %mul3A_8, %scan3A_15 : i32
      "tpu.region"() ({
        %run_scoped3A = tpu.sem_alloc : memref<!tpu.dma_semaphore, #tpu.memory_space<semaphore_mem>>
        %dma_start3A = arith.constant 0 : i32
        %dma_start3A_604 = tpu.memref_slice %arg2[%add3A_17, %dma_start3A] : memref<128x32768xf32, #tpu.memory_space<hbm>> -> memref<1x32768xf32, #tpu.memory_space<hbm>>
        %dma_start3A_605 = tpu.memref_squeeze %dma_start3A_604 : memref<1x32768xf32, #tpu.memory_space<hbm>> -> memref<32768xf32, #tpu.memory_space<hbm>>
        %dma_start3A_606 = arith.constant 0 : i32
        %dma_start3A_607 = tpu.memref_slice %arg2[%add3A_17, %dma_start3A_606] : memref<128x32768xf32, #tpu.memory_space<hbm>> -> memref<1x32768xf32, #tpu.memory_space<hbm>>
        %dma_start3A_608 = tpu.memref_squeeze %dma_start3A_607 : memref<1x32768xf32, #tpu.memory_space<hbm>> -> memref<32768xf32, #tpu.memory_space<hbm>>
        tpu.enqueue_dma source(%dma_start3A_608 : memref<32768xf32, #tpu.memory_space<hbm>>) target(%arg4 : memref<32768xf32, #tpu.memory_space<vmem>>) target_semaphore(%run_scoped3A : memref<!tpu.dma_semaphore, #tpu.memory_space<semaphore_mem>>)
        %dma_wait3A = arith.constant 0 : i32
        %dma_wait3A_609 = tpu.memref_slice %arg2[%add3A_17, %dma_wait3A] : memref<128x32768xf32, #tpu.memory_space<hbm>> -> memref<1x32768xf32, #tpu.memory_space<hbm>>
        %dma_wait3A_610 = tpu.memref_squeeze %dma_wait3A_609 : memref<1x32768xf32, #tpu.memory_space<hbm>> -> memref<32768xf32, #tpu.memory_space<hbm>>
        %dma_wait3A_611 = arith.constant 0 : i32
        %dma_wait3A_612 = tpu.memref_slice %arg2[%add3A_17, %dma_wait3A_611] : memref<128x32768xf32, #tpu.memory_space<hbm>> -> memref<1x32768xf32, #tpu.memory_space<hbm>>
        %dma_wait3A_613 = tpu.memref_squeeze %dma_wait3A_612 : memref<1x32768xf32, #tpu.memory_space<hbm>> -> memref<32768xf32, #tpu.memory_space<hbm>>
        tpu.wait_dma2 semaphore(%run_scoped3A : memref<!tpu.dma_semaphore, #tpu.memory_space<semaphore_mem>>) src(%dma_wait3A_613 : memref<32768xf32, #tpu.memory_space<hbm>>) dst(%arg4 : memref<32768xf32, #tpu.memory_space<vmem>>)
        tpu.yield
      }) : () -> ()
      %parallel_loop3A_18 = arith.constant 0 : i32
      %parallel_loop3A_19 = arith.constant 2048 : i32
      %parallel_loop3A_20 = arith.constant 1 : i32
      scf.for %parallel_loop3A_604 = %parallel_loop3A_18 to %parallel_loop3A_19 step %parallel_loop3A_20  : i32 {
        %parallel_loop3A_605 = arith.constant 16 : i32
        %parallel_loop3A_606 = arith.muli %parallel_loop3A_604, %parallel_loop3A_605 : i32
        %parallel_loop3A_607 = arith.index_cast %parallel_loop3A_606 : i32 to index
        %parallel_loop3A_608 = tpu.vector_load %arg4[%parallel_loop3A_607] {strides = array<i32>} : memref<32768xf32, #tpu.memory_space<vmem>>, vector<16xf32>,
        %parallel_loop3A_609 = tpu.bitcast %parallel_loop3A_608 : vector<16xf32> -> vector<16xi32>
        %parallel_loop3A_610 = arith.constant 2147483647 : i32
        %parallel_loop3A_611 = vector.broadcast %parallel_loop3A_610 : i32 to vector<16xi32>
        %parallel_loop3A_612 = arith.andi %parallel_loop3A_609, %parallel_loop3A_611 : vector<16xi32>
        %parallel_loop3A_613 = arith.constant 23 : i32
        %parallel_loop3A_614 = vector.broadcast %parallel_loop3A_613 : i32 to vector<16xi32>
        %parallel_loop3A_615 = arith.shrui %parallel_loop3A_612, %parallel_loop3A_614 : vector<16xi32>
        %parallel_loop3A_616 = arith.addi %parallel_loop3A_615, %mul3A_3 : vector<16xi32>
        tpu.vector_store_idx %arg7[%parallel_loop3A_616], %broadcast_in_dim3A_4 {add = true} : memref<4096xi32, #tpu.memory_space<vmem>>[vector<16xi32>], vector<16xi32>,
      } {sc.loop_unroll_factor = 8 : i64, sc.parallel_access}
      %parallel_loop3A_21 = arith.constant 0 : i32
      %parallel_loop3A_22 = arith.constant 16 : i32
      %parallel_loop3A_23 = arith.constant 1 : i32
      scf.for %parallel_loop3A_604 = %parallel_loop3A_21 to %parallel_loop3A_22 step %parallel_loop3A_23  : i32 {
        %parallel_loop3A_605 = arith.constant 0 : i32
        %parallel_loop3A_606 = vector.broadcast %parallel_loop3A_605 : i32 to vector<16xi32>
        %parallel_loop3A_607 = arith.constant 0 : i32
        %parallel_loop3A_608 = vector.broadcast %parallel_loop3A_607 : i32 to vector<16xi32>
        %parallel_loop3A_609 = arith.constant 16 : i32
        %parallel_loop3A_610 = arith.muli %parallel_loop3A_604, %parallel_loop3A_609 : i32
        %parallel_loop3A_611 = arith.constant 0 : i32
        %parallel_loop3A_612 = arith.addi %parallel_loop3A_611, %parallel_loop3A_610 : i32
        %parallel_loop3A_613 = arith.index_cast %parallel_loop3A_612 : i32 to index
        %parallel_loop3A_614 = tpu.vector_load %arg7[%parallel_loop3A_613] {strides = array<i32>} : memref<4096xi32, #tpu.memory_space<vmem>>, vector<16xi32>,
        %parallel_loop3A_615 = arith.addi %parallel_loop3A_606, %parallel_loop3A_614 : vector<16xi32>
        %parallel_loop3A_616 = arith.constant 16 : i32
        %parallel_loop3A_617 = arith.muli %parallel_loop3A_604, %parallel_loop3A_616 : i32
        %parallel_loop3A_618 = arith.constant 0 : i32
        %parallel_loop3A_619 = arith.addi %parallel_loop3A_618, %parallel_loop3A_617 : i32
        %parallel_loop3A_620 = arith.index_cast %parallel_loop3A_619 : i32 to index
        %parallel_loop3A_621 = tpu.vector_load %arg7[%parallel_loop3A_620] {strides = array<i32>} : memref<4096xi32, #tpu.memory_space<vmem>>, vector<16xi32>,
        tpu.vector_store %arg7[%parallel_loop3A_620], %parallel_loop3A_608 {strides = array<i32>} : memref<4096xi32, #tpu.memory_space<vmem>>, vector<16xi32>,
        %parallel_loop3A_622 = arith.constant 16 : i32
        %parallel_loop3A_623 = arith.muli %parallel_loop3A_604, %parallel_loop3A_622 : i32
        %parallel_loop3A_624 = arith.constant 256 : i32
        %parallel_loop3A_625 = arith.addi %parallel_loop3A_624, %parallel_loop3A_623 : i32
        %parallel_loop3A_626 = arith.index_cast %parallel_loop3A_625 : i32 to index
        %parallel_loop3A_627 = tpu.vector_load %arg7[%parallel_loop3A_626] {strides = array<i32>} : memref<4096xi32, #tpu.memory_space<vmem>>, vector<16xi32>,
        %parallel_loop3A_628 = arith.addi %parallel_loop3A_615, %parallel_loop3A_627 : vector<16xi32>
        %parallel_loop3A_629 = arith.constant 16 : i32
        %parallel_loop3A_630 = arith.muli %parallel_loop3A_604, %parallel_loop3A_629 : i32
        %parallel_loop3A_631 = arith.constant 256 : i32
        %parallel_loop3A_632 = arith.addi %parallel_loop3A_631, %parallel_loop3A_630 : i32
        %parallel_loop3A_633 = arith.index_cast %parallel_loop3A_632 : i32 to index
        %parallel_loop3A_634 = tpu.vector_load %arg7[%parallel_loop3A_633] {strides = array<i32>} : memref<4096xi32, #tpu.memory_space<vmem>>, vector<16xi32>,
        tpu.vector_store %arg7[%parallel_loop3A_633], %parallel_loop3A_608 {strides = array<i32>} : memref<4096xi32, #tpu.memory_space<vmem>>, vector<16xi32>,
        %parallel_loop3A_635 = arith.constant 16 : i32
        %parallel_loop3A_636 = arith.muli %parallel_loop3A_604, %parallel_loop3A_635 : i32
        %parallel_loop3A_637 = arith.constant 512 : i32
        %parallel_loop3A_638 = arith.addi %parallel_loop3A_637, %parallel_loop3A_636 : i32
        %parallel_loop3A_639 = arith.index_cast %parallel_loop3A_638 : i32 to index
        %parallel_loop3A_640 = tpu.vector_load %arg7[%parallel_loop3A_639] {strides = array<i32>} : memref<4096xi32, #tpu.memory_space<vmem>>, vector<16xi32>,
        %parallel_loop3A_641 = arith.addi %parallel_loop3A_628, %parallel_loop3A_640 : vector<16xi32>
        %parallel_loop3A_642 = arith.constant 16 : i32
        %parallel_loop3A_643 = arith.muli %parallel_loop3A_604, %parallel_loop3A_642 : i32
        %parallel_loop3A_644 = arith.constant 512 : i32
        %parallel_loop3A_645 = arith.addi %parallel_loop3A_644, %parallel_loop3A_643 : i32
        %parallel_loop3A_646 = arith.index_cast %parallel_loop3A_645 : i32 to index
        %parallel_loop3A_647 = tpu.vector_load %arg7[%parallel_loop3A_646] {strides = array<i32>} : memref<4096xi32, #tpu.memory_space<vmem>>, vector<16xi32>,
        tpu.vector_store %arg7[%parallel_loop3A_646], %parallel_loop3A_608 {strides = array<i32>} : memref<4096xi32, #tpu.memory_space<vmem>>, vector<16xi32>,
        %parallel_loop3A_648 = arith.constant 16 : i32
        %parallel_loop3A_649 = arith.muli %parallel_loop3A_604, %parallel_loop3A_648 : i32
        %parallel_loop3A_650 = arith.constant 768 : i32
        %parallel_loop3A_651 = arith.addi %parallel_loop3A_650, %parallel_loop3A_649 : i32
        %parallel_loop3A_652 = arith.index_cast %parallel_loop3A_651 : i32 to index
        %parallel_loop3A_653 = tpu.vector_load %arg7[%parallel_loop3A_652] {strides = array<i32>} : memref<4096xi32, #tpu.memory_space<vmem>>, vector<16xi32>,
        %parallel_loop3A_654 = arith.addi %parallel_loop3A_641, %parallel_loop3A_653 : vector<16xi32>
        %parallel_loop3A_655 = arith.constant 16 : i32
        %parallel_loop3A_656 = arith.muli %parallel_loop3A_604, %parallel_loop3A_655 : i32
        %parallel_loop3A_657 = arith.constant 768 : i32
        %parallel_loop3A_658 = arith.addi %parallel_loop3A_657, %parallel_loop3A_656 : i32
        %parallel_loop3A_659 = arith.index_cast %parallel_loop3A_658 : i32 to index
        %parallel_loop3A_660 = tpu.vector_load %arg7[%parallel_loop3A_659] {strides = array<i32>} : memref<4096xi32, #tpu.memory_space<vmem>>, vector<16xi32>,
        tpu.vector_store %arg7[%parallel_loop3A_659], %parallel_loop3A_608 {strides = array<i32>} : memref<4096xi32, #tpu.memory_space<vmem>>, vector<16xi32>,
        %parallel_loop3A_661 = arith.constant 16 : i32
        %parallel_loop3A_662 = arith.muli %parallel_loop3A_604, %parallel_loop3A_661 : i32
        %parallel_loop3A_663 = arith.constant 1024 : i32
        %parallel_loop3A_664 = arith.addi %parallel_loop3A_663, %parallel_loop3A_662 : i32
        %parallel_loop3A_665 = arith.index_cast %parallel_loop3A_664 : i32 to index
        %parallel_loop3A_666 = tpu.vector_load %arg7[%parallel_loop3A_665] {strides = array<i32>} : memref<4096xi32, #tpu.memory_space<vmem>>, vector<16xi32>,
        %parallel_loop3A_667 = arith.addi %parallel_loop3A_654, %parallel_loop3A_666 : vector<16xi32>
        %parallel_loop3A_668 = arith.constant 16 : i32
        %parallel_loop3A_669 = arith.muli %parallel_loop3A_604, %parallel_loop3A_668 : i32
        %parallel_loop3A_670 = arith.constant 1024 : i32
        %parallel_loop3A_671 = arith.addi %parallel_loop3A_670, %parallel_loop3A_669 : i32
        %parallel_loop3A_672 = arith.index_cast %parallel_loop3A_671 : i32 to index
        %parallel_loop3A_673 = tpu.vector_load %arg7[%parallel_loop3A_672] {strides = array<i32>} : memref<4096xi32, #tpu.memory_space<vmem>>, vector<16xi32>,
        tpu.vector_store %arg7[%parallel_loop3A_672], %parallel_loop3A_608 {strides = array<i32>} : memref<4096xi32, #tpu.memory_space<vmem>>, vector<16xi32>,
        %parallel_loop3A_674 = arith.constant 16 : i32
        %parallel_loop3A_675 = arith.muli %parallel_loop3A_604, %parallel_loop3A_674 : i32
        %parallel_loop3A_676 = arith.constant 1280 : i32
        %parallel_loop3A_677 = arith.addi %parallel_loop3A_676, %parallel_loop3A_675 : i32
        %parallel_loop3A_678 = arith.index_cast %parallel_loop3A_677 : i32 to index
        %parallel_loop3A_679 = tpu.vector_load %arg7[%parallel_loop3A_678] {strides = array<i32>} : memref<4096xi32, #tpu.memory_space<vmem>>, vector<16xi32>,
        %parallel_loop3A_680 = arith.addi %parallel_loop3A_667, %parallel_loop3A_679 : vector<16xi32>
        %parallel_loop3A_681 = arith.constant 16 : i32
        %parallel_loop3A_682 = arith.muli %parallel_loop3A_604, %parallel_loop3A_681 : i32
        %parallel_loop3A_683 = arith.constant 1280 : i32
        %parallel_loop3A_684 = arith.addi %parallel_loop3A_683, %parallel_loop3A_682 : i32
        %parallel_loop3A_685 = arith.index_cast %parallel_loop3A_684 : i32 to index
        %parallel_loop3A_686 = tpu.vector_load %arg7[%parallel_loop3A_685] {strides = array<i32>} : memref<4096xi32, #tpu.memory_space<vmem>>, vector<16xi32>,
        tpu.vector_store %arg7[%parallel_loop3A_685], %parallel_loop3A_608 {strides = array<i32>} : memref<4096xi32, #tpu.memory_space<vmem>>, vector<16xi32>,
        %parallel_loop3A_687 = arith.constant 16 : i32
        %parallel_loop3A_688 = arith.muli %parallel_loop3A_604, %parallel_loop3A_687 : i32
        %parallel_loop3A_689 = arith.constant 1536 : i32
        %parallel_loop3A_690 = arith.addi %parallel_loop3A_689, %parallel_loop3A_688 : i32
        %parallel_loop3A_691 = arith.index_cast %parallel_loop3A_690 : i32 to index
        %parallel_loop3A_692 = tpu.vector_load %arg7[%parallel_loop3A_691] {strides = array<i32>} : memref<4096xi32, #tpu.memory_space<vmem>>, vector<16xi32>,
        %parallel_loop3A_693 = arith.addi %parallel_loop3A_680, %parallel_loop3A_692 : vector<16xi32>
        %parallel_loop3A_694 = arith.constant 16 : i32
        %parallel_loop3A_695 = arith.muli %parallel_loop3A_604, %parallel_loop3A_694 : i32
        %parallel_loop3A_696 = arith.constant 1536 : i32
        %parallel_loop3A_697 = arith.addi %parallel_loop3A_696, %parallel_loop3A_695 : i32
        %parallel_loop3A_698 = arith.index_cast %parallel_loop3A_697 : i32 to index
        %parallel_loop3A_699 = tpu.vector_load %arg7[%parallel_loop3A_698] {strides = array<i32>} : memref<4096xi32, #tpu.memory_space<vmem>>, vector<16xi32>,
        tpu.vector_store %arg7[%parallel_loop3A_698], %parallel_loop3A_608 {strides = array<i32>} : memref<4096xi32, #tpu.memory_space<vmem>>, vector<16xi32>,
        %parallel_loop3A_700 = arith.constant 16 : i32
        %parallel_loop3A_701 = arith.muli %parallel_loop3A_604, %parallel_loop3A_700 : i32
        %parallel_loop3A_702 = arith.constant 1792 : i32
        %parallel_loop3A_703 = arith.addi %parallel_loop3A_702, %parallel_loop3A_701 : i32
        %parallel_loop3A_704 = arith.index_cast %parallel_loop3A_703 : i32 to index
        %parallel_loop3A_705 = tpu.vector_load %arg7[%parallel_loop3A_704] {strides = array<i32>} : memref<4096xi32, #tpu.memory_space<vmem>>, vector<16xi32>,
        %parallel_loop3A_706 = arith.addi %parallel_loop3A_693, %parallel_loop3A_705 : vector<16xi32>
        %parallel_loop3A_707 = arith.constant 16 : i32
        %parallel_loop3A_708 = arith.muli %parallel_loop3A_604, %parallel_loop3A_707 : i32
        %parallel_loop3A_709 = arith.constant 1792 : i32
        %parallel_loop3A_710 = arith.addi %parallel_loop3A_709, %parallel_loop3A_708 : i32
        %parallel_loop3A_711 = arith.index_cast %parallel_loop3A_710 : i32 to index
        %parallel_loop3A_712 = tpu.vector_load %arg7[%parallel_loop3A_711] {strides = array<i32>} : memref<4096xi32, #tpu.memory_space<vmem>>, vector<16xi32>,
        tpu.vector_store %arg7[%parallel_loop3A_711], %parallel_loop3A_608 {strides = array<i32>} : memref<4096xi32, #tpu.memory_space<vmem>>, vector<16xi32>,
        %parallel_loop3A_713 = arith.constant 16 : i32
        %parallel_loop3A_714 = arith.muli %parallel_loop3A_604, %parallel_loop3A_713 : i32
        %parallel_loop3A_715 = arith.constant 2048 : i32
        %parallel_loop3A_716 = arith.addi %parallel_loop3A_715, %parallel_loop3A_714 : i32
        %parallel_loop3A_717 = arith.index_cast %parallel_loop3A_716 : i32 to index
        %parallel_loop3A_718 = tpu.vector_load %arg7[%parallel_loop3A_717] {strides = array<i32>} : memref<4096xi32, #tpu.memory_space<vmem>>, vector<16xi32>,
        %parallel_loop3A_719 = arith.addi %parallel_loop3A_706, %parallel_loop3A_718 : vector<16xi32>
        %parallel_loop3A_720 = arith.constant 16 : i32
        %parallel_loop3A_721 = arith.muli %parallel_loop3A_604, %parallel_loop3A_720 : i32
        %parallel_loop3A_722 = arith.constant 2048 : i32
        %parallel_loop3A_723 = arith.addi %parallel_loop3A_722, %parallel_loop3A_721 : i32
        %parallel_loop3A_724 = arith.index_cast %parallel_loop3A_723 : i32 to index
        %parallel_loop3A_725 = tpu.vector_load %arg7[%parallel_loop3A_724] {strides = array<i32>} : memref<4096xi32, #tpu.memory_space<vmem>>, vector<16xi32>,
        tpu.vector_store %arg7[%parallel_loop3A_724], %parallel_loop3A_608 {strides = array<i32>} : memref<4096xi32, #tpu.memory_space<vmem>>, vector<16xi32>,
        %parallel_loop3A_726 = arith.constant 16 : i32
        %parallel_loop3A_727 = arith.muli %parallel_loop3A_604, %parallel_loop3A_726 : i32
        %parallel_loop3A_728 = arith.constant 2304 : i32
        %parallel_loop3A_729 = arith.addi %parallel_loop3A_728, %parallel_loop3A_727 : i32
        %parallel_loop3A_730 = arith.index_cast %parallel_loop3A_729 : i32 to index
        %parallel_loop3A_731 = tpu.vector_load %arg7[%parallel_loop3A_730] {strides = array<i32>} : memref<4096xi32, #tpu.memory_space<vmem>>, vector<16xi32>,
        %parallel_loop3A_732 = arith.addi %parallel_loop3A_719, %parallel_loop3A_731 : vector<16xi32>
        %parallel_loop3A_733 = arith.constant 16 : i32
        %parallel_loop3A_734 = arith.muli %parallel_loop3A_604, %parallel_loop3A_733 : i32
        %parallel_loop3A_735 = arith.constant 2304 : i32
        %parallel_loop3A_736 = arith.addi %parallel_loop3A_735, %parallel_loop3A_734 : i32
        %parallel_loop3A_737 = arith.index_cast %parallel_loop3A_736 : i32 to index
        %parallel_loop3A_738 = tpu.vector_load %arg7[%parallel_loop3A_737] {strides = array<i32>} : memref<4096xi32, #tpu.memory_space<vmem>>, vector<16xi32>,
        tpu.vector_store %arg7[%parallel_loop3A_737], %parallel_loop3A_608 {strides = array<i32>} : memref<4096xi32, #tpu.memory_space<vmem>>, vector<16xi32>,
        %parallel_loop3A_739 = arith.constant 16 : i32
        %parallel_loop3A_740 = arith.muli %parallel_loop3A_604, %parallel_loop3A_739 : i32
        %parallel_loop3A_741 = arith.constant 2560 : i32
        %parallel_loop3A_742 = arith.addi %parallel_loop3A_741, %parallel_loop3A_740 : i32
        %parallel_loop3A_743 = arith.index_cast %parallel_loop3A_742 : i32 to index
        %parallel_loop3A_744 = tpu.vector_load %arg7[%parallel_loop3A_743] {strides = array<i32>} : memref<4096xi32, #tpu.memory_space<vmem>>, vector<16xi32>,
        %parallel_loop3A_745 = arith.addi %parallel_loop3A_732, %parallel_loop3A_744 : vector<16xi32>
        %parallel_loop3A_746 = arith.constant 16 : i32
        %parallel_loop3A_747 = arith.muli %parallel_loop3A_604, %parallel_loop3A_746 : i32
        %parallel_loop3A_748 = arith.constant 2560 : i32
        %parallel_loop3A_749 = arith.addi %parallel_loop3A_748, %parallel_loop3A_747 : i32
        %parallel_loop3A_750 = arith.index_cast %parallel_loop3A_749 : i32 to index
        %parallel_loop3A_751 = tpu.vector_load %arg7[%parallel_loop3A_750] {strides = array<i32>} : memref<4096xi32, #tpu.memory_space<vmem>>, vector<16xi32>,
        tpu.vector_store %arg7[%parallel_loop3A_750], %parallel_loop3A_608 {strides = array<i32>} : memref<4096xi32, #tpu.memory_space<vmem>>, vector<16xi32>,
        %parallel_loop3A_752 = arith.constant 16 : i32
        %parallel_loop3A_753 = arith.muli %parallel_loop3A_604, %parallel_loop3A_752 : i32
        %parallel_loop3A_754 = arith.constant 2816 : i32
        %parallel_loop3A_755 = arith.addi %parallel_loop3A_754, %parallel_loop3A_753 : i32
        %parallel_loop3A_756 = arith.index_cast %parallel_loop3A_755 : i32 to index
        %parallel_loop3A_757 = tpu.vector_load %arg7[%parallel_loop3A_756] {strides = array<i32>} : memref<4096xi32, #tpu.memory_space<vmem>>, vector<16xi32>,
        %parallel_loop3A_758 = arith.addi %parallel_loop3A_745, %parallel_loop3A_757 : vector<16xi32>
        %parallel_loop3A_759 = arith.constant 16 : i32
        %parallel_loop3A_760 = arith.muli %parallel_loop3A_604, %parallel_loop3A_759 : i32
        %parallel_loop3A_761 = arith.constant 2816 : i32
        %parallel_loop3A_762 = arith.addi %parallel_loop3A_761, %parallel_loop3A_760 : i32
        %parallel_loop3A_763 = arith.index_cast %parallel_loop3A_762 : i32 to index
        %parallel_loop3A_764 = tpu.vector_load %arg7[%parallel_loop3A_763] {strides = array<i32>} : memref<4096xi32, #tpu.memory_space<vmem>>, vector<16xi32>,
        tpu.vector_store %arg7[%parallel_loop3A_763], %parallel_loop3A_608 {strides = array<i32>} : memref<4096xi32, #tpu.memory_space<vmem>>, vector<16xi32>,
        %parallel_loop3A_765 = arith.constant 16 : i32
        %parallel_loop3A_766 = arith.muli %parallel_loop3A_604, %parallel_loop3A_765 : i32
        %parallel_loop3A_767 = arith.constant 3072 : i32
        %parallel_loop3A_768 = arith.addi %parallel_loop3A_767, %parallel_loop3A_766 : i32
        %parallel_loop3A_769 = arith.index_cast %parallel_loop3A_768 : i32 to index
        %parallel_loop3A_770 = tpu.vector_load %arg7[%parallel_loop3A_769] {strides = array<i32>} : memref<4096xi32, #tpu.memory_space<vmem>>, vector<16xi32>,
        %parallel_loop3A_771 = arith.addi %parallel_loop3A_758, %parallel_loop3A_770 : vector<16xi32>
        %parallel_loop3A_772 = arith.constant 16 : i32
        %parallel_loop3A_773 = arith.muli %parallel_loop3A_604, %parallel_loop3A_772 : i32
        %parallel_loop3A_774 = arith.constant 3072 : i32
        %parallel_loop3A_775 = arith.addi %parallel_loop3A_774, %parallel_loop3A_773 : i32
        %parallel_loop3A_776 = arith.index_cast %parallel_loop3A_775 : i32 to index
        %parallel_loop3A_777 = tpu.vector_load %arg7[%parallel_loop3A_776] {strides = array<i32>} : memref<4096xi32, #tpu.memory_space<vmem>>, vector<16xi32>,
        tpu.vector_store %arg7[%parallel_loop3A_776], %parallel_loop3A_608 {strides = array<i32>} : memref<4096xi32, #tpu.memory_space<vmem>>, vector<16xi32>,
        %parallel_loop3A_778 = arith.constant 16 : i32
        %parallel_loop3A_779 = arith.muli %parallel_loop3A_604, %parallel_loop3A_778 : i32
        %parallel_loop3A_780 = arith.constant 3328 : i32
        %parallel_loop3A_781 = arith.addi %parallel_loop3A_780, %parallel_loop3A_779 : i32
        %parallel_loop3A_782 = arith.index_cast %parallel_loop3A_781 : i32 to index
        %parallel_loop3A_783 = tpu.vector_load %arg7[%parallel_loop3A_782] {strides = array<i32>} : memref<4096xi32, #tpu.memory_space<vmem>>, vector<16xi32>,
        %parallel_loop3A_784 = arith.addi %parallel_loop3A_771, %parallel_loop3A_783 : vector<16xi32>
        %parallel_loop3A_785 = arith.constant 16 : i32
        %parallel_loop3A_786 = arith.muli %parallel_loop3A_604, %parallel_loop3A_785 : i32
        %parallel_loop3A_787 = arith.constant 3328 : i32
        %parallel_loop3A_788 = arith.addi %parallel_loop3A_787, %parallel_loop3A_786 : i32
        %parallel_loop3A_789 = arith.index_cast %parallel_loop3A_788 : i32 to index
        %parallel_loop3A_790 = tpu.vector_load %arg7[%parallel_loop3A_789] {strides = array<i32>} : memref<4096xi32, #tpu.memory_space<vmem>>, vector<16xi32>,
        tpu.vector_store %arg7[%parallel_loop3A_789], %parallel_loop3A_608 {strides = array<i32>} : memref<4096xi32, #tpu.memory_space<vmem>>, vector<16xi32>,
        %parallel_loop3A_791 = arith.constant 16 : i32
        %parallel_loop3A_792 = arith.muli %parallel_loop3A_604, %parallel_loop3A_791 : i32
        %parallel_loop3A_793 = arith.constant 3584 : i32
        %parallel_loop3A_794 = arith.addi %parallel_loop3A_793, %parallel_loop3A_792 : i32
        %parallel_loop3A_795 = arith.index_cast %parallel_loop3A_794 : i32 to index
        %parallel_loop3A_796 = tpu.vector_load %arg7[%parallel_loop3A_795] {strides = array<i32>} : memref<4096xi32, #tpu.memory_space<vmem>>, vector<16xi32>,
        %parallel_loop3A_797 = arith.addi %parallel_loop3A_784, %parallel_loop3A_796 : vector<16xi32>
        %parallel_loop3A_798 = arith.constant 16 : i32
        %parallel_loop3A_799 = arith.muli %parallel_loop3A_604, %parallel_loop3A_798 : i32
        %parallel_loop3A_800 = arith.constant 3584 : i32
        %parallel_loop3A_801 = arith.addi %parallel_loop3A_800, %parallel_loop3A_799 : i32
        %parallel_loop3A_802 = arith.index_cast %parallel_loop3A_801 : i32 to index
        %parallel_loop3A_803 = tpu.vector_load %arg7[%parallel_loop3A_802] {strides = array<i32>} : memref<4096xi32, #tpu.memory_space<vmem>>, vector<16xi32>,
        tpu.vector_store %arg7[%parallel_loop3A_802], %parallel_loop3A_608 {strides = array<i32>} : memref<4096xi32, #tpu.memory_space<vmem>>, vector<16xi32>,
        %parallel_loop3A_804 = arith.constant 16 : i32
        %parallel_loop3A_805 = arith.muli %parallel_loop3A_604, %parallel_loop3A_804 : i32
        %parallel_loop3A_806 = arith.constant 3840 : i32
        %parallel_loop3A_807 = arith.addi %parallel_loop3A_806, %parallel_loop3A_805 : i32
        %parallel_loop3A_808 = arith.index_cast %parallel_loop3A_807 : i32 to index
        %parallel_loop3A_809 = tpu.vector_load %arg7[%parallel_loop3A_808] {strides = array<i32>} : memref<4096xi32, #tpu.memory_space<vmem>>, vector<16xi32>,
        %parallel_loop3A_810 = arith.addi %parallel_loop3A_797, %parallel_loop3A_809 : vector<16xi32>
        %parallel_loop3A_811 = arith.constant 16 : i32
        %parallel_loop3A_812 = arith.muli %parallel_loop3A_604, %parallel_loop3A_811 : i32
        %parallel_loop3A_813 = arith.constant 3840 : i32
        %parallel_loop3A_814 = arith.addi %parallel_loop3A_813, %parallel_loop3A_812 : i32
        %parallel_loop3A_815 = arith.index_cast %parallel_loop3A_814 : i32 to index
        %parallel_loop3A_816 = tpu.vector_load %arg7[%parallel_loop3A_815] {strides = array<i32>} : memref<4096xi32, #tpu.memory_space<vmem>>, vector<16xi32>,
        tpu.vector_store %arg7[%parallel_loop3A_815], %parallel_loop3A_608 {strides = array<i32>} : memref<4096xi32, #tpu.memory_space<vmem>>, vector<16xi32>,
        %parallel_loop3A_817 = arith.constant 16 : i32
        %parallel_loop3A_818 = vector.broadcast %parallel_loop3A_817 : i32 to vector<16xi32>
        %parallel_loop3A_819 = arith.muli %iota3A, %parallel_loop3A_818 : vector<16xi32>
        %parallel_loop3A_820 = vector.broadcast %parallel_loop3A_604 : i32 to vector<16xi32>
        %parallel_loop3A_821 = arith.addi %parallel_loop3A_819, %parallel_loop3A_820 : vector<16xi32>
        tpu.vector_store_idx %arg8[%parallel_loop3A_821], %parallel_loop3A_810 : memref<256xi32, #tpu.memory_space<vmem>>[vector<16xi32>], vector<16xi32>,
      } {sc.loop_unroll_factor = 1 : i64, sc.parallel_access}
      %broadcast_in_dim3A_24 = arith.constant 0 : i32
      %broadcast_in_dim3A_25 = vector.broadcast %broadcast_in_dim3A_24 : i32 to vector<16xi32>
      %get3A = arith.constant 0 : index
      %get3A_26 = tpu.vector_load %arg8[%get3A] {strides = array<i32>} : memref<256xi32, #tpu.memory_space<vmem>>, vector<16xi32>,
      %add3A_27 = arith.addi %broadcast_in_dim3A_25, %get3A_26 : vector<16xi32>
      %get3A_28 = arith.constant 16 : index
      %get3A_29 = tpu.vector_load %arg8[%get3A_28] {strides = array<i32>} : memref<256xi32, #tpu.memory_space<vmem>>, vector<16xi32>,
      %add3A_30 = arith.addi %add3A_27, %get3A_29 : vector<16xi32>
      %get3A_31 = arith.constant 32 : index
      %get3A_32 = tpu.vector_load %arg8[%get3A_31] {strides = array<i32>} : memref<256xi32, #tpu.memory_space<vmem>>, vector<16xi32>,
      %add3A_33 = arith.addi %add3A_30, %get3A_32 : vector<16xi32>
      %get3A_34 = arith.constant 48 : index
      %get3A_35 = tpu.vector_load %arg8[%get3A_34] {strides = array<i32>} : memref<256xi32, #tpu.memory_space<vmem>>, vector<16xi32>,
      %add3A_36 = arith.addi %add3A_33, %get3A_35 : vector<16xi32>
      %get3A_37 = arith.constant 64 : index
      %get3A_38 = tpu.vector_load %arg8[%get3A_37] {strides = array<i32>} : memref<256xi32, #tpu.memory_space<vmem>>, vector<16xi32>,
      %add3A_39 = arith.addi %add3A_36, %get3A_38 : vector<16xi32>
      %get3A_40 = arith.constant 80 : index
      %get3A_41 = tpu.vector_load %arg8[%get3A_40] {strides = array<i32>} : memref<256xi32, #tpu.memory_space<vmem>>, vector<16xi32>,
      %add3A_42 = arith.addi %add3A_39, %get3A_41 : vector<16xi32>
      %get3A_43 = arith.constant 96 : index
      %get3A_44 = tpu.vector_load %arg8[%get3A_43] {strides = array<i32>} : memref<256xi32, #tpu.memory_space<vmem>>, vector<16xi32>,
      %add3A_45 = arith.addi %add3A_42, %get3A_44 : vector<16xi32>
      %get3A_46 = arith.constant 112 : index
      %get3A_47 = tpu.vector_load %arg8[%get3A_46] {strides = array<i32>} : memref<256xi32, #tpu.memory_space<vmem>>, vector<16xi32>,
      %add3A_48 = arith.addi %add3A_45, %get3A_47 : vector<16xi32>
      %get3A_49 = arith.constant 128 : index
      %get3A_50 = tpu.vector_load %arg8[%get3A_49] {strides = array<i32>} : memref<256xi32, #tpu.memory_space<vmem>>, vector<16xi32>,
      %add3A_51 = arith.addi %add3A_48, %get3A_50 : vector<16xi32>
      %get3A_52 = arith.constant 144 : index
      %get3A_53 = tpu.vector_load %arg8[%get3A_52] {strides = array<i32>} : memref<256xi32, #tpu.memory_space<vmem>>, vector<16xi32>,
      %add3A_54 = arith.addi %add3A_51, %get3A_53 : vector<16xi32>
      %get3A_55 = arith.constant 160 : index
      %get3A_56 = tpu.vector_load %arg8[%get3A_55] {strides = array<i32>} : memref<256xi32, #tpu.memory_space<vmem>>, vector<16xi32>,
      %add3A_57 = arith.addi %add3A_54, %get3A_56 : vector<16xi32>
      %get3A_58 = arith.constant 176 : index
      %get3A_59 = tpu.vector_load %arg8[%get3A_58] {strides = array<i32>} : memref<256xi32, #tpu.memory_space<vmem>>, vector<16xi32>,
      %add3A_60 = arith.addi %add3A_57, %get3A_59 : vector<16xi32>
      %get3A_61 = arith.constant 192 : index
      %get3A_62 = tpu.vector_load %arg8[%get3A_61] {strides = array<i32>} : memref<256xi32, #tpu.memory_space<vmem>>, vector<16xi32>,
      %add3A_63 = arith.addi %add3A_60, %get3A_62 : vector<16xi32>
      %get3A_64 = arith.constant 208 : index
      %get3A_65 = tpu.vector_load %arg8[%get3A_64] {strides = array<i32>} : memref<256xi32, #tpu.memory_space<vmem>>, vector<16xi32>,
      %add3A_66 = arith.addi %add3A_63, %get3A_65 : vector<16xi32>
      %get3A_67 = arith.constant 224 : index
      %get3A_68 = tpu.vector_load %arg8[%get3A_67] {strides = array<i32>} : memref<256xi32, #tpu.memory_space<vmem>>, vector<16xi32>,
      %add3A_69 = arith.addi %add3A_66, %get3A_68 : vector<16xi32>
      %get3A_70 = arith.constant 240 : index
      %get3A_71 = tpu.vector_load %arg8[%get3A_70] {strides = array<i32>} : memref<256xi32, #tpu.memory_space<vmem>>, vector<16xi32>,
      %add3A_72 = arith.addi %add3A_69, %get3A_71 : vector<16xi32>
      %broadcast_in_dim3A_73 = arith.constant true
      %broadcast_in_dim3A_74 = vector.broadcast %broadcast_in_dim3A_73 : i1 to vector<16xi1>
      %masked_cumsum3A = tpu.scan <sum>, %add3A_72 masked %broadcast_in_dim3A_74 : vector<16xi32>, vector<16xi1> -> vector<16xi32>
      %reduce_max3A = arith.constant true
      %reduce_max3A_75 = vector.broadcast %reduce_max3A : i1 to vector<16xi1>
      %reduce_max3A_76 = arith.constant -2147483648 : i32
      %reduce_max3A_77 = vector.broadcast %reduce_max3A_76 : i32 to vector<16xi32>
      %reduce_max3A_78 = arith.xori %masked_cumsum3A, %reduce_max3A_77 : vector<16xi32>
      %reduce_max3A_79 = tpu.scan <max>, %reduce_max3A_78 masked %reduce_max3A_75 : vector<16xi32>, vector<16xi1> -> vector<16xi32>
      %reduce_max3A_80 = arith.xori %reduce_max3A_79, %reduce_max3A_77 : vector<16xi32>
      %reduce_max3A_81 = vector.extract %reduce_max3A_80[15] : i32 from vector<16xi32>
      %sub3A = arith.constant 16384 : i32
      %sub3A_82 = arith.subi %reduce_max3A_81, %sub3A : i32
      %add3A_83 = arith.constant 1 : i32
      %add3A_84 = arith.addi %sub3A_82, %add3A_83 : i32
      %ge3A = vector.broadcast %add3A_84 : i32 to vector<16xi32>
      %ge3A_85 = arith.cmpi sge, %masked_cumsum3A, %ge3A : vector<16xi32>
      %jit3A = arith.constant 2147483647 : i32
      %broadcast_in_dim3A_86 = vector.broadcast %jit3A : i32 to vector<16xi32>
      %select_n3A = arith.select %ge3A_85, %iota3A, %broadcast_in_dim3A_86 : vector<16xi1>, vector<16xi32>
      %reduce_min3A = arith.constant true
      %reduce_min3A_87 = vector.broadcast %reduce_min3A : i1 to vector<16xi1>
      %reduce_min3A_88 = arith.constant -2147483648 : i32
      %reduce_min3A_89 = vector.broadcast %reduce_min3A_88 : i32 to vector<16xi32>
      %reduce_min3A_90 = arith.xori %select_n3A, %reduce_min3A_89 : vector<16xi32>
      %reduce_min3A_91 = tpu.scan <min>, %reduce_min3A_90 masked %reduce_min3A_87 : vector<16xi32>, vector<16xi1> -> vector<16xi32>
      %reduce_min3A_92 = arith.xori %reduce_min3A_91, %reduce_min3A_89 : vector<16xi32>
      %reduce_min3A_93 = vector.extract %reduce_min3A_92[15] : i32 from vector<16xi32>
      %eq3A = vector.broadcast %reduce_min3A_93 : i32 to vector<16xi32>
      %eq3A_94 = arith.cmpi eq, %iota3A, %eq3A : vector<16xi32>
      %sub3A_95 = arith.subi %masked_cumsum3A, %add3A_72 : vector<16xi32>
      %jit3A_96 = arith.constant 2147483647 : i32
      %broadcast_in_dim3A_97 = vector.broadcast %jit3A_96 : i32 to vector<16xi32>
      %select_n3A_98 = arith.select %eq3A_94, %sub3A_95, %broadcast_in_dim3A_97 : vector<16xi1>, vector<16xi32>
      %reduce_min3A_99 = arith.constant true
      %reduce_min3A_100 = vector.broadcast %reduce_min3A_99 : i1 to vector<16xi1>
      %reduce_min3A_101 = arith.constant -2147483648 : i32
      %reduce_min3A_102 = vector.broadcast %reduce_min3A_101 : i32 to vector<16xi32>
      %reduce_min3A_103 = arith.xori %select_n3A_98, %reduce_min3A_102 : vector<16xi32>
      %reduce_min3A_104 = tpu.scan <min>, %reduce_min3A_103 masked %reduce_min3A_100 : vector<16xi32>, vector<16xi1> -> vector<16xi32>
      %reduce_min3A_105 = arith.xori %reduce_min3A_104, %reduce_min3A_102 : vector<16xi32>
      %reduce_min3A_106 = vector.extract %reduce_min3A_105[15] : i32 from vector<16xi32>
      %mul3A_107 = arith.constant 16 : i32
      %mul3A_108 = vector.broadcast %mul3A_107 : i32 to vector<16xi32>
      %mul3A_109 = arith.muli %iota3A, %mul3A_108 : vector<16xi32>
      %add3A_110 = vector.broadcast %reduce_min3A_93 : i32 to vector<16xi32>
      %add3A_111 = arith.addi %mul3A_109, %add3A_110 : vector<16xi32>
      %gather3A = tpu.vector_load_idx %arg8[%add3A_111] : memref<256xi32, #tpu.memory_space<vmem>>[vector<16xi32>], vector<16xi32>,
      %broadcast_in_dim3A_112 = arith.constant true
      %broadcast_in_dim3A_113 = vector.broadcast %broadcast_in_dim3A_112 : i1 to vector<16xi1>
      %masked_cumsum3A_114 = tpu.scan <sum>, %gather3A masked %broadcast_in_dim3A_113 : vector<16xi32>, vector<16xi1> -> vector<16xi32>
      %add3A_115 = vector.broadcast %reduce_min3A_106 : i32 to vector<16xi32>
      %add3A_116 = arith.addi %masked_cumsum3A_114, %add3A_115 : vector<16xi32>
      %ge3A_117 = vector.broadcast %add3A_84 : i32 to vector<16xi32>
      %ge3A_118 = arith.cmpi sge, %add3A_116, %ge3A_117 : vector<16xi32>
      %mul3A_119 = arith.constant 16 : i32
      %mul3A_120 = arith.muli %reduce_min3A_93, %mul3A_119 : i32
      %jit3A_121 = arith.constant 2147483647 : i32
      %broadcast_in_dim3A_122 = vector.broadcast %jit3A_121 : i32 to vector<16xi32>
      %select_n3A_123 = arith.select %ge3A_118, %iota3A, %broadcast_in_dim3A_122 : vector<16xi1>, vector<16xi32>
      %reduce_min3A_124 = arith.constant true
      %reduce_min3A_125 = vector.broadcast %reduce_min3A_124 : i1 to vector<16xi1>
      %reduce_min3A_126 = arith.constant -2147483648 : i32
      %reduce_min3A_127 = vector.broadcast %reduce_min3A_126 : i32 to vector<16xi32>
      %reduce_min3A_128 = arith.xori %select_n3A_123, %reduce_min3A_127 : vector<16xi32>
      %reduce_min3A_129 = tpu.scan <min>, %reduce_min3A_128 masked %reduce_min3A_125 : vector<16xi32>, vector<16xi1> -> vector<16xi32>
      %reduce_min3A_130 = arith.xori %reduce_min3A_129, %reduce_min3A_127 : vector<16xi32>
      %reduce_min3A_131 = vector.extract %reduce_min3A_130[15] : i32 from vector<16xi32>
      %add3A_132 = arith.addi %mul3A_120, %reduce_min3A_131 : i32
      %jit3A_133 = arith.constant 2147483647 : i32
      %broadcast_in_dim3A_134 = vector.broadcast %jit3A_133 : i32 to vector<16xi32>
      %select_n3A_135 = arith.select %ge3A_118, %add3A_116, %broadcast_in_dim3A_134 : vector<16xi1>, vector<16xi32>
      %reduce_min3A_136 = arith.constant true
      %reduce_min3A_137 = vector.broadcast %reduce_min3A_136 : i1 to vector<16xi1>
      %reduce_min3A_138 = arith.constant -2147483648 : i32
      %reduce_min3A_139 = vector.broadcast %reduce_min3A_138 : i32 to vector<16xi32>
      %reduce_min3A_140 = arith.xori %select_n3A_135, %reduce_min3A_139 : vector<16xi32>
      %reduce_min3A_141 = tpu.scan <min>, %reduce_min3A_140 masked %reduce_min3A_137 : vector<16xi32>, vector<16xi1> -> vector<16xi32>
      %reduce_min3A_142 = arith.xori %reduce_min3A_141, %reduce_min3A_139 : vector<16xi32>
      %reduce_min3A_143 = vector.extract %reduce_min3A_142[15] : i32 from vector<16xi32>
      %sub3A_144 = arith.subi %reduce_max3A_81, %reduce_min3A_143 : i32
      %sub3A_145 = arith.constant 16384 : i32
      %sub3A_146 = arith.subi %sub3A_145, %sub3A_144 : i32
      %broadcast_in_dim3A_147 = arith.constant 0 : i32
      %broadcast_in_dim3A_148 = vector.broadcast %broadcast_in_dim3A_147 : i32 to vector<16xi32>
      %parallel_loop3A_149 = arith.constant 0 : i32
      %parallel_loop3A_150 = arith.constant 2048 : i32
      %parallel_loop3A_151 = arith.constant 1 : i32
      %parallel_loop3A_152 = scf.for %parallel_loop3A_604 = %parallel_loop3A_149 to %parallel_loop3A_150 step %parallel_loop3A_151 iter_args(%parallel_loop3A_605 = %broadcast_in_dim3A_148) -> (vector<16xi32>)  : i32 {
        %parallel_loop3A_606 = arith.constant 16 : i32
        %parallel_loop3A_607 = arith.muli %parallel_loop3A_604, %parallel_loop3A_606 : i32
        %parallel_loop3A_608 = arith.index_cast %parallel_loop3A_607 : i32 to index
        %parallel_loop3A_609 = tpu.vector_load %arg4[%parallel_loop3A_608] {strides = array<i32>} : memref<32768xf32, #tpu.memory_space<vmem>>, vector<16xf32>,
        %parallel_loop3A_610 = tpu.bitcast %parallel_loop3A_609 : vector<16xf32> -> vector<16xi32>
        %parallel_loop3A_611 = arith.constant 2147483647 : i32
        %parallel_loop3A_612 = vector.broadcast %parallel_loop3A_611 : i32 to vector<16xi32>
        %parallel_loop3A_613 = arith.andi %parallel_loop3A_610, %parallel_loop3A_612 : vector<16xi32>
        %parallel_loop3A_614 = arith.constant 23 : i32
        %parallel_loop3A_615 = vector.broadcast %parallel_loop3A_614 : i32 to vector<16xi32>
        %parallel_loop3A_616 = arith.shrui %parallel_loop3A_613, %parallel_loop3A_615 : vector<16xi32>
        %parallel_loop3A_617 = vector.broadcast %add3A_132 : i32 to vector<16xi32>
        %parallel_loop3A_618 = arith.cmpi eq, %parallel_loop3A_616, %parallel_loop3A_617 : vector<16xi32>
        %parallel_loop3A_619 = arith.constant 1 : i32
        %parallel_loop3A_620 = arith.constant 0 : i32
        %parallel_loop3A_621 = vector.broadcast %parallel_loop3A_619 : i32 to vector<16xi32>
        %parallel_loop3A_622 = vector.broadcast %parallel_loop3A_620 : i32 to vector<16xi32>
        %parallel_loop3A_623 = arith.select %parallel_loop3A_618, %parallel_loop3A_621, %parallel_loop3A_622 : vector<16xi1>, vector<16xi32>
        %parallel_loop3A_624 = arith.constant true
        %parallel_loop3A_625 = vector.broadcast %parallel_loop3A_624 : i1 to vector<16xi1>
        %parallel_loop3A_626 = tpu.scan <sum>, %parallel_loop3A_623 masked %parallel_loop3A_625 : vector<16xi32>, vector<16xi1> -> vector<16xi32>
        %parallel_loop3A_627 = arith.addi %parallel_loop3A_605, %parallel_loop3A_626 : vector<16xi32>
        %parallel_loop3A_628 = arith.constant 1 : i32
        %parallel_loop3A_629 = vector.broadcast %parallel_loop3A_628 : i32 to vector<16xi32>
        %parallel_loop3A_630 = arith.subi %parallel_loop3A_627, %parallel_loop3A_629 : vector<16xi32>
        tpu.vector_store_idx %arg6[%parallel_loop3A_630], %parallel_loop3A_613 masked %parallel_loop3A_618 : memref<32768xi32, #tpu.memory_space<vmem>>[vector<16xi32>], vector<16xi32>, vector<16xi1>
        %parallel_loop3A_631 = tpu.all_reduce %parallel_loop3A_618 {dim = 0 : i64, kind = #tpu.reduction_kind<sum>} : vector<16xi1> -> vector<16xi32>
        %parallel_loop3A_632 = arith.addi %parallel_loop3A_605, %parallel_loop3A_631 : vector<16xi32>
        scf.yield %parallel_loop3A_632 : vector<16xi32>
      } {sc.loop_unroll_factor = 8 : i64, sc.parallel_access}
      %reduce_max3A_153 = arith.constant true
      %reduce_max3A_154 = vector.broadcast %reduce_max3A_153 : i1 to vector<16xi1>
      %reduce_max3A_155 = arith.constant -2147483648 : i32
      %reduce_max3A_156 = vector.broadcast %reduce_max3A_155 : i32 to vector<16xi32>
      %reduce_max3A_157 = arith.xori %parallel_loop3A_152, %reduce_max3A_156 : vector<16xi32>
      %reduce_max3A_158 = tpu.scan <max>, %reduce_max3A_157 masked %reduce_max3A_154 : vector<16xi32>, vector<16xi1> -> vector<16xi32>
      %reduce_max3A_159 = arith.xori %reduce_max3A_158, %reduce_max3A_156 : vector<16xi32>
      %reduce_max3A_160 = vector.extract %reduce_max3A_159[15] : i32 from vector<16xi32>
      %add3A_161 = arith.constant 15 : i32
      %add3A_162 = arith.addi %reduce_max3A_160, %add3A_161 : i32
      %shift_right_logical3A = arith.constant 4 : i32
      %shift_right_logical3A_163 = arith.shrui %add3A_162, %shift_right_logical3A : i32
      %parallel_loop3A_164 = arith.constant 0 : i32
      %parallel_loop3A_165 = arith.constant 1 : i32
      scf.for %parallel_loop3A_604 = %parallel_loop3A_164 to %shift_right_logical3A_163 step %parallel_loop3A_165  : i32 {
        %parallel_loop3A_605 = arith.constant 16 : i32
        %parallel_loop3A_606 = arith.muli %parallel_loop3A_604, %parallel_loop3A_605 : i32
        %parallel_loop3A_607 = arith.index_cast %parallel_loop3A_606 : i32 to index
        %parallel_loop3A_608 = tpu.vector_load %arg6[%parallel_loop3A_607] {strides = array<i32>} : memref<32768xi32, #tpu.memory_space<vmem>>, vector<16xi32>,
        %parallel_loop3A_609 = arith.constant 16 : i32
        %parallel_loop3A_610 = arith.muli %parallel_loop3A_604, %parallel_loop3A_609 : i32
        %parallel_loop3A_611 = vector.broadcast %parallel_loop3A_610 : i32 to vector<16xi32>
        %parallel_loop3A_612 = arith.addi %parallel_loop3A_611, %iota3A : vector<16xi32>
        %parallel_loop3A_613 = vector.broadcast %reduce_max3A_160 : i32 to vector<16xi32>
        %parallel_loop3A_614 = arith.cmpi slt, %parallel_loop3A_612, %parallel_loop3A_613 : vector<16xi32>
        %parallel_loop3A_615 = arith.constant 15 : i32
        %parallel_loop3A_616 = vector.broadcast %parallel_loop3A_615 : i32 to vector<16xi32>
        %parallel_loop3A_617 = arith.shrui %parallel_loop3A_608, %parallel_loop3A_616 : vector<16xi32>
        %parallel_loop3A_618 = arith.constant 255 : i32
        %parallel_loop3A_619 = vector.broadcast %parallel_loop3A_618 : i32 to vector<16xi32>
        %parallel_loop3A_620 = arith.andi %parallel_loop3A_617, %parallel_loop3A_619 : vector<16xi32>
        %parallel_loop3A_621 = arith.addi %parallel_loop3A_620, %mul3A_3 : vector<16xi32>
        tpu.vector_store_idx %arg7[%parallel_loop3A_621], %broadcast_in_dim3A_4 masked %parallel_loop3A_614 {add = true} : memref<4096xi32, #tpu.memory_space<vmem>>[vector<16xi32>], vector<16xi32>, vector<16xi1>
      } {sc.loop_unroll_factor = 8 : i64, sc.parallel_access}
      %parallel_loop3A_166 = arith.constant 0 : i32
      %parallel_loop3A_167 = arith.constant 16 : i32
      %parallel_loop3A_168 = arith.constant 1 : i32
      scf.for %parallel_loop3A_604 = %parallel_loop3A_166 to %parallel_loop3A_167 step %parallel_loop3A_168  : i32 {
        %parallel_loop3A_605 = arith.constant 0 : i32
        %parallel_loop3A_606 = vector.broadcast %parallel_loop3A_605 : i32 to vector<16xi32>
        %parallel_loop3A_607 = arith.constant 0 : i32
        %parallel_loop3A_608 = vector.broadcast %parallel_loop3A_607 : i32 to vector<16xi32>
        %parallel_loop3A_609 = arith.constant 16 : i32
        %parallel_loop3A_610 = arith.muli %parallel_loop3A_604, %parallel_loop3A_609 : i32
        %parallel_loop3A_611 = arith.constant 0 : i32
        %parallel_loop3A_612 = arith.addi %parallel_loop3A_611, %parallel_loop3A_610 : i32
        %parallel_loop3A_613 = arith.index_cast %parallel_loop3A_612 : i32 to index
        %parallel_loop3A_614 = tpu.vector_load %arg7[%parallel_loop3A_613] {strides = array<i32>} : memref<4096xi32, #tpu.memory_space<vmem>>, vector<16xi32>,
        %parallel_loop3A_615 = arith.addi %parallel_loop3A_606, %parallel_loop3A_614 : vector<16xi32>
        %parallel_loop3A_616 = arith.constant 16 : i32
        %parallel_loop3A_617 = arith.muli %parallel_loop3A_604, %parallel_loop3A_616 : i32
        %parallel_loop3A_618 = arith.constant 0 : i32
        %parallel_loop3A_619 = arith.addi %parallel_loop3A_618, %parallel_loop3A_617 : i32
        %parallel_loop3A_620 = arith.index_cast %parallel_loop3A_619 : i32 to index
        %parallel_loop3A_621 = tpu.vector_load %arg7[%parallel_loop3A_620] {strides = array<i32>} : memref<4096xi32, #tpu.memory_space<vmem>>, vector<16xi32>,
        tpu.vector_store %arg7[%parallel_loop3A_620], %parallel_loop3A_608 {strides = array<i32>} : memref<4096xi32, #tpu.memory_space<vmem>>, vector<16xi32>,
        %parallel_loop3A_622 = arith.constant 16 : i32
        %parallel_loop3A_623 = arith.muli %parallel_loop3A_604, %parallel_loop3A_622 : i32
        %parallel_loop3A_624 = arith.constant 256 : i32
        %parallel_loop3A_625 = arith.addi %parallel_loop3A_624, %parallel_loop3A_623 : i32
        %parallel_loop3A_626 = arith.index_cast %parallel_loop3A_625 : i32 to index
        %parallel_loop3A_627 = tpu.vector_load %arg7[%parallel_loop3A_626] {strides = array<i32>} : memref<4096xi32, #tpu.memory_space<vmem>>, vector<16xi32>,
        %parallel_loop3A_628 = arith.addi %parallel_loop3A_615, %parallel_loop3A_627 : vector<16xi32>
        %parallel_loop3A_629 = arith.constant 16 : i32
        %parallel_loop3A_630 = arith.muli %parallel_loop3A_604, %parallel_loop3A_629 : i32
        %parallel_loop3A_631 = arith.constant 256 : i32
        %parallel_loop3A_632 = arith.addi %parallel_loop3A_631, %parallel_loop3A_630 : i32
        %parallel_loop3A_633 = arith.index_cast %parallel_loop3A_632 : i32 to index
        %parallel_loop3A_634 = tpu.vector_load %arg7[%parallel_loop3A_633] {strides = array<i32>} : memref<4096xi32, #tpu.memory_space<vmem>>, vector<16xi32>,
        tpu.vector_store %arg7[%parallel_loop3A_633], %parallel_loop3A_608 {strides = array<i32>} : memref<4096xi32, #tpu.memory_space<vmem>>, vector<16xi32>,
        %parallel_loop3A_635 = arith.constant 16 : i32
        %parallel_loop3A_636 = arith.muli %parallel_loop3A_604, %parallel_loop3A_635 : i32
        %parallel_loop3A_637 = arith.constant 512 : i32
        %parallel_loop3A_638 = arith.addi %parallel_loop3A_637, %parallel_loop3A_636 : i32
        %parallel_loop3A_639 = arith.index_cast %parallel_loop3A_638 : i32 to index
        %parallel_loop3A_640 = tpu.vector_load %arg7[%parallel_loop3A_639] {strides = array<i32>} : memref<4096xi32, #tpu.memory_space<vmem>>, vector<16xi32>,
        %parallel_loop3A_641 = arith.addi %parallel_loop3A_628, %parallel_loop3A_640 : vector<16xi32>
        %parallel_loop3A_642 = arith.constant 16 : i32
        %parallel_loop3A_643 = arith.muli %parallel_loop3A_604, %parallel_loop3A_642 : i32
        %parallel_loop3A_644 = arith.constant 512 : i32
        %parallel_loop3A_645 = arith.addi %parallel_loop3A_644, %parallel_loop3A_643 : i32
        %parallel_loop3A_646 = arith.index_cast %parallel_loop3A_645 : i32 to index
        %parallel_loop3A_647 = tpu.vector_load %arg7[%parallel_loop3A_646] {strides = array<i32>} : memref<4096xi32, #tpu.memory_space<vmem>>, vector<16xi32>,
        tpu.vector_store %arg7[%parallel_loop3A_646], %parallel_loop3A_608 {strides = array<i32>} : memref<4096xi32, #tpu.memory_space<vmem>>, vector<16xi32>,
        %parallel_loop3A_648 = arith.constant 16 : i32
        %parallel_loop3A_649 = arith.muli %parallel_loop3A_604, %parallel_loop3A_648 : i32
        %parallel_loop3A_650 = arith.constant 768 : i32
        %parallel_loop3A_651 = arith.addi %parallel_loop3A_650, %parallel_loop3A_649 : i32
        %parallel_loop3A_652 = arith.index_cast %parallel_loop3A_651 : i32 to index
        %parallel_loop3A_653 = tpu.vector_load %arg7[%parallel_loop3A_652] {strides = array<i32>} : memref<4096xi32, #tpu.memory_space<vmem>>, vector<16xi32>,
        %parallel_loop3A_654 = arith.addi %parallel_loop3A_641, %parallel_loop3A_653 : vector<16xi32>
        %parallel_loop3A_655 = arith.constant 16 : i32
        %parallel_loop3A_656 = arith.muli %parallel_loop3A_604, %parallel_loop3A_655 : i32
        %parallel_loop3A_657 = arith.constant 768 : i32
        %parallel_loop3A_658 = arith.addi %parallel_loop3A_657, %parallel_loop3A_656 : i32
        %parallel_loop3A_659 = arith.index_cast %parallel_loop3A_658 : i32 to index
        %parallel_loop3A_660 = tpu.vector_load %arg7[%parallel_loop3A_659] {strides = array<i32>} : memref<4096xi32, #tpu.memory_space<vmem>>, vector<16xi32>,
        tpu.vector_store %arg7[%parallel_loop3A_659], %parallel_loop3A_608 {strides = array<i32>} : memref<4096xi32, #tpu.memory_space<vmem>>, vector<16xi32>,
        %parallel_loop3A_661 = arith.constant 16 : i32
        %parallel_loop3A_662 = arith.muli %parallel_loop3A_604, %parallel_loop3A_661 : i32
        %parallel_loop3A_663 = arith.constant 1024 : i32
        %parallel_loop3A_664 = arith.addi %parallel_loop3A_663, %parallel_loop3A_662 : i32
        %parallel_loop3A_665 = arith.index_cast %parallel_loop3A_664 : i32 to index
        %parallel_loop3A_666 = tpu.vector_load %arg7[%parallel_loop3A_665] {strides = array<i32>} : memref<4096xi32, #tpu.memory_space<vmem>>, vector<16xi32>,
        %parallel_loop3A_667 = arith.addi %parallel_loop3A_654, %parallel_loop3A_666 : vector<16xi32>
        %parallel_loop3A_668 = arith.constant 16 : i32
        %parallel_loop3A_669 = arith.muli %parallel_loop3A_604, %parallel_loop3A_668 : i32
        %parallel_loop3A_670 = arith.constant 1024 : i32
        %parallel_loop3A_671 = arith.addi %parallel_loop3A_670, %parallel_loop3A_669 : i32
        %parallel_loop3A_672 = arith.index_cast %parallel_loop3A_671 : i32 to index
        %parallel_loop3A_673 = tpu.vector_load %arg7[%parallel_loop3A_672] {strides = array<i32>} : memref<4096xi32, #tpu.memory_space<vmem>>, vector<16xi32>,
        tpu.vector_store %arg7[%parallel_loop3A_672], %parallel_loop3A_608 {strides = array<i32>} : memref<4096xi32, #tpu.memory_space<vmem>>, vector<16xi32>,
        %parallel_loop3A_674 = arith.constant 16 : i32
        %parallel_loop3A_675 = arith.muli %parallel_loop3A_604, %parallel_loop3A_674 : i32
        %parallel_loop3A_676 = arith.constant 1280 : i32
        %parallel_loop3A_677 = arith.addi %parallel_loop3A_676, %parallel_loop3A_675 : i32
        %parallel_loop3A_678 = arith.index_cast %parallel_loop3A_677 : i32 to index
        %parallel_loop3A_679 = tpu.vector_load %arg7[%parallel_loop3A_678] {strides = array<i32>} : memref<4096xi32, #tpu.memory_space<vmem>>, vector<16xi32>,
        %parallel_loop3A_680 = arith.addi %parallel_loop3A_667, %parallel_loop3A_679 : vector<16xi32>
        %parallel_loop3A_681 = arith.constant 16 : i32
        %parallel_loop3A_682 = arith.muli %parallel_loop3A_604, %parallel_loop3A_681 : i32
        %parallel_loop3A_683 = arith.constant 1280 : i32
        %parallel_loop3A_684 = arith.addi %parallel_loop3A_683, %parallel_loop3A_682 : i32
        %parallel_loop3A_685 = arith.index_cast %parallel_loop3A_684 : i32 to index
        %parallel_loop3A_686 = tpu.vector_load %arg7[%parallel_loop3A_685] {strides = array<i32>} : memref<4096xi32, #tpu.memory_space<vmem>>, vector<16xi32>,
        tpu.vector_store %arg7[%parallel_loop3A_685], %parallel_loop3A_608 {strides = array<i32>} : memref<4096xi32, #tpu.memory_space<vmem>>, vector<16xi32>,
        %parallel_loop3A_687 = arith.constant 16 : i32
        %parallel_loop3A_688 = arith.muli %parallel_loop3A_604, %parallel_loop3A_687 : i32
        %parallel_loop3A_689 = arith.constant 1536 : i32
        %parallel_loop3A_690 = arith.addi %parallel_loop3A_689, %parallel_loop3A_688 : i32
        %parallel_loop3A_691 = arith.index_cast %parallel_loop3A_690 : i32 to index
        %parallel_loop3A_692 = tpu.vector_load %arg7[%parallel_loop3A_691] {strides = array<i32>} : memref<4096xi32, #tpu.memory_space<vmem>>, vector<16xi32>,
        %parallel_loop3A_693 = arith.addi %parallel_loop3A_680, %parallel_loop3A_692 : vector<16xi32>
        %parallel_loop3A_694 = arith.constant 16 : i32
        %parallel_loop3A_695 = arith.muli %parallel_loop3A_604, %parallel_loop3A_694 : i32
        %parallel_loop3A_696 = arith.constant 1536 : i32
        %parallel_loop3A_697 = arith.addi %parallel_loop3A_696, %parallel_loop3A_695 : i32
        %parallel_loop3A_698 = arith.index_cast %parallel_loop3A_697 : i32 to index
        %parallel_loop3A_699 = tpu.vector_load %arg7[%parallel_loop3A_698] {strides = array<i32>} : memref<4096xi32, #tpu.memory_space<vmem>>, vector<16xi32>,
        tpu.vector_store %arg7[%parallel_loop3A_698], %parallel_loop3A_608 {strides = array<i32>} : memref<4096xi32, #tpu.memory_space<vmem>>, vector<16xi32>,
        %parallel_loop3A_700 = arith.constant 16 : i32
        %parallel_loop3A_701 = arith.muli %parallel_loop3A_604, %parallel_loop3A_700 : i32
        %parallel_loop3A_702 = arith.constant 1792 : i32
        %parallel_loop3A_703 = arith.addi %parallel_loop3A_702, %parallel_loop3A_701 : i32
        %parallel_loop3A_704 = arith.index_cast %parallel_loop3A_703 : i32 to index
        %parallel_loop3A_705 = tpu.vector_load %arg7[%parallel_loop3A_704] {strides = array<i32>} : memref<4096xi32, #tpu.memory_space<vmem>>, vector<16xi32>,
        %parallel_loop3A_706 = arith.addi %parallel_loop3A_693, %parallel_loop3A_705 : vector<16xi32>
        %parallel_loop3A_707 = arith.constant 16 : i32
        %parallel_loop3A_708 = arith.muli %parallel_loop3A_604, %parallel_loop3A_707 : i32
        %parallel_loop3A_709 = arith.constant 1792 : i32
        %parallel_loop3A_710 = arith.addi %parallel_loop3A_709, %parallel_loop3A_708 : i32
        %parallel_loop3A_711 = arith.index_cast %parallel_loop3A_710 : i32 to index
        %parallel_loop3A_712 = tpu.vector_load %arg7[%parallel_loop3A_711] {strides = array<i32>} : memref<4096xi32, #tpu.memory_space<vmem>>, vector<16xi32>,
        tpu.vector_store %arg7[%parallel_loop3A_711], %parallel_loop3A_608 {strides = array<i32>} : memref<4096xi32, #tpu.memory_space<vmem>>, vector<16xi32>,
        %parallel_loop3A_713 = arith.constant 16 : i32
        %parallel_loop3A_714 = arith.muli %parallel_loop3A_604, %parallel_loop3A_713 : i32
        %parallel_loop3A_715 = arith.constant 2048 : i32
        %parallel_loop3A_716 = arith.addi %parallel_loop3A_715, %parallel_loop3A_714 : i32
        %parallel_loop3A_717 = arith.index_cast %parallel_loop3A_716 : i32 to index
        %parallel_loop3A_718 = tpu.vector_load %arg7[%parallel_loop3A_717] {strides = array<i32>} : memref<4096xi32, #tpu.memory_space<vmem>>, vector<16xi32>,
        %parallel_loop3A_719 = arith.addi %parallel_loop3A_706, %parallel_loop3A_718 : vector<16xi32>
        %parallel_loop3A_720 = arith.constant 16 : i32
        %parallel_loop3A_721 = arith.muli %parallel_loop3A_604, %parallel_loop3A_720 : i32
        %parallel_loop3A_722 = arith.constant 2048 : i32
        %parallel_loop3A_723 = arith.addi %parallel_loop3A_722, %parallel_loop3A_721 : i32
        %parallel_loop3A_724 = arith.index_cast %parallel_loop3A_723 : i32 to index
        %parallel_loop3A_725 = tpu.vector_load %arg7[%parallel_loop3A_724] {strides = array<i32>} : memref<4096xi32, #tpu.memory_space<vmem>>, vector<16xi32>,
        tpu.vector_store %arg7[%parallel_loop3A_724], %parallel_loop3A_608 {strides = array<i32>} : memref<4096xi32, #tpu.memory_space<vmem>>, vector<16xi32>,
        %parallel_loop3A_726 = arith.constant 16 : i32
        %parallel_loop3A_727 = arith.muli %parallel_loop3A_604, %parallel_loop3A_726 : i32
        %parallel_loop3A_728 = arith.constant 2304 : i32
        %parallel_loop3A_729 = arith.addi %parallel_loop3A_728, %parallel_loop3A_727 : i32
        %parallel_loop3A_730 = arith.index_cast %parallel_loop3A_729 : i32 to index
        %parallel_loop3A_731 = tpu.vector_load %arg7[%parallel_loop3A_730] {strides = array<i32>} : memref<4096xi32, #tpu.memory_space<vmem>>, vector<16xi32>,
        %parallel_loop3A_732 = arith.addi %parallel_loop3A_719, %parallel_loop3A_731 : vector<16xi32>
        %parallel_loop3A_733 = arith.constant 16 : i32
        %parallel_loop3A_734 = arith.muli %parallel_loop3A_604, %parallel_loop3A_733 : i32
        %parallel_loop3A_735 = arith.constant 2304 : i32
        %parallel_loop3A_736 = arith.addi %parallel_loop3A_735, %parallel_loop3A_734 : i32
        %parallel_loop3A_737 = arith.index_cast %parallel_loop3A_736 : i32 to index
        %parallel_loop3A_738 = tpu.vector_load %arg7[%parallel_loop3A_737] {strides = array<i32>} : memref<4096xi32, #tpu.memory_space<vmem>>, vector<16xi32>,
        tpu.vector_store %arg7[%parallel_loop3A_737], %parallel_loop3A_608 {strides = array<i32>} : memref<4096xi32, #tpu.memory_space<vmem>>, vector<16xi32>,
        %parallel_loop3A_739 = arith.constant 16 : i32
        %parallel_loop3A_740 = arith.muli %parallel_loop3A_604, %parallel_loop3A_739 : i32
        %parallel_loop3A_741 = arith.constant 2560 : i32
        %parallel_loop3A_742 = arith.addi %parallel_loop3A_741, %parallel_loop3A_740 : i32
        %parallel_loop3A_743 = arith.index_cast %parallel_loop3A_742 : i32 to index
        %parallel_loop3A_744 = tpu.vector_load %arg7[%parallel_loop3A_743] {strides = array<i32>} : memref<4096xi32, #tpu.memory_space<vmem>>, vector<16xi32>,
        %parallel_loop3A_745 = arith.addi %parallel_loop3A_732, %parallel_loop3A_744 : vector<16xi32>
        %parallel_loop3A_746 = arith.constant 16 : i32
        %parallel_loop3A_747 = arith.muli %parallel_loop3A_604, %parallel_loop3A_746 : i32
        %parallel_loop3A_748 = arith.constant 2560 : i32
        %parallel_loop3A_749 = arith.addi %parallel_loop3A_748, %parallel_loop3A_747 : i32
        %parallel_loop3A_750 = arith.index_cast %parallel_loop3A_749 : i32 to index
        %parallel_loop3A_751 = tpu.vector_load %arg7[%parallel_loop3A_750] {strides = array<i32>} : memref<4096xi32, #tpu.memory_space<vmem>>, vector<16xi32>,
        tpu.vector_store %arg7[%parallel_loop3A_750], %parallel_loop3A_608 {strides = array<i32>} : memref<4096xi32, #tpu.memory_space<vmem>>, vector<16xi32>,
        %parallel_loop3A_752 = arith.constant 16 : i32
        %parallel_loop3A_753 = arith.muli %parallel_loop3A_604, %parallel_loop3A_752 : i32
        %parallel_loop3A_754 = arith.constant 2816 : i32
        %parallel_loop3A_755 = arith.addi %parallel_loop3A_754, %parallel_loop3A_753 : i32
        %parallel_loop3A_756 = arith.index_cast %parallel_loop3A_755 : i32 to index
        %parallel_loop3A_757 = tpu.vector_load %arg7[%parallel_loop3A_756] {strides = array<i32>} : memref<4096xi32, #tpu.memory_space<vmem>>, vector<16xi32>,
        %parallel_loop3A_758 = arith.addi %parallel_loop3A_745, %parallel_loop3A_757 : vector<16xi32>
        %parallel_loop3A_759 = arith.constant 16 : i32
        %parallel_loop3A_760 = arith.muli %parallel_loop3A_604, %parallel_loop3A_759 : i32
        %parallel_loop3A_761 = arith.constant 2816 : i32
        %parallel_loop3A_762 = arith.addi %parallel_loop3A_761, %parallel_loop3A_760 : i32
        %parallel_loop3A_763 = arith.index_cast %parallel_loop3A_762 : i32 to index
        %parallel_loop3A_764 = tpu.vector_load %arg7[%parallel_loop3A_763] {strides = array<i32>} : memref<4096xi32, #tpu.memory_space<vmem>>, vector<16xi32>,
        tpu.vector_store %arg7[%parallel_loop3A_763], %parallel_loop3A_608 {strides = array<i32>} : memref<4096xi32, #tpu.memory_space<vmem>>, vector<16xi32>,
        %parallel_loop3A_765 = arith.constant 16 : i32
        %parallel_loop3A_766 = arith.muli %parallel_loop3A_604, %parallel_loop3A_765 : i32
        %parallel_loop3A_767 = arith.constant 3072 : i32
        %parallel_loop3A_768 = arith.addi %parallel_loop3A_767, %parallel_loop3A_766 : i32
        %parallel_loop3A_769 = arith.index_cast %parallel_loop3A_768 : i32 to index
        %parallel_loop3A_770 = tpu.vector_load %arg7[%parallel_loop3A_769] {strides = array<i32>} : memref<4096xi32, #tpu.memory_space<vmem>>, vector<16xi32>,
        %parallel_loop3A_771 = arith.addi %parallel_loop3A_758, %parallel_loop3A_770 : vector<16xi32>
        %parallel_loop3A_772 = arith.constant 16 : i32
        %parallel_loop3A_773 = arith.muli %parallel_loop3A_604, %parallel_loop3A_772 : i32
        %parallel_loop3A_774 = arith.constant 3072 : i32
        %parallel_loop3A_775 = arith.addi %parallel_loop3A_774, %parallel_loop3A_773 : i32
        %parallel_loop3A_776 = arith.index_cast %parallel_loop3A_775 : i32 to index
        %parallel_loop3A_777 = tpu.vector_load %arg7[%parallel_loop3A_776] {strides = array<i32>} : memref<4096xi32, #tpu.memory_space<vmem>>, vector<16xi32>,
        tpu.vector_store %arg7[%parallel_loop3A_776], %parallel_loop3A_608 {strides = array<i32>} : memref<4096xi32, #tpu.memory_space<vmem>>, vector<16xi32>,
        %parallel_loop3A_778 = arith.constant 16 : i32
        %parallel_loop3A_779 = arith.muli %parallel_loop3A_604, %parallel_loop3A_778 : i32
        %parallel_loop3A_780 = arith.constant 3328 : i32
        %parallel_loop3A_781 = arith.addi %parallel_loop3A_780, %parallel_loop3A_779 : i32
        %parallel_loop3A_782 = arith.index_cast %parallel_loop3A_781 : i32 to index
        %parallel_loop3A_783 = tpu.vector_load %arg7[%parallel_loop3A_782] {strides = array<i32>} : memref<4096xi32, #tpu.memory_space<vmem>>, vector<16xi32>,
        %parallel_loop3A_784 = arith.addi %parallel_loop3A_771, %parallel_loop3A_783 : vector<16xi32>
        %parallel_loop3A_785 = arith.constant 16 : i32
        %parallel_loop3A_786 = arith.muli %parallel_loop3A_604, %parallel_loop3A_785 : i32
        %parallel_loop3A_787 = arith.constant 3328 : i32
        %parallel_loop3A_788 = arith.addi %parallel_loop3A_787, %parallel_loop3A_786 : i32
        %parallel_loop3A_789 = arith.index_cast %parallel_loop3A_788 : i32 to index
        %parallel_loop3A_790 = tpu.vector_load %arg7[%parallel_loop3A_789] {strides = array<i32>} : memref<4096xi32, #tpu.memory_space<vmem>>, vector<16xi32>,
        tpu.vector_store %arg7[%parallel_loop3A_789], %parallel_loop3A_608 {strides = array<i32>} : memref<4096xi32, #tpu.memory_space<vmem>>, vector<16xi32>,
        %parallel_loop3A_791 = arith.constant 16 : i32
        %parallel_loop3A_792 = arith.muli %parallel_loop3A_604, %parallel_loop3A_791 : i32
        %parallel_loop3A_793 = arith.constant 3584 : i32
        %parallel_loop3A_794 = arith.addi %parallel_loop3A_793, %parallel_loop3A_792 : i32
        %parallel_loop3A_795 = arith.index_cast %parallel_loop3A_794 : i32 to index
        %parallel_loop3A_796 = tpu.vector_load %arg7[%parallel_loop3A_795] {strides = array<i32>} : memref<4096xi32, #tpu.memory_space<vmem>>, vector<16xi32>,
        %parallel_loop3A_797 = arith.addi %parallel_loop3A_784, %parallel_loop3A_796 : vector<16xi32>
        %parallel_loop3A_798 = arith.constant 16 : i32
        %parallel_loop3A_799 = arith.muli %parallel_loop3A_604, %parallel_loop3A_798 : i32
        %parallel_loop3A_800 = arith.constant 3584 : i32
        %parallel_loop3A_801 = arith.addi %parallel_loop3A_800, %parallel_loop3A_799 : i32
        %parallel_loop3A_802 = arith.index_cast %parallel_loop3A_801 : i32 to index
        %parallel_loop3A_803 = tpu.vector_load %arg7[%parallel_loop3A_802] {strides = array<i32>} : memref<4096xi32, #tpu.memory_space<vmem>>, vector<16xi32>,
        tpu.vector_store %arg7[%parallel_loop3A_802], %parallel_loop3A_608 {strides = array<i32>} : memref<4096xi32, #tpu.memory_space<vmem>>, vector<16xi32>,
        %parallel_loop3A_804 = arith.constant 16 : i32
        %parallel_loop3A_805 = arith.muli %parallel_loop3A_604, %parallel_loop3A_804 : i32
        %parallel_loop3A_806 = arith.constant 3840 : i32
        %parallel_loop3A_807 = arith.addi %parallel_loop3A_806, %parallel_loop3A_805 : i32
        %parallel_loop3A_808 = arith.index_cast %parallel_loop3A_807 : i32 to index
        %parallel_loop3A_809 = tpu.vector_load %arg7[%parallel_loop3A_808] {strides = array<i32>} : memref<4096xi32, #tpu.memory_space<vmem>>, vector<16xi32>,
        %parallel_loop3A_810 = arith.addi %parallel_loop3A_797, %parallel_loop3A_809 : vector<16xi32>
        %parallel_loop3A_811 = arith.constant 16 : i32
        %parallel_loop3A_812 = arith.muli %parallel_loop3A_604, %parallel_loop3A_811 : i32
        %parallel_loop3A_813 = arith.constant 3840 : i32
        %parallel_loop3A_814 = arith.addi %parallel_loop3A_813, %parallel_loop3A_812 : i32
        %parallel_loop3A_815 = arith.index_cast %parallel_loop3A_814 : i32 to index
        %parallel_loop3A_816 = tpu.vector_load %arg7[%parallel_loop3A_815] {strides = array<i32>} : memref<4096xi32, #tpu.memory_space<vmem>>, vector<16xi32>,
        tpu.vector_store %arg7[%parallel_loop3A_815], %parallel_loop3A_608 {strides = array<i32>} : memref<4096xi32, #tpu.memory_space<vmem>>, vector<16xi32>,
        %parallel_loop3A_817 = arith.constant 16 : i32
        %parallel_loop3A_818 = vector.broadcast %parallel_loop3A_817 : i32 to vector<16xi32>
        %parallel_loop3A_819 = arith.muli %iota3A, %parallel_loop3A_818 : vector<16xi32>
        %parallel_loop3A_820 = vector.broadcast %parallel_loop3A_604 : i32 to vector<16xi32>
        %parallel_loop3A_821 = arith.addi %parallel_loop3A_819, %parallel_loop3A_820 : vector<16xi32>
        tpu.vector_store_idx %arg8[%parallel_loop3A_821], %parallel_loop3A_810 : memref<256xi32, #tpu.memory_space<vmem>>[vector<16xi32>], vector<16xi32>,
      } {sc.loop_unroll_factor = 1 : i64, sc.parallel_access}
      %broadcast_in_dim3A_169 = arith.constant 0 : i32
      %broadcast_in_dim3A_170 = vector.broadcast %broadcast_in_dim3A_169 : i32 to vector<16xi32>
      %get3A_171 = arith.constant 0 : index
      %get3A_172 = tpu.vector_load %arg8[%get3A_171] {strides = array<i32>} : memref<256xi32, #tpu.memory_space<vmem>>, vector<16xi32>,
      %add3A_173 = arith.addi %broadcast_in_dim3A_170, %get3A_172 : vector<16xi32>
      %get3A_174 = arith.constant 16 : index
      %get3A_175 = tpu.vector_load %arg8[%get3A_174] {strides = array<i32>} : memref<256xi32, #tpu.memory_space<vmem>>, vector<16xi32>,
      %add3A_176 = arith.addi %add3A_173, %get3A_175 : vector<16xi32>
      %get3A_177 = arith.constant 32 : index
      %get3A_178 = tpu.vector_load %arg8[%get3A_177] {strides = array<i32>} : memref<256xi32, #tpu.memory_space<vmem>>, vector<16xi32>,
      %add3A_179 = arith.addi %add3A_176, %get3A_178 : vector<16xi32>
      %get3A_180 = arith.constant 48 : index
      %get3A_181 = tpu.vector_load %arg8[%get3A_180] {strides = array<i32>} : memref<256xi32, #tpu.memory_space<vmem>>, vector<16xi32>,
      %add3A_182 = arith.addi %add3A_179, %get3A_181 : vector<16xi32>
      %get3A_183 = arith.constant 64 : index
      %get3A_184 = tpu.vector_load %arg8[%get3A_183] {strides = array<i32>} : memref<256xi32, #tpu.memory_space<vmem>>, vector<16xi32>,
      %add3A_185 = arith.addi %add3A_182, %get3A_184 : vector<16xi32>
      %get3A_186 = arith.constant 80 : index
      %get3A_187 = tpu.vector_load %arg8[%get3A_186] {strides = array<i32>} : memref<256xi32, #tpu.memory_space<vmem>>, vector<16xi32>,
      %add3A_188 = arith.addi %add3A_185, %get3A_187 : vector<16xi32>
      %get3A_189 = arith.constant 96 : index
      %get3A_190 = tpu.vector_load %arg8[%get3A_189] {strides = array<i32>} : memref<256xi32, #tpu.memory_space<vmem>>, vector<16xi32>,
      %add3A_191 = arith.addi %add3A_188, %get3A_190 : vector<16xi32>
      %get3A_192 = arith.constant 112 : index
      %get3A_193 = tpu.vector_load %arg8[%get3A_192] {strides = array<i32>} : memref<256xi32, #tpu.memory_space<vmem>>, vector<16xi32>,
      %add3A_194 = arith.addi %add3A_191, %get3A_193 : vector<16xi32>
      %get3A_195 = arith.constant 128 : index
      %get3A_196 = tpu.vector_load %arg8[%get3A_195] {strides = array<i32>} : memref<256xi32, #tpu.memory_space<vmem>>, vector<16xi32>,
      %add3A_197 = arith.addi %add3A_194, %get3A_196 : vector<16xi32>
      %get3A_198 = arith.constant 144 : index
      %get3A_199 = tpu.vector_load %arg8[%get3A_198] {strides = array<i32>} : memref<256xi32, #tpu.memory_space<vmem>>, vector<16xi32>,
      %add3A_200 = arith.addi %add3A_197, %get3A_199 : vector<16xi32>
      %get3A_201 = arith.constant 160 : index
      %get3A_202 = tpu.vector_load %arg8[%get3A_201] {strides = array<i32>} : memref<256xi32, #tpu.memory_space<vmem>>, vector<16xi32>,
      %add3A_203 = arith.addi %add3A_200, %get3A_202 : vector<16xi32>
      %get3A_204 = arith.constant 176 : index
      %get3A_205 = tpu.vector_load %arg8[%get3A_204] {strides = array<i32>} : memref<256xi32, #tpu.memory_space<vmem>>, vector<16xi32>,
      %add3A_206 = arith.addi %add3A_203, %get3A_205 : vector<16xi32>
      %get3A_207 = arith.constant 192 : index
      %get3A_208 = tpu.vector_load %arg8[%get3A_207] {strides = array<i32>} : memref<256xi32, #tpu.memory_space<vmem>>, vector<16xi32>,
      %add3A_209 = arith.addi %add3A_206, %get3A_208 : vector<16xi32>
      %get3A_210 = arith.constant 208 : index
      %get3A_211 = tpu.vector_load %arg8[%get3A_210] {strides = array<i32>} : memref<256xi32, #tpu.memory_space<vmem>>, vector<16xi32>,
      %add3A_212 = arith.addi %add3A_209, %get3A_211 : vector<16xi32>
      %get3A_213 = arith.constant 224 : index
      %get3A_214 = tpu.vector_load %arg8[%get3A_213] {strides = array<i32>} : memref<256xi32, #tpu.memory_space<vmem>>, vector<16xi32>,
      %add3A_215 = arith.addi %add3A_212, %get3A_214 : vector<16xi32>
      %get3A_216 = arith.constant 240 : index
      %get3A_217 = tpu.vector_load %arg8[%get3A_216] {strides = array<i32>} : memref<256xi32, #tpu.memory_space<vmem>>, vector<16xi32>,
      %add3A_218 = arith.addi %add3A_215, %get3A_217 : vector<16xi32>
      %broadcast_in_dim3A_219 = arith.constant true
      %broadcast_in_dim3A_220 = vector.broadcast %broadcast_in_dim3A_219 : i1 to vector<16xi1>
      %masked_cumsum3A_221 = tpu.scan <sum>, %add3A_218 masked %broadcast_in_dim3A_220 : vector<16xi32>, vector<16xi1> -> vector<16xi32>
      %reduce_max3A_222 = arith.constant true
      %reduce_max3A_223 = vector.broadcast %reduce_max3A_222 : i1 to vector<16xi1>
      %reduce_max3A_224 = arith.constant -2147483648 : i32
      %reduce_max3A_225 = vector.broadcast %reduce_max3A_224 : i32 to vector<16xi32>
      %reduce_max3A_226 = arith.xori %masked_cumsum3A_221, %reduce_max3A_225 : vector<16xi32>
      %reduce_max3A_227 = tpu.scan <max>, %reduce_max3A_226 masked %reduce_max3A_223 : vector<16xi32>, vector<16xi1> -> vector<16xi32>
      %reduce_max3A_228 = arith.xori %reduce_max3A_227, %reduce_max3A_225 : vector<16xi32>
      %reduce_max3A_229 = vector.extract %reduce_max3A_228[15] : i32 from vector<16xi32>
      %sub3A_230 = arith.subi %reduce_max3A_229, %sub3A_146 : i32
      %add3A_231 = arith.constant 1 : i32
      %add3A_232 = arith.addi %sub3A_230, %add3A_231 : i32
      %ge3A_233 = vector.broadcast %add3A_232 : i32 to vector<16xi32>
      %ge3A_234 = arith.cmpi sge, %masked_cumsum3A_221, %ge3A_233 : vector<16xi32>
      %jit3A_235 = arith.constant 2147483647 : i32
      %broadcast_in_dim3A_236 = vector.broadcast %jit3A_235 : i32 to vector<16xi32>
      %select_n3A_237 = arith.select %ge3A_234, %iota3A, %broadcast_in_dim3A_236 : vector<16xi1>, vector<16xi32>
      %reduce_min3A_238 = arith.constant true
      %reduce_min3A_239 = vector.broadcast %reduce_min3A_238 : i1 to vector<16xi1>
      %reduce_min3A_240 = arith.constant -2147483648 : i32
      %reduce_min3A_241 = vector.broadcast %reduce_min3A_240 : i32 to vector<16xi32>
      %reduce_min3A_242 = arith.xori %select_n3A_237, %reduce_min3A_241 : vector<16xi32>
      %reduce_min3A_243 = tpu.scan <min>, %reduce_min3A_242 masked %reduce_min3A_239 : vector<16xi32>, vector<16xi1> -> vector<16xi32>
      %reduce_min3A_244 = arith.xori %reduce_min3A_243, %reduce_min3A_241 : vector<16xi32>
      %reduce_min3A_245 = vector.extract %reduce_min3A_244[15] : i32 from vector<16xi32>
      %eq3A_246 = vector.broadcast %reduce_min3A_245 : i32 to vector<16xi32>
      %eq3A_247 = arith.cmpi eq, %iota3A, %eq3A_246 : vector<16xi32>
      %sub3A_248 = arith.subi %masked_cumsum3A_221, %add3A_218 : vector<16xi32>
      %jit3A_249 = arith.constant 2147483647 : i32
      %broadcast_in_dim3A_250 = vector.broadcast %jit3A_249 : i32 to vector<16xi32>
      %select_n3A_251 = arith.select %eq3A_247, %sub3A_248, %broadcast_in_dim3A_250 : vector<16xi1>, vector<16xi32>
      %reduce_min3A_252 = arith.constant true
      %reduce_min3A_253 = vector.broadcast %reduce_min3A_252 : i1 to vector<16xi1>
      %reduce_min3A_254 = arith.constant -2147483648 : i32
      %reduce_min3A_255 = vector.broadcast %reduce_min3A_254 : i32 to vector<16xi32>
      %reduce_min3A_256 = arith.xori %select_n3A_251, %reduce_min3A_255 : vector<16xi32>
      %reduce_min3A_257 = tpu.scan <min>, %reduce_min3A_256 masked %reduce_min3A_253 : vector<16xi32>, vector<16xi1> -> vector<16xi32>
      %reduce_min3A_258 = arith.xori %reduce_min3A_257, %reduce_min3A_255 : vector<16xi32>
      %reduce_min3A_259 = vector.extract %reduce_min3A_258[15] : i32 from vector<16xi32>
      %mul3A_260 = arith.constant 16 : i32
      %mul3A_261 = vector.broadcast %mul3A_260 : i32 to vector<16xi32>
      %mul3A_262 = arith.muli %iota3A, %mul3A_261 : vector<16xi32>
      %add3A_263 = vector.broadcast %reduce_min3A_245 : i32 to vector<16xi32>
      %add3A_264 = arith.addi %mul3A_262, %add3A_263 : vector<16xi32>
      %gather3A_265 = tpu.vector_load_idx %arg8[%add3A_264] : memref<256xi32, #tpu.memory_space<vmem>>[vector<16xi32>], vector<16xi32>,
      %broadcast_in_dim3A_266 = arith.constant true
      %broadcast_in_dim3A_267 = vector.broadcast %broadcast_in_dim3A_266 : i1 to vector<16xi1>
      %masked_cumsum3A_268 = tpu.scan <sum>, %gather3A_265 masked %broadcast_in_dim3A_267 : vector<16xi32>, vector<16xi1> -> vector<16xi32>
      %add3A_269 = vector.broadcast %reduce_min3A_259 : i32 to vector<16xi32>
      %add3A_270 = arith.addi %masked_cumsum3A_268, %add3A_269 : vector<16xi32>
      %ge3A_271 = vector.broadcast %add3A_232 : i32 to vector<16xi32>
      %ge3A_272 = arith.cmpi sge, %add3A_270, %ge3A_271 : vector<16xi32>
      %mul3A_273 = arith.constant 16 : i32
      %mul3A_274 = arith.muli %reduce_min3A_245, %mul3A_273 : i32
      %jit3A_275 = arith.constant 2147483647 : i32
      %broadcast_in_dim3A_276 = vector.broadcast %jit3A_275 : i32 to vector<16xi32>
      %select_n3A_277 = arith.select %ge3A_272, %iota3A, %broadcast_in_dim3A_276 : vector<16xi1>, vector<16xi32>
      %reduce_min3A_278 = arith.constant true
      %reduce_min3A_279 = vector.broadcast %reduce_min3A_278 : i1 to vector<16xi1>
      %reduce_min3A_280 = arith.constant -2147483648 : i32
      %reduce_min3A_281 = vector.broadcast %reduce_min3A_280 : i32 to vector<16xi32>
      %reduce_min3A_282 = arith.xori %select_n3A_277, %reduce_min3A_281 : vector<16xi32>
      %reduce_min3A_283 = tpu.scan <min>, %reduce_min3A_282 masked %reduce_min3A_279 : vector<16xi32>, vector<16xi1> -> vector<16xi32>
      %reduce_min3A_284 = arith.xori %reduce_min3A_283, %reduce_min3A_281 : vector<16xi32>
      %reduce_min3A_285 = vector.extract %reduce_min3A_284[15] : i32 from vector<16xi32>
      %add3A_286 = arith.addi %mul3A_274, %reduce_min3A_285 : i32
      %jit3A_287 = arith.constant 2147483647 : i32
      %broadcast_in_dim3A_288 = vector.broadcast %jit3A_287 : i32 to vector<16xi32>
      %select_n3A_289 = arith.select %ge3A_272, %add3A_270, %broadcast_in_dim3A_288 : vector<16xi1>, vector<16xi32>
      %reduce_min3A_290 = arith.constant true
      %reduce_min3A_291 = vector.broadcast %reduce_min3A_290 : i1 to vector<16xi1>
      %reduce_min3A_292 = arith.constant -2147483648 : i32
      %reduce_min3A_293 = vector.broadcast %reduce_min3A_292 : i32 to vector<16xi32>
      %reduce_min3A_294 = arith.xori %select_n3A_289, %reduce_min3A_293 : vector<16xi32>
      %reduce_min3A_295 = tpu.scan <min>, %reduce_min3A_294 masked %reduce_min3A_291 : vector<16xi32>, vector<16xi1> -> vector<16xi32>
      %reduce_min3A_296 = arith.xori %reduce_min3A_295, %reduce_min3A_293 : vector<16xi32>
      %reduce_min3A_297 = vector.extract %reduce_min3A_296[15] : i32 from vector<16xi32>
      %sub3A_298 = arith.subi %reduce_max3A_229, %reduce_min3A_297 : i32
      %sub3A_299 = arith.subi %sub3A_146, %sub3A_298 : i32
      %mul3A_300 = arith.constant 256 : i32
      %mul3A_301 = arith.muli %add3A_132, %mul3A_300 : i32
      %add3A_302 = arith.addi %mul3A_301, %add3A_286 : i32
      %add3A_303 = arith.constant 15 : i32
      %add3A_304 = arith.addi %reduce_max3A_160, %add3A_303 : i32
      %shift_right_logical3A_305 = arith.constant 4 : i32
      %shift_right_logical3A_306 = arith.shrui %add3A_304, %shift_right_logical3A_305 : i32
      %broadcast_in_dim3A_307 = arith.constant 0 : i32
      %broadcast_in_dim3A_308 = vector.broadcast %broadcast_in_dim3A_307 : i32 to vector<16xi32>
      %parallel_loop3A_309 = arith.constant 0 : i32
      %parallel_loop3A_310 = arith.constant 1 : i32
      %parallel_loop3A_311 = scf.for %parallel_loop3A_604 = %parallel_loop3A_309 to %shift_right_logical3A_306 step %parallel_loop3A_310 iter_args(%parallel_loop3A_605 = %broadcast_in_dim3A_308) -> (vector<16xi32>)  : i32 {
        %parallel_loop3A_606 = arith.constant 16 : i32
        %parallel_loop3A_607 = arith.muli %parallel_loop3A_604, %parallel_loop3A_606 : i32
        %parallel_loop3A_608 = arith.index_cast %parallel_loop3A_607 : i32 to index
        %parallel_loop3A_609 = tpu.vector_load %arg6[%parallel_loop3A_608] {strides = array<i32>} : memref<32768xi32, #tpu.memory_space<vmem>>, vector<16xi32>,
        %parallel_loop3A_610 = arith.constant 16 : i32
        %parallel_loop3A_611 = arith.muli %parallel_loop3A_604, %parallel_loop3A_610 : i32
        %parallel_loop3A_612 = vector.broadcast %parallel_loop3A_611 : i32 to vector<16xi32>
        %parallel_loop3A_613 = arith.addi %parallel_loop3A_612, %iota3A : vector<16xi32>
        %parallel_loop3A_614 = vector.broadcast %reduce_max3A_160 : i32 to vector<16xi32>
        %parallel_loop3A_615 = arith.cmpi slt, %parallel_loop3A_613, %parallel_loop3A_614 : vector<16xi32>
        %parallel_loop3A_616 = arith.constant 15 : i32
        %parallel_loop3A_617 = vector.broadcast %parallel_loop3A_616 : i32 to vector<16xi32>
        %parallel_loop3A_618 = arith.shrui %parallel_loop3A_609, %parallel_loop3A_617 : vector<16xi32>
        %parallel_loop3A_619 = vector.broadcast %add3A_302 : i32 to vector<16xi32>
        %parallel_loop3A_620 = arith.cmpi eq, %parallel_loop3A_618, %parallel_loop3A_619 : vector<16xi32>
        %parallel_loop3A_621 = arith.andi %parallel_loop3A_615, %parallel_loop3A_620 : vector<16xi1>
        %parallel_loop3A_622 = arith.constant 7 : i32
        %parallel_loop3A_623 = vector.broadcast %parallel_loop3A_622 : i32 to vector<16xi32>
        %parallel_loop3A_624 = arith.shrui %parallel_loop3A_609, %parallel_loop3A_623 : vector<16xi32>
        %parallel_loop3A_625 = arith.constant 255 : i32
        %parallel_loop3A_626 = vector.broadcast %parallel_loop3A_625 : i32 to vector<16xi32>
        %parallel_loop3A_627 = arith.andi %parallel_loop3A_624, %parallel_loop3A_626 : vector<16xi32>
        %parallel_loop3A_628 = arith.addi %parallel_loop3A_627, %mul3A_3 : vector<16xi32>
        tpu.vector_store_idx %arg7[%parallel_loop3A_628], %broadcast_in_dim3A_4 masked %parallel_loop3A_621 {add = true} : memref<4096xi32, #tpu.memory_space<vmem>>[vector<16xi32>], vector<16xi32>, vector<16xi1>
        %parallel_loop3A_629 = arith.constant 1 : i32
        %parallel_loop3A_630 = arith.constant 0 : i32
        %parallel_loop3A_631 = vector.broadcast %parallel_loop3A_629 : i32 to vector<16xi32>
        %parallel_loop3A_632 = vector.broadcast %parallel_loop3A_630 : i32 to vector<16xi32>
        %parallel_loop3A_633 = arith.select %parallel_loop3A_621, %parallel_loop3A_631, %parallel_loop3A_632 : vector<16xi1>, vector<16xi32>
        %parallel_loop3A_634 = arith.constant true
        %parallel_loop3A_635 = vector.broadcast %parallel_loop3A_634 : i1 to vector<16xi1>
        %parallel_loop3A_636 = tpu.scan <sum>, %parallel_loop3A_633 masked %parallel_loop3A_635 : vector<16xi32>, vector<16xi1> -> vector<16xi32>
        %parallel_loop3A_637 = arith.addi %parallel_loop3A_605, %parallel_loop3A_636 : vector<16xi32>
        %parallel_loop3A_638 = arith.constant 1 : i32
        %parallel_loop3A_639 = vector.broadcast %parallel_loop3A_638 : i32 to vector<16xi32>
        %parallel_loop3A_640 = arith.subi %parallel_loop3A_637, %parallel_loop3A_639 : vector<16xi32>
        tpu.vector_store_idx %arg6[%parallel_loop3A_640], %parallel_loop3A_609 masked %parallel_loop3A_621 : memref<32768xi32, #tpu.memory_space<vmem>>[vector<16xi32>], vector<16xi32>, vector<16xi1>
        %parallel_loop3A_641 = tpu.all_reduce %parallel_loop3A_621 {dim = 0 : i64, kind = #tpu.reduction_kind<sum>} : vector<16xi1> -> vector<16xi32>
        %parallel_loop3A_642 = arith.addi %parallel_loop3A_605, %parallel_loop3A_641 : vector<16xi32>
        scf.yield %parallel_loop3A_642 : vector<16xi32>
      } {sc.loop_unroll_factor = 8 : i64, sc.parallel_access}
      %reduce_max3A_312 = arith.constant true
      %reduce_max3A_313 = vector.broadcast %reduce_max3A_312 : i1 to vector<16xi1>
      %reduce_max3A_314 = arith.constant -2147483648 : i32
      %reduce_max3A_315 = vector.broadcast %reduce_max3A_314 : i32 to vector<16xi32>
      %reduce_max3A_316 = arith.xori %parallel_loop3A_311, %reduce_max3A_315 : vector<16xi32>
      %reduce_max3A_317 = tpu.scan <max>, %reduce_max3A_316 masked %reduce_max3A_313 : vector<16xi32>, vector<16xi1> -> vector<16xi32>
      %reduce_max3A_318 = arith.xori %reduce_max3A_317, %reduce_max3A_315 : vector<16xi32>
      %reduce_max3A_319 = vector.extract %reduce_max3A_318[15] : i32 from vector<16xi32>
      %parallel_loop3A_320 = arith.constant 0 : i32
      %parallel_loop3A_321 = arith.constant 16 : i32
      %parallel_loop3A_322 = arith.constant 1 : i32
      scf.for %parallel_loop3A_604 = %parallel_loop3A_320 to %parallel_loop3A_321 step %parallel_loop3A_322  : i32 {
        %parallel_loop3A_605 = arith.constant 0 : i32
        %parallel_loop3A_606 = vector.broadcast %parallel_loop3A_605 : i32 to vector<16xi32>
        %parallel_loop3A_607 = arith.constant 0 : i32
        %parallel_loop3A_608 = vector.broadcast %parallel_loop3A_607 : i32 to vector<16xi32>
        %parallel_loop3A_609 = arith.constant 16 : i32
        %parallel_loop3A_610 = arith.muli %parallel_loop3A_604, %parallel_loop3A_609 : i32
        %parallel_loop3A_611 = arith.constant 0 : i32
        %parallel_loop3A_612 = arith.addi %parallel_loop3A_611, %parallel_loop3A_610 : i32
        %parallel_loop3A_613 = arith.index_cast %parallel_loop3A_612 : i32 to index
        %parallel_loop3A_614 = tpu.vector_load %arg7[%parallel_loop3A_613] {strides = array<i32>} : memref<4096xi32, #tpu.memory_space<vmem>>, vector<16xi32>,
        %parallel_loop3A_615 = arith.addi %parallel_loop3A_606, %parallel_loop3A_614 : vector<16xi32>
        %parallel_loop3A_616 = arith.constant 16 : i32
        %parallel_loop3A_617 = arith.muli %parallel_loop3A_604, %parallel_loop3A_616 : i32
        %parallel_loop3A_618 = arith.constant 0 : i32
        %parallel_loop3A_619 = arith.addi %parallel_loop3A_618, %parallel_loop3A_617 : i32
        %parallel_loop3A_620 = arith.index_cast %parallel_loop3A_619 : i32 to index
        %parallel_loop3A_621 = tpu.vector_load %arg7[%parallel_loop3A_620] {strides = array<i32>} : memref<4096xi32, #tpu.memory_space<vmem>>, vector<16xi32>,
        tpu.vector_store %arg7[%parallel_loop3A_620], %parallel_loop3A_608 {strides = array<i32>} : memref<4096xi32, #tpu.memory_space<vmem>>, vector<16xi32>,
        %parallel_loop3A_622 = arith.constant 16 : i32
        %parallel_loop3A_623 = arith.muli %parallel_loop3A_604, %parallel_loop3A_622 : i32
        %parallel_loop3A_624 = arith.constant 256 : i32
        %parallel_loop3A_625 = arith.addi %parallel_loop3A_624, %parallel_loop3A_623 : i32
        %parallel_loop3A_626 = arith.index_cast %parallel_loop3A_625 : i32 to index
        %parallel_loop3A_627 = tpu.vector_load %arg7[%parallel_loop3A_626] {strides = array<i32>} : memref<4096xi32, #tpu.memory_space<vmem>>, vector<16xi32>,
        %parallel_loop3A_628 = arith.addi %parallel_loop3A_615, %parallel_loop3A_627 : vector<16xi32>
        %parallel_loop3A_629 = arith.constant 16 : i32
        %parallel_loop3A_630 = arith.muli %parallel_loop3A_604, %parallel_loop3A_629 : i32
        %parallel_loop3A_631 = arith.constant 256 : i32
        %parallel_loop3A_632 = arith.addi %parallel_loop3A_631, %parallel_loop3A_630 : i32
        %parallel_loop3A_633 = arith.index_cast %parallel_loop3A_632 : i32 to index
        %parallel_loop3A_634 = tpu.vector_load %arg7[%parallel_loop3A_633] {strides = array<i32>} : memref<4096xi32, #tpu.memory_space<vmem>>, vector<16xi32>,
        tpu.vector_store %arg7[%parallel_loop3A_633], %parallel_loop3A_608 {strides = array<i32>} : memref<4096xi32, #tpu.memory_space<vmem>>, vector<16xi32>,
        %parallel_loop3A_635 = arith.constant 16 : i32
        %parallel_loop3A_636 = arith.muli %parallel_loop3A_604, %parallel_loop3A_635 : i32
        %parallel_loop3A_637 = arith.constant 512 : i32
        %parallel_loop3A_638 = arith.addi %parallel_loop3A_637, %parallel_loop3A_636 : i32
        %parallel_loop3A_639 = arith.index_cast %parallel_loop3A_638 : i32 to index
        %parallel_loop3A_640 = tpu.vector_load %arg7[%parallel_loop3A_639] {strides = array<i32>} : memref<4096xi32, #tpu.memory_space<vmem>>, vector<16xi32>,
        %parallel_loop3A_641 = arith.addi %parallel_loop3A_628, %parallel_loop3A_640 : vector<16xi32>
        %parallel_loop3A_642 = arith.constant 16 : i32
        %parallel_loop3A_643 = arith.muli %parallel_loop3A_604, %parallel_loop3A_642 : i32
        %parallel_loop3A_644 = arith.constant 512 : i32
        %parallel_loop3A_645 = arith.addi %parallel_loop3A_644, %parallel_loop3A_643 : i32
        %parallel_loop3A_646 = arith.index_cast %parallel_loop3A_645 : i32 to index
        %parallel_loop3A_647 = tpu.vector_load %arg7[%parallel_loop3A_646] {strides = array<i32>} : memref<4096xi32, #tpu.memory_space<vmem>>, vector<16xi32>,
        tpu.vector_store %arg7[%parallel_loop3A_646], %parallel_loop3A_608 {strides = array<i32>} : memref<4096xi32, #tpu.memory_space<vmem>>, vector<16xi32>,
        %parallel_loop3A_648 = arith.constant 16 : i32
        %parallel_loop3A_649 = arith.muli %parallel_loop3A_604, %parallel_loop3A_648 : i32
        %parallel_loop3A_650 = arith.constant 768 : i32
        %parallel_loop3A_651 = arith.addi %parallel_loop3A_650, %parallel_loop3A_649 : i32
        %parallel_loop3A_652 = arith.index_cast %parallel_loop3A_651 : i32 to index
        %parallel_loop3A_653 = tpu.vector_load %arg7[%parallel_loop3A_652] {strides = array<i32>} : memref<4096xi32, #tpu.memory_space<vmem>>, vector<16xi32>,
        %parallel_loop3A_654 = arith.addi %parallel_loop3A_641, %parallel_loop3A_653 : vector<16xi32>
        %parallel_loop3A_655 = arith.constant 16 : i32
        %parallel_loop3A_656 = arith.muli %parallel_loop3A_604, %parallel_loop3A_655 : i32
        %parallel_loop3A_657 = arith.constant 768 : i32
        %parallel_loop3A_658 = arith.addi %parallel_loop3A_657, %parallel_loop3A_656 : i32
        %parallel_loop3A_659 = arith.index_cast %parallel_loop3A_658 : i32 to index
        %parallel_loop3A_660 = tpu.vector_load %arg7[%parallel_loop3A_659] {strides = array<i32>} : memref<4096xi32, #tpu.memory_space<vmem>>, vector<16xi32>,
        tpu.vector_store %arg7[%parallel_loop3A_659], %parallel_loop3A_608 {strides = array<i32>} : memref<4096xi32, #tpu.memory_space<vmem>>, vector<16xi32>,
        %parallel_loop3A_661 = arith.constant 16 : i32
        %parallel_loop3A_662 = arith.muli %parallel_loop3A_604, %parallel_loop3A_661 : i32
        %parallel_loop3A_663 = arith.constant 1024 : i32
        %parallel_loop3A_664 = arith.addi %parallel_loop3A_663, %parallel_loop3A_662 : i32
        %parallel_loop3A_665 = arith.index_cast %parallel_loop3A_664 : i32 to index
        %parallel_loop3A_666 = tpu.vector_load %arg7[%parallel_loop3A_665] {strides = array<i32>} : memref<4096xi32, #tpu.memory_space<vmem>>, vector<16xi32>,
        %parallel_loop3A_667 = arith.addi %parallel_loop3A_654, %parallel_loop3A_666 : vector<16xi32>
        %parallel_loop3A_668 = arith.constant 16 : i32
        %parallel_loop3A_669 = arith.muli %parallel_loop3A_604, %parallel_loop3A_668 : i32
        %parallel_loop3A_670 = arith.constant 1024 : i32
        %parallel_loop3A_671 = arith.addi %parallel_loop3A_670, %parallel_loop3A_669 : i32
        %parallel_loop3A_672 = arith.index_cast %parallel_loop3A_671 : i32 to index
        %parallel_loop3A_673 = tpu.vector_load %arg7[%parallel_loop3A_672] {strides = array<i32>} : memref<4096xi32, #tpu.memory_space<vmem>>, vector<16xi32>,
        tpu.vector_store %arg7[%parallel_loop3A_672], %parallel_loop3A_608 {strides = array<i32>} : memref<4096xi32, #tpu.memory_space<vmem>>, vector<16xi32>,
        %parallel_loop3A_674 = arith.constant 16 : i32
        %parallel_loop3A_675 = arith.muli %parallel_loop3A_604, %parallel_loop3A_674 : i32
        %parallel_loop3A_676 = arith.constant 1280 : i32
        %parallel_loop3A_677 = arith.addi %parallel_loop3A_676, %parallel_loop3A_675 : i32
        %parallel_loop3A_678 = arith.index_cast %parallel_loop3A_677 : i32 to index
        %parallel_loop3A_679 = tpu.vector_load %arg7[%parallel_loop3A_678] {strides = array<i32>} : memref<4096xi32, #tpu.memory_space<vmem>>, vector<16xi32>,
        %parallel_loop3A_680 = arith.addi %parallel_loop3A_667, %parallel_loop3A_679 : vector<16xi32>
        %parallel_loop3A_681 = arith.constant 16 : i32
        %parallel_loop3A_682 = arith.muli %parallel_loop3A_604, %parallel_loop3A_681 : i32
        %parallel_loop3A_683 = arith.constant 1280 : i32
        %parallel_loop3A_684 = arith.addi %parallel_loop3A_683, %parallel_loop3A_682 : i32
        %parallel_loop3A_685 = arith.index_cast %parallel_loop3A_684 : i32 to index
        %parallel_loop3A_686 = tpu.vector_load %arg7[%parallel_loop3A_685] {strides = array<i32>} : memref<4096xi32, #tpu.memory_space<vmem>>, vector<16xi32>,
        tpu.vector_store %arg7[%parallel_loop3A_685], %parallel_loop3A_608 {strides = array<i32>} : memref<4096xi32, #tpu.memory_space<vmem>>, vector<16xi32>,
        %parallel_loop3A_687 = arith.constant 16 : i32
        %parallel_loop3A_688 = arith.muli %parallel_loop3A_604, %parallel_loop3A_687 : i32
        %parallel_loop3A_689 = arith.constant 1536 : i32
        %parallel_loop3A_690 = arith.addi %parallel_loop3A_689, %parallel_loop3A_688 : i32
        %parallel_loop3A_691 = arith.index_cast %parallel_loop3A_690 : i32 to index
        %parallel_loop3A_692 = tpu.vector_load %arg7[%parallel_loop3A_691] {strides = array<i32>} : memref<4096xi32, #tpu.memory_space<vmem>>, vector<16xi32>,
        %parallel_loop3A_693 = arith.addi %parallel_loop3A_680, %parallel_loop3A_692 : vector<16xi32>
        %parallel_loop3A_694 = arith.constant 16 : i32
        %parallel_loop3A_695 = arith.muli %parallel_loop3A_604, %parallel_loop3A_694 : i32
        %parallel_loop3A_696 = arith.constant 1536 : i32
        %parallel_loop3A_697 = arith.addi %parallel_loop3A_696, %parallel_loop3A_695 : i32
        %parallel_loop3A_698 = arith.index_cast %parallel_loop3A_697 : i32 to index
        %parallel_loop3A_699 = tpu.vector_load %arg7[%parallel_loop3A_698] {strides = array<i32>} : memref<4096xi32, #tpu.memory_space<vmem>>, vector<16xi32>,
        tpu.vector_store %arg7[%parallel_loop3A_698], %parallel_loop3A_608 {strides = array<i32>} : memref<4096xi32, #tpu.memory_space<vmem>>, vector<16xi32>,
        %parallel_loop3A_700 = arith.constant 16 : i32
        %parallel_loop3A_701 = arith.muli %parallel_loop3A_604, %parallel_loop3A_700 : i32
        %parallel_loop3A_702 = arith.constant 1792 : i32
        %parallel_loop3A_703 = arith.addi %parallel_loop3A_702, %parallel_loop3A_701 : i32
        %parallel_loop3A_704 = arith.index_cast %parallel_loop3A_703 : i32 to index
        %parallel_loop3A_705 = tpu.vector_load %arg7[%parallel_loop3A_704] {strides = array<i32>} : memref<4096xi32, #tpu.memory_space<vmem>>, vector<16xi32>,
        %parallel_loop3A_706 = arith.addi %parallel_loop3A_693, %parallel_loop3A_705 : vector<16xi32>
        %parallel_loop3A_707 = arith.constant 16 : i32
        %parallel_loop3A_708 = arith.muli %parallel_loop3A_604, %parallel_loop3A_707 : i32
        %parallel_loop3A_709 = arith.constant 1792 : i32
        %parallel_loop3A_710 = arith.addi %parallel_loop3A_709, %parallel_loop3A_708 : i32
        %parallel_loop3A_711 = arith.index_cast %parallel_loop3A_710 : i32 to index
        %parallel_loop3A_712 = tpu.vector_load %arg7[%parallel_loop3A_711] {strides = array<i32>} : memref<4096xi32, #tpu.memory_space<vmem>>, vector<16xi32>,
        tpu.vector_store %arg7[%parallel_loop3A_711], %parallel_loop3A_608 {strides = array<i32>} : memref<4096xi32, #tpu.memory_space<vmem>>, vector<16xi32>,
        %parallel_loop3A_713 = arith.constant 16 : i32
        %parallel_loop3A_714 = arith.muli %parallel_loop3A_604, %parallel_loop3A_713 : i32
        %parallel_loop3A_715 = arith.constant 2048 : i32
        %parallel_loop3A_716 = arith.addi %parallel_loop3A_715, %parallel_loop3A_714 : i32
        %parallel_loop3A_717 = arith.index_cast %parallel_loop3A_716 : i32 to index
        %parallel_loop3A_718 = tpu.vector_load %arg7[%parallel_loop3A_717] {strides = array<i32>} : memref<4096xi32, #tpu.memory_space<vmem>>, vector<16xi32>,
        %parallel_loop3A_719 = arith.addi %parallel_loop3A_706, %parallel_loop3A_718 : vector<16xi32>
        %parallel_loop3A_720 = arith.constant 16 : i32
        %parallel_loop3A_721 = arith.muli %parallel_loop3A_604, %parallel_loop3A_720 : i32
        %parallel_loop3A_722 = arith.constant 2048 : i32
        %parallel_loop3A_723 = arith.addi %parallel_loop3A_722, %parallel_loop3A_721 : i32
        %parallel_loop3A_724 = arith.index_cast %parallel_loop3A_723 : i32 to index
        %parallel_loop3A_725 = tpu.vector_load %arg7[%parallel_loop3A_724] {strides = array<i32>} : memref<4096xi32, #tpu.memory_space<vmem>>, vector<16xi32>,
        tpu.vector_store %arg7[%parallel_loop3A_724], %parallel_loop3A_608 {strides = array<i32>} : memref<4096xi32, #tpu.memory_space<vmem>>, vector<16xi32>,
        %parallel_loop3A_726 = arith.constant 16 : i32
        %parallel_loop3A_727 = arith.muli %parallel_loop3A_604, %parallel_loop3A_726 : i32
        %parallel_loop3A_728 = arith.constant 2304 : i32
        %parallel_loop3A_729 = arith.addi %parallel_loop3A_728, %parallel_loop3A_727 : i32
        %parallel_loop3A_730 = arith.index_cast %parallel_loop3A_729 : i32 to index
        %parallel_loop3A_731 = tpu.vector_load %arg7[%parallel_loop3A_730] {strides = array<i32>} : memref<4096xi32, #tpu.memory_space<vmem>>, vector<16xi32>,
        %parallel_loop3A_732 = arith.addi %parallel_loop3A_719, %parallel_loop3A_731 : vector<16xi32>
        %parallel_loop3A_733 = arith.constant 16 : i32
        %parallel_loop3A_734 = arith.muli %parallel_loop3A_604, %parallel_loop3A_733 : i32
        %parallel_loop3A_735 = arith.constant 2304 : i32
        %parallel_loop3A_736 = arith.addi %parallel_loop3A_735, %parallel_loop3A_734 : i32
        %parallel_loop3A_737 = arith.index_cast %parallel_loop3A_736 : i32 to index
        %parallel_loop3A_738 = tpu.vector_load %arg7[%parallel_loop3A_737] {strides = array<i32>} : memref<4096xi32, #tpu.memory_space<vmem>>, vector<16xi32>,
        tpu.vector_store %arg7[%parallel_loop3A_737], %parallel_loop3A_608 {strides = array<i32>} : memref<4096xi32, #tpu.memory_space<vmem>>, vector<16xi32>,
        %parallel_loop3A_739 = arith.constant 16 : i32
        %parallel_loop3A_740 = arith.muli %parallel_loop3A_604, %parallel_loop3A_739 : i32
        %parallel_loop3A_741 = arith.constant 2560 : i32
        %parallel_loop3A_742 = arith.addi %parallel_loop3A_741, %parallel_loop3A_740 : i32
        %parallel_loop3A_743 = arith.index_cast %parallel_loop3A_742 : i32 to index
        %parallel_loop3A_744 = tpu.vector_load %arg7[%parallel_loop3A_743] {strides = array<i32>} : memref<4096xi32, #tpu.memory_space<vmem>>, vector<16xi32>,
        %parallel_loop3A_745 = arith.addi %parallel_loop3A_732, %parallel_loop3A_744 : vector<16xi32>
        %parallel_loop3A_746 = arith.constant 16 : i32
        %parallel_loop3A_747 = arith.muli %parallel_loop3A_604, %parallel_loop3A_746 : i32
        %parallel_loop3A_748 = arith.constant 2560 : i32
        %parallel_loop3A_749 = arith.addi %parallel_loop3A_748, %parallel_loop3A_747 : i32
        %parallel_loop3A_750 = arith.index_cast %parallel_loop3A_749 : i32 to index
        %parallel_loop3A_751 = tpu.vector_load %arg7[%parallel_loop3A_750] {strides = array<i32>} : memref<4096xi32, #tpu.memory_space<vmem>>, vector<16xi32>,
        tpu.vector_store %arg7[%parallel_loop3A_750], %parallel_loop3A_608 {strides = array<i32>} : memref<4096xi32, #tpu.memory_space<vmem>>, vector<16xi32>,
        %parallel_loop3A_752 = arith.constant 16 : i32
        %parallel_loop3A_753 = arith.muli %parallel_loop3A_604, %parallel_loop3A_752 : i32
        %parallel_loop3A_754 = arith.constant 2816 : i32
        %parallel_loop3A_755 = arith.addi %parallel_loop3A_754, %parallel_loop3A_753 : i32
        %parallel_loop3A_756 = arith.index_cast %parallel_loop3A_755 : i32 to index
        %parallel_loop3A_757 = tpu.vector_load %arg7[%parallel_loop3A_756] {strides = array<i32>} : memref<4096xi32, #tpu.memory_space<vmem>>, vector<16xi32>,
        %parallel_loop3A_758 = arith.addi %parallel_loop3A_745, %parallel_loop3A_757 : vector<16xi32>
        %parallel_loop3A_759 = arith.constant 16 : i32
        %parallel_loop3A_760 = arith.muli %parallel_loop3A_604, %parallel_loop3A_759 : i32
        %parallel_loop3A_761 = arith.constant 2816 : i32
        %parallel_loop3A_762 = arith.addi %parallel_loop3A_761, %parallel_loop3A_760 : i32
        %parallel_loop3A_763 = arith.index_cast %parallel_loop3A_762 : i32 to index
        %parallel_loop3A_764 = tpu.vector_load %arg7[%parallel_loop3A_763] {strides = array<i32>} : memref<4096xi32, #tpu.memory_space<vmem>>, vector<16xi32>,
        tpu.vector_store %arg7[%parallel_loop3A_763], %parallel_loop3A_608 {strides = array<i32>} : memref<4096xi32, #tpu.memory_space<vmem>>, vector<16xi32>,
        %parallel_loop3A_765 = arith.constant 16 : i32
        %parallel_loop3A_766 = arith.muli %parallel_loop3A_604, %parallel_loop3A_765 : i32
        %parallel_loop3A_767 = arith.constant 3072 : i32
        %parallel_loop3A_768 = arith.addi %parallel_loop3A_767, %parallel_loop3A_766 : i32
        %parallel_loop3A_769 = arith.index_cast %parallel_loop3A_768 : i32 to index
        %parallel_loop3A_770 = tpu.vector_load %arg7[%parallel_loop3A_769] {strides = array<i32>} : memref<4096xi32, #tpu.memory_space<vmem>>, vector<16xi32>,
        %parallel_loop3A_771 = arith.addi %parallel_loop3A_758, %parallel_loop3A_770 : vector<16xi32>
        %parallel_loop3A_772 = arith.constant 16 : i32
        %parallel_loop3A_773 = arith.muli %parallel_loop3A_604, %parallel_loop3A_772 : i32
        %parallel_loop3A_774 = arith.constant 3072 : i32
        %parallel_loop3A_775 = arith.addi %parallel_loop3A_774, %parallel_loop3A_773 : i32
        %parallel_loop3A_776 = arith.index_cast %parallel_loop3A_775 : i32 to index
        %parallel_loop3A_777 = tpu.vector_load %arg7[%parallel_loop3A_776] {strides = array<i32>} : memref<4096xi32, #tpu.memory_space<vmem>>, vector<16xi32>,
        tpu.vector_store %arg7[%parallel_loop3A_776], %parallel_loop3A_608 {strides = array<i32>} : memref<4096xi32, #tpu.memory_space<vmem>>, vector<16xi32>,
        %parallel_loop3A_778 = arith.constant 16 : i32
        %parallel_loop3A_779 = arith.muli %parallel_loop3A_604, %parallel_loop3A_778 : i32
        %parallel_loop3A_780 = arith.constant 3328 : i32
        %parallel_loop3A_781 = arith.addi %parallel_loop3A_780, %parallel_loop3A_779 : i32
        %parallel_loop3A_782 = arith.index_cast %parallel_loop3A_781 : i32 to index
        %parallel_loop3A_783 = tpu.vector_load %arg7[%parallel_loop3A_782] {strides = array<i32>} : memref<4096xi32, #tpu.memory_space<vmem>>, vector<16xi32>,
        %parallel_loop3A_784 = arith.addi %parallel_loop3A_771, %parallel_loop3A_783 : vector<16xi32>
        %parallel_loop3A_785 = arith.constant 16 : i32
        %parallel_loop3A_786 = arith.muli %parallel_loop3A_604, %parallel_loop3A_785 : i32
        %parallel_loop3A_787 = arith.constant 3328 : i32
        %parallel_loop3A_788 = arith.addi %parallel_loop3A_787, %parallel_loop3A_786 : i32
        %parallel_loop3A_789 = arith.index_cast %parallel_loop3A_788 : i32 to index
        %parallel_loop3A_790 = tpu.vector_load %arg7[%parallel_loop3A_789] {strides = array<i32>} : memref<4096xi32, #tpu.memory_space<vmem>>, vector<16xi32>,
        tpu.vector_store %arg7[%parallel_loop3A_789], %parallel_loop3A_608 {strides = array<i32>} : memref<4096xi32, #tpu.memory_space<vmem>>, vector<16xi32>,
        %parallel_loop3A_791 = arith.constant 16 : i32
        %parallel_loop3A_792 = arith.muli %parallel_loop3A_604, %parallel_loop3A_791 : i32
        %parallel_loop3A_793 = arith.constant 3584 : i32
        %parallel_loop3A_794 = arith.addi %parallel_loop3A_793, %parallel_loop3A_792 : i32
        %parallel_loop3A_795 = arith.index_cast %parallel_loop3A_794 : i32 to index
        %parallel_loop3A_796 = tpu.vector_load %arg7[%parallel_loop3A_795] {strides = array<i32>} : memref<4096xi32, #tpu.memory_space<vmem>>, vector<16xi32>,
        %parallel_loop3A_797 = arith.addi %parallel_loop3A_784, %parallel_loop3A_796 : vector<16xi32>
        %parallel_loop3A_798 = arith.constant 16 : i32
        %parallel_loop3A_799 = arith.muli %parallel_loop3A_604, %parallel_loop3A_798 : i32
        %parallel_loop3A_800 = arith.constant 3584 : i32
        %parallel_loop3A_801 = arith.addi %parallel_loop3A_800, %parallel_loop3A_799 : i32
        %parallel_loop3A_802 = arith.index_cast %parallel_loop3A_801 : i32 to index
        %parallel_loop3A_803 = tpu.vector_load %arg7[%parallel_loop3A_802] {strides = array<i32>} : memref<4096xi32, #tpu.memory_space<vmem>>, vector<16xi32>,
        tpu.vector_store %arg7[%parallel_loop3A_802], %parallel_loop3A_608 {strides = array<i32>} : memref<4096xi32, #tpu.memory_space<vmem>>, vector<16xi32>,
        %parallel_loop3A_804 = arith.constant 16 : i32
        %parallel_loop3A_805 = arith.muli %parallel_loop3A_604, %parallel_loop3A_804 : i32
        %parallel_loop3A_806 = arith.constant 3840 : i32
        %parallel_loop3A_807 = arith.addi %parallel_loop3A_806, %parallel_loop3A_805 : i32
        %parallel_loop3A_808 = arith.index_cast %parallel_loop3A_807 : i32 to index
        %parallel_loop3A_809 = tpu.vector_load %arg7[%parallel_loop3A_808] {strides = array<i32>} : memref<4096xi32, #tpu.memory_space<vmem>>, vector<16xi32>,
        %parallel_loop3A_810 = arith.addi %parallel_loop3A_797, %parallel_loop3A_809 : vector<16xi32>
        %parallel_loop3A_811 = arith.constant 16 : i32
        %parallel_loop3A_812 = arith.muli %parallel_loop3A_604, %parallel_loop3A_811 : i32
        %parallel_loop3A_813 = arith.constant 3840 : i32
        %parallel_loop3A_814 = arith.addi %parallel_loop3A_813, %parallel_loop3A_812 : i32
        %parallel_loop3A_815 = arith.index_cast %parallel_loop3A_814 : i32 to index
        %parallel_loop3A_816 = tpu.vector_load %arg7[%parallel_loop3A_815] {strides = array<i32>} : memref<4096xi32, #tpu.memory_space<vmem>>, vector<16xi32>,
        tpu.vector_store %arg7[%parallel_loop3A_815], %parallel_loop3A_608 {strides = array<i32>} : memref<4096xi32, #tpu.memory_space<vmem>>, vector<16xi32>,
        %parallel_loop3A_817 = arith.constant 16 : i32
        %parallel_loop3A_818 = vector.broadcast %parallel_loop3A_817 : i32 to vector<16xi32>
        %parallel_loop3A_819 = arith.muli %iota3A, %parallel_loop3A_818 : vector<16xi32>
        %parallel_loop3A_820 = vector.broadcast %parallel_loop3A_604 : i32 to vector<16xi32>
        %parallel_loop3A_821 = arith.addi %parallel_loop3A_819, %parallel_loop3A_820 : vector<16xi32>
        tpu.vector_store_idx %arg8[%parallel_loop3A_821], %parallel_loop3A_810 : memref<256xi32, #tpu.memory_space<vmem>>[vector<16xi32>], vector<16xi32>,
      } {sc.loop_unroll_factor = 1 : i64, sc.parallel_access}
      %broadcast_in_dim3A_323 = arith.constant 0 : i32
      %broadcast_in_dim3A_324 = vector.broadcast %broadcast_in_dim3A_323 : i32 to vector<16xi32>
      %get3A_325 = arith.constant 0 : index
      %get3A_326 = tpu.vector_load %arg8[%get3A_325] {strides = array<i32>} : memref<256xi32, #tpu.memory_space<vmem>>, vector<16xi32>,
      %add3A_327 = arith.addi %broadcast_in_dim3A_324, %get3A_326 : vector<16xi32>
      %get3A_328 = arith.constant 16 : index
      %get3A_329 = tpu.vector_load %arg8[%get3A_328] {strides = array<i32>} : memref<256xi32, #tpu.memory_space<vmem>>, vector<16xi32>,
      %add3A_330 = arith.addi %add3A_327, %get3A_329 : vector<16xi32>
      %get3A_331 = arith.constant 32 : index
      %get3A_332 = tpu.vector_load %arg8[%get3A_331] {strides = array<i32>} : memref<256xi32, #tpu.memory_space<vmem>>, vector<16xi32>,
      %add3A_333 = arith.addi %add3A_330, %get3A_332 : vector<16xi32>
      %get3A_334 = arith.constant 48 : index
      %get3A_335 = tpu.vector_load %arg8[%get3A_334] {strides = array<i32>} : memref<256xi32, #tpu.memory_space<vmem>>, vector<16xi32>,
      %add3A_336 = arith.addi %add3A_333, %get3A_335 : vector<16xi32>
      %get3A_337 = arith.constant 64 : index
      %get3A_338 = tpu.vector_load %arg8[%get3A_337] {strides = array<i32>} : memref<256xi32, #tpu.memory_space<vmem>>, vector<16xi32>,
      %add3A_339 = arith.addi %add3A_336, %get3A_338 : vector<16xi32>
      %get3A_340 = arith.constant 80 : index
      %get3A_341 = tpu.vector_load %arg8[%get3A_340] {strides = array<i32>} : memref<256xi32, #tpu.memory_space<vmem>>, vector<16xi32>,
      %add3A_342 = arith.addi %add3A_339, %get3A_341 : vector<16xi32>
      %get3A_343 = arith.constant 96 : index
      %get3A_344 = tpu.vector_load %arg8[%get3A_343] {strides = array<i32>} : memref<256xi32, #tpu.memory_space<vmem>>, vector<16xi32>,
      %add3A_345 = arith.addi %add3A_342, %get3A_344 : vector<16xi32>
      %get3A_346 = arith.constant 112 : index
      %get3A_347 = tpu.vector_load %arg8[%get3A_346] {strides = array<i32>} : memref<256xi32, #tpu.memory_space<vmem>>, vector<16xi32>,
      %add3A_348 = arith.addi %add3A_345, %get3A_347 : vector<16xi32>
      %get3A_349 = arith.constant 128 : index
      %get3A_350 = tpu.vector_load %arg8[%get3A_349] {strides = array<i32>} : memref<256xi32, #tpu.memory_space<vmem>>, vector<16xi32>,
      %add3A_351 = arith.addi %add3A_348, %get3A_350 : vector<16xi32>
      %get3A_352 = arith.constant 144 : index
      %get3A_353 = tpu.vector_load %arg8[%get3A_352] {strides = array<i32>} : memref<256xi32, #tpu.memory_space<vmem>>, vector<16xi32>,
      %add3A_354 = arith.addi %add3A_351, %get3A_353 : vector<16xi32>
      %get3A_355 = arith.constant 160 : index
      %get3A_356 = tpu.vector_load %arg8[%get3A_355] {strides = array<i32>} : memref<256xi32, #tpu.memory_space<vmem>>, vector<16xi32>,
      %add3A_357 = arith.addi %add3A_354, %get3A_356 : vector<16xi32>
      %get3A_358 = arith.constant 176 : index
      %get3A_359 = tpu.vector_load %arg8[%get3A_358] {strides = array<i32>} : memref<256xi32, #tpu.memory_space<vmem>>, vector<16xi32>,
      %add3A_360 = arith.addi %add3A_357, %get3A_359 : vector<16xi32>
      %get3A_361 = arith.constant 192 : index
      %get3A_362 = tpu.vector_load %arg8[%get3A_361] {strides = array<i32>} : memref<256xi32, #tpu.memory_space<vmem>>, vector<16xi32>,
      %add3A_363 = arith.addi %add3A_360, %get3A_362 : vector<16xi32>
      %get3A_364 = arith.constant 208 : index
      %get3A_365 = tpu.vector_load %arg8[%get3A_364] {strides = array<i32>} : memref<256xi32, #tpu.memory_space<vmem>>, vector<16xi32>,
      %add3A_366 = arith.addi %add3A_363, %get3A_365 : vector<16xi32>
      %get3A_367 = arith.constant 224 : index
      %get3A_368 = tpu.vector_load %arg8[%get3A_367] {strides = array<i32>} : memref<256xi32, #tpu.memory_space<vmem>>, vector<16xi32>,
      %add3A_369 = arith.addi %add3A_366, %get3A_368 : vector<16xi32>
      %get3A_370 = arith.constant 240 : index
      %get3A_371 = tpu.vector_load %arg8[%get3A_370] {strides = array<i32>} : memref<256xi32, #tpu.memory_space<vmem>>, vector<16xi32>,
      %add3A_372 = arith.addi %add3A_369, %get3A_371 : vector<16xi32>
      %broadcast_in_dim3A_373 = arith.constant true
      %broadcast_in_dim3A_374 = vector.broadcast %broadcast_in_dim3A_373 : i1 to vector<16xi1>
      %masked_cumsum3A_375 = tpu.scan <sum>, %add3A_372 masked %broadcast_in_dim3A_374 : vector<16xi32>, vector<16xi1> -> vector<16xi32>
      %reduce_max3A_376 = arith.constant true
      %reduce_max3A_377 = vector.broadcast %reduce_max3A_376 : i1 to vector<16xi1>
      %reduce_max3A_378 = arith.constant -2147483648 : i32
      %reduce_max3A_379 = vector.broadcast %reduce_max3A_378 : i32 to vector<16xi32>
      %reduce_max3A_380 = arith.xori %masked_cumsum3A_375, %reduce_max3A_379 : vector<16xi32>
      %reduce_max3A_381 = tpu.scan <max>, %reduce_max3A_380 masked %reduce_max3A_377 : vector<16xi32>, vector<16xi1> -> vector<16xi32>
      %reduce_max3A_382 = arith.xori %reduce_max3A_381, %reduce_max3A_379 : vector<16xi32>
      %reduce_max3A_383 = vector.extract %reduce_max3A_382[15] : i32 from vector<16xi32>
      %sub3A_384 = arith.subi %reduce_max3A_383, %sub3A_299 : i32
      %add3A_385 = arith.constant 1 : i32
      %add3A_386 = arith.addi %sub3A_384, %add3A_385 : i32
      %ge3A_387 = vector.broadcast %add3A_386 : i32 to vector<16xi32>
      %ge3A_388 = arith.cmpi sge, %masked_cumsum3A_375, %ge3A_387 : vector<16xi32>
      %jit3A_389 = arith.constant 2147483647 : i32
      %broadcast_in_dim3A_390 = vector.broadcast %jit3A_389 : i32 to vector<16xi32>
      %select_n3A_391 = arith.select %ge3A_388, %iota3A, %broadcast_in_dim3A_390 : vector<16xi1>, vector<16xi32>
      %reduce_min3A_392 = arith.constant true
      %reduce_min3A_393 = vector.broadcast %reduce_min3A_392 : i1 to vector<16xi1>
      %reduce_min3A_394 = arith.constant -2147483648 : i32
      %reduce_min3A_395 = vector.broadcast %reduce_min3A_394 : i32 to vector<16xi32>
      %reduce_min3A_396 = arith.xori %select_n3A_391, %reduce_min3A_395 : vector<16xi32>
      %reduce_min3A_397 = tpu.scan <min>, %reduce_min3A_396 masked %reduce_min3A_393 : vector<16xi32>, vector<16xi1> -> vector<16xi32>
      %reduce_min3A_398 = arith.xori %reduce_min3A_397, %reduce_min3A_395 : vector<16xi32>
      %reduce_min3A_399 = vector.extract %reduce_min3A_398[15] : i32 from vector<16xi32>
      %eq3A_400 = vector.broadcast %reduce_min3A_399 : i32 to vector<16xi32>
      %eq3A_401 = arith.cmpi eq, %iota3A, %eq3A_400 : vector<16xi32>
      %sub3A_402 = arith.subi %masked_cumsum3A_375, %add3A_372 : vector<16xi32>
      %jit3A_403 = arith.constant 2147483647 : i32
      %broadcast_in_dim3A_404 = vector.broadcast %jit3A_403 : i32 to vector<16xi32>
      %select_n3A_405 = arith.select %eq3A_401, %sub3A_402, %broadcast_in_dim3A_404 : vector<16xi1>, vector<16xi32>
      %reduce_min3A_406 = arith.constant true
      %reduce_min3A_407 = vector.broadcast %reduce_min3A_406 : i1 to vector<16xi1>
      %reduce_min3A_408 = arith.constant -2147483648 : i32
      %reduce_min3A_409 = vector.broadcast %reduce_min3A_408 : i32 to vector<16xi32>
      %reduce_min3A_410 = arith.xori %select_n3A_405, %reduce_min3A_409 : vector<16xi32>
      %reduce_min3A_411 = tpu.scan <min>, %reduce_min3A_410 masked %reduce_min3A_407 : vector<16xi32>, vector<16xi1> -> vector<16xi32>
      %reduce_min3A_412 = arith.xori %reduce_min3A_411, %reduce_min3A_409 : vector<16xi32>
      %reduce_min3A_413 = vector.extract %reduce_min3A_412[15] : i32 from vector<16xi32>
      %mul3A_414 = arith.constant 16 : i32
      %mul3A_415 = vector.broadcast %mul3A_414 : i32 to vector<16xi32>
      %mul3A_416 = arith.muli %iota3A, %mul3A_415 : vector<16xi32>
      %add3A_417 = vector.broadcast %reduce_min3A_399 : i32 to vector<16xi32>
      %add3A_418 = arith.addi %mul3A_416, %add3A_417 : vector<16xi32>
      %gather3A_419 = tpu.vector_load_idx %arg8[%add3A_418] : memref<256xi32, #tpu.memory_space<vmem>>[vector<16xi32>], vector<16xi32>,
      %broadcast_in_dim3A_420 = arith.constant true
      %broadcast_in_dim3A_421 = vector.broadcast %broadcast_in_dim3A_420 : i1 to vector<16xi1>
      %masked_cumsum3A_422 = tpu.scan <sum>, %gather3A_419 masked %broadcast_in_dim3A_421 : vector<16xi32>, vector<16xi1> -> vector<16xi32>
      %add3A_423 = vector.broadcast %reduce_min3A_413 : i32 to vector<16xi32>
      %add3A_424 = arith.addi %masked_cumsum3A_422, %add3A_423 : vector<16xi32>
      %ge3A_425 = vector.broadcast %add3A_386 : i32 to vector<16xi32>
      %ge3A_426 = arith.cmpi sge, %add3A_424, %ge3A_425 : vector<16xi32>
      %mul3A_427 = arith.constant 16 : i32
      %mul3A_428 = arith.muli %reduce_min3A_399, %mul3A_427 : i32
      %jit3A_429 = arith.constant 2147483647 : i32
      %broadcast_in_dim3A_430 = vector.broadcast %jit3A_429 : i32 to vector<16xi32>
      %select_n3A_431 = arith.select %ge3A_426, %iota3A, %broadcast_in_dim3A_430 : vector<16xi1>, vector<16xi32>
      %reduce_min3A_432 = arith.constant true
      %reduce_min3A_433 = vector.broadcast %reduce_min3A_432 : i1 to vector<16xi1>
      %reduce_min3A_434 = arith.constant -2147483648 : i32
      %reduce_min3A_435 = vector.broadcast %reduce_min3A_434 : i32 to vector<16xi32>
      %reduce_min3A_436 = arith.xori %select_n3A_431, %reduce_min3A_435 : vector<16xi32>
      %reduce_min3A_437 = tpu.scan <min>, %reduce_min3A_436 masked %reduce_min3A_433 : vector<16xi32>, vector<16xi1> -> vector<16xi32>
      %reduce_min3A_438 = arith.xori %reduce_min3A_437, %reduce_min3A_435 : vector<16xi32>
      %reduce_min3A_439 = vector.extract %reduce_min3A_438[15] : i32 from vector<16xi32>
      %add3A_440 = arith.addi %mul3A_428, %reduce_min3A_439 : i32
      %jit3A_441 = arith.constant 2147483647 : i32
      %broadcast_in_dim3A_442 = vector.broadcast %jit3A_441 : i32 to vector<16xi32>
      %select_n3A_443 = arith.select %ge3A_426, %add3A_424, %broadcast_in_dim3A_442 : vector<16xi1>, vector<16xi32>
      %reduce_min3A_444 = arith.constant true
      %reduce_min3A_445 = vector.broadcast %reduce_min3A_444 : i1 to vector<16xi1>
      %reduce_min3A_446 = arith.constant -2147483648 : i32
      %reduce_min3A_447 = vector.broadcast %reduce_min3A_446 : i32 to vector<16xi32>
      %reduce_min3A_448 = arith.xori %select_n3A_443, %reduce_min3A_447 : vector<16xi32>
      %reduce_min3A_449 = tpu.scan <min>, %reduce_min3A_448 masked %reduce_min3A_445 : vector<16xi32>, vector<16xi1> -> vector<16xi32>
      %reduce_min3A_450 = arith.xori %reduce_min3A_449, %reduce_min3A_447 : vector<16xi32>
      %reduce_min3A_451 = vector.extract %reduce_min3A_450[15] : i32 from vector<16xi32>
      %sub3A_452 = arith.subi %reduce_max3A_383, %reduce_min3A_451 : i32
      %sub3A_453 = arith.subi %sub3A_299, %sub3A_452 : i32
      %mul3A_454 = arith.constant 256 : i32
      %mul3A_455 = arith.muli %add3A_302, %mul3A_454 : i32
      %add3A_456 = arith.addi %mul3A_455, %add3A_440 : i32
      %add3A_457 = arith.constant 15 : i32
      %add3A_458 = arith.addi %reduce_max3A_319, %add3A_457 : i32
      %shift_right_logical3A_459 = arith.constant 4 : i32
      %shift_right_logical3A_460 = arith.shrui %add3A_458, %shift_right_logical3A_459 : i32
      %parallel_loop3A_461 = arith.constant 0 : i32
      %parallel_loop3A_462 = arith.constant 1 : i32
      scf.for %parallel_loop3A_604 = %parallel_loop3A_461 to %shift_right_logical3A_460 step %parallel_loop3A_462  : i32 {
        %parallel_loop3A_605 = arith.constant 16 : i32
        %parallel_loop3A_606 = arith.muli %parallel_loop3A_604, %parallel_loop3A_605 : i32
        %parallel_loop3A_607 = arith.index_cast %parallel_loop3A_606 : i32 to index
        %parallel_loop3A_608 = tpu.vector_load %arg6[%parallel_loop3A_607] {strides = array<i32>} : memref<32768xi32, #tpu.memory_space<vmem>>, vector<16xi32>,
        %parallel_loop3A_609 = arith.constant 16 : i32
        %parallel_loop3A_610 = arith.muli %parallel_loop3A_604, %parallel_loop3A_609 : i32
        %parallel_loop3A_611 = vector.broadcast %parallel_loop3A_610 : i32 to vector<16xi32>
        %parallel_loop3A_612 = arith.addi %parallel_loop3A_611, %iota3A : vector<16xi32>
        %parallel_loop3A_613 = vector.broadcast %reduce_max3A_319 : i32 to vector<16xi32>
        %parallel_loop3A_614 = arith.cmpi slt, %parallel_loop3A_612, %parallel_loop3A_613 : vector<16xi32>
        %parallel_loop3A_615 = arith.constant 7 : i32
        %parallel_loop3A_616 = vector.broadcast %parallel_loop3A_615 : i32 to vector<16xi32>
        %parallel_loop3A_617 = arith.shrui %parallel_loop3A_608, %parallel_loop3A_616 : vector<16xi32>
        %parallel_loop3A_618 = vector.broadcast %add3A_456 : i32 to vector<16xi32>
        %parallel_loop3A_619 = arith.cmpi eq, %parallel_loop3A_617, %parallel_loop3A_618 : vector<16xi32>
        %parallel_loop3A_620 = arith.andi %parallel_loop3A_614, %parallel_loop3A_619 : vector<16xi1>
        %parallel_loop3A_621 = arith.constant 127 : i32
        %parallel_loop3A_622 = vector.broadcast %parallel_loop3A_621 : i32 to vector<16xi32>
        %parallel_loop3A_623 = arith.andi %parallel_loop3A_608, %parallel_loop3A_622 : vector<16xi32>
        %parallel_loop3A_624 = arith.addi %parallel_loop3A_623, %mul3A_3 : vector<16xi32>
        tpu.vector_store_idx %arg7[%parallel_loop3A_624], %broadcast_in_dim3A_4 masked %parallel_loop3A_620 {add = true} : memref<4096xi32, #tpu.memory_space<vmem>>[vector<16xi32>], vector<16xi32>, vector<16xi1>
      } {sc.loop_unroll_factor = 8 : i64, sc.parallel_access}
      %parallel_loop3A_463 = arith.constant 0 : i32
      %parallel_loop3A_464 = arith.constant 16 : i32
      %parallel_loop3A_465 = arith.constant 1 : i32
      scf.for %parallel_loop3A_604 = %parallel_loop3A_463 to %parallel_loop3A_464 step %parallel_loop3A_465  : i32 {
        %parallel_loop3A_605 = arith.constant 0 : i32
        %parallel_loop3A_606 = vector.broadcast %parallel_loop3A_605 : i32 to vector<16xi32>
        %parallel_loop3A_607 = arith.constant 0 : i32
        %parallel_loop3A_608 = vector.broadcast %parallel_loop3A_607 : i32 to vector<16xi32>
        %parallel_loop3A_609 = arith.constant 16 : i32
        %parallel_loop3A_610 = arith.muli %parallel_loop3A_604, %parallel_loop3A_609 : i32
        %parallel_loop3A_611 = arith.constant 0 : i32
        %parallel_loop3A_612 = arith.addi %parallel_loop3A_611, %parallel_loop3A_610 : i32
        %parallel_loop3A_613 = arith.index_cast %parallel_loop3A_612 : i32 to index
        %parallel_loop3A_614 = tpu.vector_load %arg7[%parallel_loop3A_613] {strides = array<i32>} : memref<4096xi32, #tpu.memory_space<vmem>>, vector<16xi32>,
        %parallel_loop3A_615 = arith.addi %parallel_loop3A_606, %parallel_loop3A_614 : vector<16xi32>
        %parallel_loop3A_616 = arith.constant 16 : i32
        %parallel_loop3A_617 = arith.muli %parallel_loop3A_604, %parallel_loop3A_616 : i32
        %parallel_loop3A_618 = arith.constant 0 : i32
        %parallel_loop3A_619 = arith.addi %parallel_loop3A_618, %parallel_loop3A_617 : i32
        %parallel_loop3A_620 = arith.index_cast %parallel_loop3A_619 : i32 to index
        %parallel_loop3A_621 = tpu.vector_load %arg7[%parallel_loop3A_620] {strides = array<i32>} : memref<4096xi32, #tpu.memory_space<vmem>>, vector<16xi32>,
        tpu.vector_store %arg7[%parallel_loop3A_620], %parallel_loop3A_608 {strides = array<i32>} : memref<4096xi32, #tpu.memory_space<vmem>>, vector<16xi32>,
        %parallel_loop3A_622 = arith.constant 16 : i32
        %parallel_loop3A_623 = arith.muli %parallel_loop3A_604, %parallel_loop3A_622 : i32
        %parallel_loop3A_624 = arith.constant 256 : i32
        %parallel_loop3A_625 = arith.addi %parallel_loop3A_624, %parallel_loop3A_623 : i32
        %parallel_loop3A_626 = arith.index_cast %parallel_loop3A_625 : i32 to index
        %parallel_loop3A_627 = tpu.vector_load %arg7[%parallel_loop3A_626] {strides = array<i32>} : memref<4096xi32, #tpu.memory_space<vmem>>, vector<16xi32>,
        %parallel_loop3A_628 = arith.addi %parallel_loop3A_615, %parallel_loop3A_627 : vector<16xi32>
        %parallel_loop3A_629 = arith.constant 16 : i32
        %parallel_loop3A_630 = arith.muli %parallel_loop3A_604, %parallel_loop3A_629 : i32
        %parallel_loop3A_631 = arith.constant 256 : i32
        %parallel_loop3A_632 = arith.addi %parallel_loop3A_631, %parallel_loop3A_630 : i32
        %parallel_loop3A_633 = arith.index_cast %parallel_loop3A_632 : i32 to index
        %parallel_loop3A_634 = tpu.vector_load %arg7[%parallel_loop3A_633] {strides = array<i32>} : memref<4096xi32, #tpu.memory_space<vmem>>, vector<16xi32>,
        tpu.vector_store %arg7[%parallel_loop3A_633], %parallel_loop3A_608 {strides = array<i32>} : memref<4096xi32, #tpu.memory_space<vmem>>, vector<16xi32>,
        %parallel_loop3A_635 = arith.constant 16 : i32
        %parallel_loop3A_636 = arith.muli %parallel_loop3A_604, %parallel_loop3A_635 : i32
        %parallel_loop3A_637 = arith.constant 512 : i32
        %parallel_loop3A_638 = arith.addi %parallel_loop3A_637, %parallel_loop3A_636 : i32
        %parallel_loop3A_639 = arith.index_cast %parallel_loop3A_638 : i32 to index
        %parallel_loop3A_640 = tpu.vector_load %arg7[%parallel_loop3A_639] {strides = array<i32>} : memref<4096xi32, #tpu.memory_space<vmem>>, vector<16xi32>,
        %parallel_loop3A_641 = arith.addi %parallel_loop3A_628, %parallel_loop3A_640 : vector<16xi32>
        %parallel_loop3A_642 = arith.constant 16 : i32
        %parallel_loop3A_643 = arith.muli %parallel_loop3A_604, %parallel_loop3A_642 : i32
        %parallel_loop3A_644 = arith.constant 512 : i32
        %parallel_loop3A_645 = arith.addi %parallel_loop3A_644, %parallel_loop3A_643 : i32
        %parallel_loop3A_646 = arith.index_cast %parallel_loop3A_645 : i32 to index
        %parallel_loop3A_647 = tpu.vector_load %arg7[%parallel_loop3A_646] {strides = array<i32>} : memref<4096xi32, #tpu.memory_space<vmem>>, vector<16xi32>,
        tpu.vector_store %arg7[%parallel_loop3A_646], %parallel_loop3A_608 {strides = array<i32>} : memref<4096xi32, #tpu.memory_space<vmem>>, vector<16xi32>,
        %parallel_loop3A_648 = arith.constant 16 : i32
        %parallel_loop3A_649 = arith.muli %parallel_loop3A_604, %parallel_loop3A_648 : i32
        %parallel_loop3A_650 = arith.constant 768 : i32
        %parallel_loop3A_651 = arith.addi %parallel_loop3A_650, %parallel_loop3A_649 : i32
        %parallel_loop3A_652 = arith.index_cast %parallel_loop3A_651 : i32 to index
        %parallel_loop3A_653 = tpu.vector_load %arg7[%parallel_loop3A_652] {strides = array<i32>} : memref<4096xi32, #tpu.memory_space<vmem>>, vector<16xi32>,
        %parallel_loop3A_654 = arith.addi %parallel_loop3A_641, %parallel_loop3A_653 : vector<16xi32>
        %parallel_loop3A_655 = arith.constant 16 : i32
        %parallel_loop3A_656 = arith.muli %parallel_loop3A_604, %parallel_loop3A_655 : i32
        %parallel_loop3A_657 = arith.constant 768 : i32
        %parallel_loop3A_658 = arith.addi %parallel_loop3A_657, %parallel_loop3A_656 : i32
        %parallel_loop3A_659 = arith.index_cast %parallel_loop3A_658 : i32 to index
        %parallel_loop3A_660 = tpu.vector_load %arg7[%parallel_loop3A_659] {strides = array<i32>} : memref<4096xi32, #tpu.memory_space<vmem>>, vector<16xi32>,
        tpu.vector_store %arg7[%parallel_loop3A_659], %parallel_loop3A_608 {strides = array<i32>} : memref<4096xi32, #tpu.memory_space<vmem>>, vector<16xi32>,
        %parallel_loop3A_661 = arith.constant 16 : i32
        %parallel_loop3A_662 = arith.muli %parallel_loop3A_604, %parallel_loop3A_661 : i32
        %parallel_loop3A_663 = arith.constant 1024 : i32
        %parallel_loop3A_664 = arith.addi %parallel_loop3A_663, %parallel_loop3A_662 : i32
        %parallel_loop3A_665 = arith.index_cast %parallel_loop3A_664 : i32 to index
        %parallel_loop3A_666 = tpu.vector_load %arg7[%parallel_loop3A_665] {strides = array<i32>} : memref<4096xi32, #tpu.memory_space<vmem>>, vector<16xi32>,
        %parallel_loop3A_667 = arith.addi %parallel_loop3A_654, %parallel_loop3A_666 : vector<16xi32>
        %parallel_loop3A_668 = arith.constant 16 : i32
        %parallel_loop3A_669 = arith.muli %parallel_loop3A_604, %parallel_loop3A_668 : i32
        %parallel_loop3A_670 = arith.constant 1024 : i32
        %parallel_loop3A_671 = arith.addi %parallel_loop3A_670, %parallel_loop3A_669 : i32
        %parallel_loop3A_672 = arith.index_cast %parallel_loop3A_671 : i32 to index
        %parallel_loop3A_673 = tpu.vector_load %arg7[%parallel_loop3A_672] {strides = array<i32>} : memref<4096xi32, #tpu.memory_space<vmem>>, vector<16xi32>,
        tpu.vector_store %arg7[%parallel_loop3A_672], %parallel_loop3A_608 {strides = array<i32>} : memref<4096xi32, #tpu.memory_space<vmem>>, vector<16xi32>,
        %parallel_loop3A_674 = arith.constant 16 : i32
        %parallel_loop3A_675 = arith.muli %parallel_loop3A_604, %parallel_loop3A_674 : i32
        %parallel_loop3A_676 = arith.constant 1280 : i32
        %parallel_loop3A_677 = arith.addi %parallel_loop3A_676, %parallel_loop3A_675 : i32
        %parallel_loop3A_678 = arith.index_cast %parallel_loop3A_677 : i32 to index
        %parallel_loop3A_679 = tpu.vector_load %arg7[%parallel_loop3A_678] {strides = array<i32>} : memref<4096xi32, #tpu.memory_space<vmem>>, vector<16xi32>,
        %parallel_loop3A_680 = arith.addi %parallel_loop3A_667, %parallel_loop3A_679 : vector<16xi32>
        %parallel_loop3A_681 = arith.constant 16 : i32
        %parallel_loop3A_682 = arith.muli %parallel_loop3A_604, %parallel_loop3A_681 : i32
        %parallel_loop3A_683 = arith.constant 1280 : i32
        %parallel_loop3A_684 = arith.addi %parallel_loop3A_683, %parallel_loop3A_682 : i32
        %parallel_loop3A_685 = arith.index_cast %parallel_loop3A_684 : i32 to index
        %parallel_loop3A_686 = tpu.vector_load %arg7[%parallel_loop3A_685] {strides = array<i32>} : memref<4096xi32, #tpu.memory_space<vmem>>, vector<16xi32>,
        tpu.vector_store %arg7[%parallel_loop3A_685], %parallel_loop3A_608 {strides = array<i32>} : memref<4096xi32, #tpu.memory_space<vmem>>, vector<16xi32>,
        %parallel_loop3A_687 = arith.constant 16 : i32
        %parallel_loop3A_688 = arith.muli %parallel_loop3A_604, %parallel_loop3A_687 : i32
        %parallel_loop3A_689 = arith.constant 1536 : i32
        %parallel_loop3A_690 = arith.addi %parallel_loop3A_689, %parallel_loop3A_688 : i32
        %parallel_loop3A_691 = arith.index_cast %parallel_loop3A_690 : i32 to index
        %parallel_loop3A_692 = tpu.vector_load %arg7[%parallel_loop3A_691] {strides = array<i32>} : memref<4096xi32, #tpu.memory_space<vmem>>, vector<16xi32>,
        %parallel_loop3A_693 = arith.addi %parallel_loop3A_680, %parallel_loop3A_692 : vector<16xi32>
        %parallel_loop3A_694 = arith.constant 16 : i32
        %parallel_loop3A_695 = arith.muli %parallel_loop3A_604, %parallel_loop3A_694 : i32
        %parallel_loop3A_696 = arith.constant 1536 : i32
        %parallel_loop3A_697 = arith.addi %parallel_loop3A_696, %parallel_loop3A_695 : i32
        %parallel_loop3A_698 = arith.index_cast %parallel_loop3A_697 : i32 to index
        %parallel_loop3A_699 = tpu.vector_load %arg7[%parallel_loop3A_698] {strides = array<i32>} : memref<4096xi32, #tpu.memory_space<vmem>>, vector<16xi32>,
        tpu.vector_store %arg7[%parallel_loop3A_698], %parallel_loop3A_608 {strides = array<i32>} : memref<4096xi32, #tpu.memory_space<vmem>>, vector<16xi32>,
        %parallel_loop3A_700 = arith.constant 16 : i32
        %parallel_loop3A_701 = arith.muli %parallel_loop3A_604, %parallel_loop3A_700 : i32
        %parallel_loop3A_702 = arith.constant 1792 : i32
        %parallel_loop3A_703 = arith.addi %parallel_loop3A_702, %parallel_loop3A_701 : i32
        %parallel_loop3A_704 = arith.index_cast %parallel_loop3A_703 : i32 to index
        %parallel_loop3A_705 = tpu.vector_load %arg7[%parallel_loop3A_704] {strides = array<i32>} : memref<4096xi32, #tpu.memory_space<vmem>>, vector<16xi32>,
        %parallel_loop3A_706 = arith.addi %parallel_loop3A_693, %parallel_loop3A_705 : vector<16xi32>
        %parallel_loop3A_707 = arith.constant 16 : i32
        %parallel_loop3A_708 = arith.muli %parallel_loop3A_604, %parallel_loop3A_707 : i32
        %parallel_loop3A_709 = arith.constant 1792 : i32
        %parallel_loop3A_710 = arith.addi %parallel_loop3A_709, %parallel_loop3A_708 : i32
        %parallel_loop3A_711 = arith.index_cast %parallel_loop3A_710 : i32 to index
        %parallel_loop3A_712 = tpu.vector_load %arg7[%parallel_loop3A_711] {strides = array<i32>} : memref<4096xi32, #tpu.memory_space<vmem>>, vector<16xi32>,
        tpu.vector_store %arg7[%parallel_loop3A_711], %parallel_loop3A_608 {strides = array<i32>} : memref<4096xi32, #tpu.memory_space<vmem>>, vector<16xi32>,
        %parallel_loop3A_713 = arith.constant 16 : i32
        %parallel_loop3A_714 = arith.muli %parallel_loop3A_604, %parallel_loop3A_713 : i32
        %parallel_loop3A_715 = arith.constant 2048 : i32
        %parallel_loop3A_716 = arith.addi %parallel_loop3A_715, %parallel_loop3A_714 : i32
        %parallel_loop3A_717 = arith.index_cast %parallel_loop3A_716 : i32 to index
        %parallel_loop3A_718 = tpu.vector_load %arg7[%parallel_loop3A_717] {strides = array<i32>} : memref<4096xi32, #tpu.memory_space<vmem>>, vector<16xi32>,
        %parallel_loop3A_719 = arith.addi %parallel_loop3A_706, %parallel_loop3A_718 : vector<16xi32>
        %parallel_loop3A_720 = arith.constant 16 : i32
        %parallel_loop3A_721 = arith.muli %parallel_loop3A_604, %parallel_loop3A_720 : i32
        %parallel_loop3A_722 = arith.constant 2048 : i32
        %parallel_loop3A_723 = arith.addi %parallel_loop3A_722, %parallel_loop3A_721 : i32
        %parallel_loop3A_724 = arith.index_cast %parallel_loop3A_723 : i32 to index
        %parallel_loop3A_725 = tpu.vector_load %arg7[%parallel_loop3A_724] {strides = array<i32>} : memref<4096xi32, #tpu.memory_space<vmem>>, vector<16xi32>,
        tpu.vector_store %arg7[%parallel_loop3A_724], %parallel_loop3A_608 {strides = array<i32>} : memref<4096xi32, #tpu.memory_space<vmem>>, vector<16xi32>,
        %parallel_loop3A_726 = arith.constant 16 : i32
        %parallel_loop3A_727 = arith.muli %parallel_loop3A_604, %parallel_loop3A_726 : i32
        %parallel_loop3A_728 = arith.constant 2304 : i32
        %parallel_loop3A_729 = arith.addi %parallel_loop3A_728, %parallel_loop3A_727 : i32
        %parallel_loop3A_730 = arith.index_cast %parallel_loop3A_729 : i32 to index
        %parallel_loop3A_731 = tpu.vector_load %arg7[%parallel_loop3A_730] {strides = array<i32>} : memref<4096xi32, #tpu.memory_space<vmem>>, vector<16xi32>,
        %parallel_loop3A_732 = arith.addi %parallel_loop3A_719, %parallel_loop3A_731 : vector<16xi32>
        %parallel_loop3A_733 = arith.constant 16 : i32
        %parallel_loop3A_734 = arith.muli %parallel_loop3A_604, %parallel_loop3A_733 : i32
        %parallel_loop3A_735 = arith.constant 2304 : i32
        %parallel_loop3A_736 = arith.addi %parallel_loop3A_735, %parallel_loop3A_734 : i32
        %parallel_loop3A_737 = arith.index_cast %parallel_loop3A_736 : i32 to index
        %parallel_loop3A_738 = tpu.vector_load %arg7[%parallel_loop3A_737] {strides = array<i32>} : memref<4096xi32, #tpu.memory_space<vmem>>, vector<16xi32>,
        tpu.vector_store %arg7[%parallel_loop3A_737], %parallel_loop3A_608 {strides = array<i32>} : memref<4096xi32, #tpu.memory_space<vmem>>, vector<16xi32>,
        %parallel_loop3A_739 = arith.constant 16 : i32
        %parallel_loop3A_740 = arith.muli %parallel_loop3A_604, %parallel_loop3A_739 : i32
        %parallel_loop3A_741 = arith.constant 2560 : i32
        %parallel_loop3A_742 = arith.addi %parallel_loop3A_741, %parallel_loop3A_740 : i32
        %parallel_loop3A_743 = arith.index_cast %parallel_loop3A_742 : i32 to index
        %parallel_loop3A_744 = tpu.vector_load %arg7[%parallel_loop3A_743] {strides = array<i32>} : memref<4096xi32, #tpu.memory_space<vmem>>, vector<16xi32>,
        %parallel_loop3A_745 = arith.addi %parallel_loop3A_732, %parallel_loop3A_744 : vector<16xi32>
        %parallel_loop3A_746 = arith.constant 16 : i32
        %parallel_loop3A_747 = arith.muli %parallel_loop3A_604, %parallel_loop3A_746 : i32
        %parallel_loop3A_748 = arith.constant 2560 : i32
        %parallel_loop3A_749 = arith.addi %parallel_loop3A_748, %parallel_loop3A_747 : i32
        %parallel_loop3A_750 = arith.index_cast %parallel_loop3A_749 : i32 to index
        %parallel_loop3A_751 = tpu.vector_load %arg7[%parallel_loop3A_750] {strides = array<i32>} : memref<4096xi32, #tpu.memory_space<vmem>>, vector<16xi32>,
        tpu.vector_store %arg7[%parallel_loop3A_750], %parallel_loop3A_608 {strides = array<i32>} : memref<4096xi32, #tpu.memory_space<vmem>>, vector<16xi32>,
        %parallel_loop3A_752 = arith.constant 16 : i32
        %parallel_loop3A_753 = arith.muli %parallel_loop3A_604, %parallel_loop3A_752 : i32
        %parallel_loop3A_754 = arith.constant 2816 : i32
        %parallel_loop3A_755 = arith.addi %parallel_loop3A_754, %parallel_loop3A_753 : i32
        %parallel_loop3A_756 = arith.index_cast %parallel_loop3A_755 : i32 to index
        %parallel_loop3A_757 = tpu.vector_load %arg7[%parallel_loop3A_756] {strides = array<i32>} : memref<4096xi32, #tpu.memory_space<vmem>>, vector<16xi32>,
        %parallel_loop3A_758 = arith.addi %parallel_loop3A_745, %parallel_loop3A_757 : vector<16xi32>
        %parallel_loop3A_759 = arith.constant 16 : i32
        %parallel_loop3A_760 = arith.muli %parallel_loop3A_604, %parallel_loop3A_759 : i32
        %parallel_loop3A_761 = arith.constant 2816 : i32
        %parallel_loop3A_762 = arith.addi %parallel_loop3A_761, %parallel_loop3A_760 : i32
        %parallel_loop3A_763 = arith.index_cast %parallel_loop3A_762 : i32 to index
        %parallel_loop3A_764 = tpu.vector_load %arg7[%parallel_loop3A_763] {strides = array<i32>} : memref<4096xi32, #tpu.memory_space<vmem>>, vector<16xi32>,
        tpu.vector_store %arg7[%parallel_loop3A_763], %parallel_loop3A_608 {strides = array<i32>} : memref<4096xi32, #tpu.memory_space<vmem>>, vector<16xi32>,
        %parallel_loop3A_765 = arith.constant 16 : i32
        %parallel_loop3A_766 = arith.muli %parallel_loop3A_604, %parallel_loop3A_765 : i32
        %parallel_loop3A_767 = arith.constant 3072 : i32
        %parallel_loop3A_768 = arith.addi %parallel_loop3A_767, %parallel_loop3A_766 : i32
        %parallel_loop3A_769 = arith.index_cast %parallel_loop3A_768 : i32 to index
        %parallel_loop3A_770 = tpu.vector_load %arg7[%parallel_loop3A_769] {strides = array<i32>} : memref<4096xi32, #tpu.memory_space<vmem>>, vector<16xi32>,
        %parallel_loop3A_771 = arith.addi %parallel_loop3A_758, %parallel_loop3A_770 : vector<16xi32>
        %parallel_loop3A_772 = arith.constant 16 : i32
        %parallel_loop3A_773 = arith.muli %parallel_loop3A_604, %parallel_loop3A_772 : i32
        %parallel_loop3A_774 = arith.constant 3072 : i32
        %parallel_loop3A_775 = arith.addi %parallel_loop3A_774, %parallel_loop3A_773 : i32
        %parallel_loop3A_776 = arith.index_cast %parallel_loop3A_775 : i32 to index
        %parallel_loop3A_777 = tpu.vector_load %arg7[%parallel_loop3A_776] {strides = array<i32>} : memref<4096xi32, #tpu.memory_space<vmem>>, vector<16xi32>,
        tpu.vector_store %arg7[%parallel_loop3A_776], %parallel_loop3A_608 {strides = array<i32>} : memref<4096xi32, #tpu.memory_space<vmem>>, vector<16xi32>,
        %parallel_loop3A_778 = arith.constant 16 : i32
        %parallel_loop3A_779 = arith.muli %parallel_loop3A_604, %parallel_loop3A_778 : i32
        %parallel_loop3A_780 = arith.constant 3328 : i32
        %parallel_loop3A_781 = arith.addi %parallel_loop3A_780, %parallel_loop3A_779 : i32
        %parallel_loop3A_782 = arith.index_cast %parallel_loop3A_781 : i32 to index
        %parallel_loop3A_783 = tpu.vector_load %arg7[%parallel_loop3A_782] {strides = array<i32>} : memref<4096xi32, #tpu.memory_space<vmem>>, vector<16xi32>,
        %parallel_loop3A_784 = arith.addi %parallel_loop3A_771, %parallel_loop3A_783 : vector<16xi32>
        %parallel_loop3A_785 = arith.constant 16 : i32
        %parallel_loop3A_786 = arith.muli %parallel_loop3A_604, %parallel_loop3A_785 : i32
        %parallel_loop3A_787 = arith.constant 3328 : i32
        %parallel_loop3A_788 = arith.addi %parallel_loop3A_787, %parallel_loop3A_786 : i32
        %parallel_loop3A_789 = arith.index_cast %parallel_loop3A_788 : i32 to index
        %parallel_loop3A_790 = tpu.vector_load %arg7[%parallel_loop3A_789] {strides = array<i32>} : memref<4096xi32, #tpu.memory_space<vmem>>, vector<16xi32>,
        tpu.vector_store %arg7[%parallel_loop3A_789], %parallel_loop3A_608 {strides = array<i32>} : memref<4096xi32, #tpu.memory_space<vmem>>, vector<16xi32>,
        %parallel_loop3A_791 = arith.constant 16 : i32
        %parallel_loop3A_792 = arith.muli %parallel_loop3A_604, %parallel_loop3A_791 : i32
        %parallel_loop3A_793 = arith.constant 3584 : i32
        %parallel_loop3A_794 = arith.addi %parallel_loop3A_793, %parallel_loop3A_792 : i32
        %parallel_loop3A_795 = arith.index_cast %parallel_loop3A_794 : i32 to index
        %parallel_loop3A_796 = tpu.vector_load %arg7[%parallel_loop3A_795] {strides = array<i32>} : memref<4096xi32, #tpu.memory_space<vmem>>, vector<16xi32>,
        %parallel_loop3A_797 = arith.addi %parallel_loop3A_784, %parallel_loop3A_796 : vector<16xi32>
        %parallel_loop3A_798 = arith.constant 16 : i32
        %parallel_loop3A_799 = arith.muli %parallel_loop3A_604, %parallel_loop3A_798 : i32
        %parallel_loop3A_800 = arith.constant 3584 : i32
        %parallel_loop3A_801 = arith.addi %parallel_loop3A_800, %parallel_loop3A_799 : i32
        %parallel_loop3A_802 = arith.index_cast %parallel_loop3A_801 : i32 to index
        %parallel_loop3A_803 = tpu.vector_load %arg7[%parallel_loop3A_802] {strides = array<i32>} : memref<4096xi32, #tpu.memory_space<vmem>>, vector<16xi32>,
        tpu.vector_store %arg7[%parallel_loop3A_802], %parallel_loop3A_608 {strides = array<i32>} : memref<4096xi32, #tpu.memory_space<vmem>>, vector<16xi32>,
        %parallel_loop3A_804 = arith.constant 16 : i32
        %parallel_loop3A_805 = arith.muli %parallel_loop3A_604, %parallel_loop3A_804 : i32
        %parallel_loop3A_806 = arith.constant 3840 : i32
        %parallel_loop3A_807 = arith.addi %parallel_loop3A_806, %parallel_loop3A_805 : i32
        %parallel_loop3A_808 = arith.index_cast %parallel_loop3A_807 : i32 to index
        %parallel_loop3A_809 = tpu.vector_load %arg7[%parallel_loop3A_808] {strides = array<i32>} : memref<4096xi32, #tpu.memory_space<vmem>>, vector<16xi32>,
        %parallel_loop3A_810 = arith.addi %parallel_loop3A_797, %parallel_loop3A_809 : vector<16xi32>
        %parallel_loop3A_811 = arith.constant 16 : i32
        %parallel_loop3A_812 = arith.muli %parallel_loop3A_604, %parallel_loop3A_811 : i32
        %parallel_loop3A_813 = arith.constant 3840 : i32
        %parallel_loop3A_814 = arith.addi %parallel_loop3A_813, %parallel_loop3A_812 : i32
        %parallel_loop3A_815 = arith.index_cast %parallel_loop3A_814 : i32 to index
        %parallel_loop3A_816 = tpu.vector_load %arg7[%parallel_loop3A_815] {strides = array<i32>} : memref<4096xi32, #tpu.memory_space<vmem>>, vector<16xi32>,
        tpu.vector_store %arg7[%parallel_loop3A_815], %parallel_loop3A_608 {strides = array<i32>} : memref<4096xi32, #tpu.memory_space<vmem>>, vector<16xi32>,
        %parallel_loop3A_817 = arith.constant 16 : i32
        %parallel_loop3A_818 = vector.broadcast %parallel_loop3A_817 : i32 to vector<16xi32>
        %parallel_loop3A_819 = arith.muli %iota3A, %parallel_loop3A_818 : vector<16xi32>
        %parallel_loop3A_820 = vector.broadcast %parallel_loop3A_604 : i32 to vector<16xi32>
        %parallel_loop3A_821 = arith.addi %parallel_loop3A_819, %parallel_loop3A_820 : vector<16xi32>
        tpu.vector_store_idx %arg8[%parallel_loop3A_821], %parallel_loop3A_810 : memref<256xi32, #tpu.memory_space<vmem>>[vector<16xi32>], vector<16xi32>,
      } {sc.loop_unroll_factor = 1 : i64, sc.parallel_access}
      %broadcast_in_dim3A_466 = arith.constant 0 : i32
      %broadcast_in_dim3A_467 = vector.broadcast %broadcast_in_dim3A_466 : i32 to vector<16xi32>
      %get3A_468 = arith.constant 0 : index
      %get3A_469 = tpu.vector_load %arg8[%get3A_468] {strides = array<i32>} : memref<256xi32, #tpu.memory_space<vmem>>, vector<16xi32>,
      %add3A_470 = arith.addi %broadcast_in_dim3A_467, %get3A_469 : vector<16xi32>
      %get3A_471 = arith.constant 16 : index
      %get3A_472 = tpu.vector_load %arg8[%get3A_471] {strides = array<i32>} : memref<256xi32, #tpu.memory_space<vmem>>, vector<16xi32>,
      %add3A_473 = arith.addi %add3A_470, %get3A_472 : vector<16xi32>
      %get3A_474 = arith.constant 32 : index
      %get3A_475 = tpu.vector_load %arg8[%get3A_474] {strides = array<i32>} : memref<256xi32, #tpu.memory_space<vmem>>, vector<16xi32>,
      %add3A_476 = arith.addi %add3A_473, %get3A_475 : vector<16xi32>
      %get3A_477 = arith.constant 48 : index
      %get3A_478 = tpu.vector_load %arg8[%get3A_477] {strides = array<i32>} : memref<256xi32, #tpu.memory_space<vmem>>, vector<16xi32>,
      %add3A_479 = arith.addi %add3A_476, %get3A_478 : vector<16xi32>
      %get3A_480 = arith.constant 64 : index
      %get3A_481 = tpu.vector_load %arg8[%get3A_480] {strides = array<i32>} : memref<256xi32, #tpu.memory_space<vmem>>, vector<16xi32>,
      %add3A_482 = arith.addi %add3A_479, %get3A_481 : vector<16xi32>
      %get3A_483 = arith.constant 80 : index
      %get3A_484 = tpu.vector_load %arg8[%get3A_483] {strides = array<i32>} : memref<256xi32, #tpu.memory_space<vmem>>, vector<16xi32>,
      %add3A_485 = arith.addi %add3A_482, %get3A_484 : vector<16xi32>
      %get3A_486 = arith.constant 96 : index
      %get3A_487 = tpu.vector_load %arg8[%get3A_486] {strides = array<i32>} : memref<256xi32, #tpu.memory_space<vmem>>, vector<16xi32>,
      %add3A_488 = arith.addi %add3A_485, %get3A_487 : vector<16xi32>
      %get3A_489 = arith.constant 112 : index
      %get3A_490 = tpu.vector_load %arg8[%get3A_489] {strides = array<i32>} : memref<256xi32, #tpu.memory_space<vmem>>, vector<16xi32>,
      %add3A_491 = arith.addi %add3A_488, %get3A_490 : vector<16xi32>
      %get3A_492 = arith.constant 128 : index
      %get3A_493 = tpu.vector_load %arg8[%get3A_492] {strides = array<i32>} : memref<256xi32, #tpu.memory_space<vmem>>, vector<16xi32>,
      %add3A_494 = arith.addi %add3A_491, %get3A_493 : vector<16xi32>
      %get3A_495 = arith.constant 144 : index
      %get3A_496 = tpu.vector_load %arg8[%get3A_495] {strides = array<i32>} : memref<256xi32, #tpu.memory_space<vmem>>, vector<16xi32>,
      %add3A_497 = arith.addi %add3A_494, %get3A_496 : vector<16xi32>
      %get3A_498 = arith.constant 160 : index
      %get3A_499 = tpu.vector_load %arg8[%get3A_498] {strides = array<i32>} : memref<256xi32, #tpu.memory_space<vmem>>, vector<16xi32>,
      %add3A_500 = arith.addi %add3A_497, %get3A_499 : vector<16xi32>
      %get3A_501 = arith.constant 176 : index
      %get3A_502 = tpu.vector_load %arg8[%get3A_501] {strides = array<i32>} : memref<256xi32, #tpu.memory_space<vmem>>, vector<16xi32>,
      %add3A_503 = arith.addi %add3A_500, %get3A_502 : vector<16xi32>
      %get3A_504 = arith.constant 192 : index
      %get3A_505 = tpu.vector_load %arg8[%get3A_504] {strides = array<i32>} : memref<256xi32, #tpu.memory_space<vmem>>, vector<16xi32>,
      %add3A_506 = arith.addi %add3A_503, %get3A_505 : vector<16xi32>
      %get3A_507 = arith.constant 208 : index
      %get3A_508 = tpu.vector_load %arg8[%get3A_507] {strides = array<i32>} : memref<256xi32, #tpu.memory_space<vmem>>, vector<16xi32>,
      %add3A_509 = arith.addi %add3A_506, %get3A_508 : vector<16xi32>
      %get3A_510 = arith.constant 224 : index
      %get3A_511 = tpu.vector_load %arg8[%get3A_510] {strides = array<i32>} : memref<256xi32, #tpu.memory_space<vmem>>, vector<16xi32>,
      %add3A_512 = arith.addi %add3A_509, %get3A_511 : vector<16xi32>
      %get3A_513 = arith.constant 240 : index
      %get3A_514 = tpu.vector_load %arg8[%get3A_513] {strides = array<i32>} : memref<256xi32, #tpu.memory_space<vmem>>, vector<16xi32>,
      %add3A_515 = arith.addi %add3A_512, %get3A_514 : vector<16xi32>
      %broadcast_in_dim3A_516 = arith.constant true
      %broadcast_in_dim3A_517 = vector.broadcast %broadcast_in_dim3A_516 : i1 to vector<16xi1>
      %masked_cumsum3A_518 = tpu.scan <sum>, %add3A_515 masked %broadcast_in_dim3A_517 : vector<16xi32>, vector<16xi1> -> vector<16xi32>
      %reduce_max3A_519 = arith.constant true
      %reduce_max3A_520 = vector.broadcast %reduce_max3A_519 : i1 to vector<16xi1>
      %reduce_max3A_521 = arith.constant -2147483648 : i32
      %reduce_max3A_522 = vector.broadcast %reduce_max3A_521 : i32 to vector<16xi32>
      %reduce_max3A_523 = arith.xori %masked_cumsum3A_518, %reduce_max3A_522 : vector<16xi32>
      %reduce_max3A_524 = tpu.scan <max>, %reduce_max3A_523 masked %reduce_max3A_520 : vector<16xi32>, vector<16xi1> -> vector<16xi32>
      %reduce_max3A_525 = arith.xori %reduce_max3A_524, %reduce_max3A_522 : vector<16xi32>
      %reduce_max3A_526 = vector.extract %reduce_max3A_525[15] : i32 from vector<16xi32>
      %sub3A_527 = arith.subi %reduce_max3A_526, %sub3A_453 : i32
      %add3A_528 = arith.constant 1 : i32
      %add3A_529 = arith.addi %sub3A_527, %add3A_528 : i32
      %ge3A_530 = vector.broadcast %add3A_529 : i32 to vector<16xi32>
      %ge3A_531 = arith.cmpi sge, %masked_cumsum3A_518, %ge3A_530 : vector<16xi32>
      %jit3A_532 = arith.constant 2147483647 : i32
      %broadcast_in_dim3A_533 = vector.broadcast %jit3A_532 : i32 to vector<16xi32>
      %select_n3A_534 = arith.select %ge3A_531, %iota3A, %broadcast_in_dim3A_533 : vector<16xi1>, vector<16xi32>
      %reduce_min3A_535 = arith.constant true
      %reduce_min3A_536 = vector.broadcast %reduce_min3A_535 : i1 to vector<16xi1>
      %reduce_min3A_537 = arith.constant -2147483648 : i32
      %reduce_min3A_538 = vector.broadcast %reduce_min3A_537 : i32 to vector<16xi32>
      %reduce_min3A_539 = arith.xori %select_n3A_534, %reduce_min3A_538 : vector<16xi32>
      %reduce_min3A_540 = tpu.scan <min>, %reduce_min3A_539 masked %reduce_min3A_536 : vector<16xi32>, vector<16xi1> -> vector<16xi32>
      %reduce_min3A_541 = arith.xori %reduce_min3A_540, %reduce_min3A_538 : vector<16xi32>
      %reduce_min3A_542 = vector.extract %reduce_min3A_541[15] : i32 from vector<16xi32>
      %eq3A_543 = vector.broadcast %reduce_min3A_542 : i32 to vector<16xi32>
      %eq3A_544 = arith.cmpi eq, %iota3A, %eq3A_543 : vector<16xi32>
      %sub3A_545 = arith.subi %masked_cumsum3A_518, %add3A_515 : vector<16xi32>
      %jit3A_546 = arith.constant 2147483647 : i32
      %broadcast_in_dim3A_547 = vector.broadcast %jit3A_546 : i32 to vector<16xi32>
      %select_n3A_548 = arith.select %eq3A_544, %sub3A_545, %broadcast_in_dim3A_547 : vector<16xi1>, vector<16xi32>
      %reduce_min3A_549 = arith.constant true
      %reduce_min3A_550 = vector.broadcast %reduce_min3A_549 : i1 to vector<16xi1>
      %reduce_min3A_551 = arith.constant -2147483648 : i32
      %reduce_min3A_552 = vector.broadcast %reduce_min3A_551 : i32 to vector<16xi32>
      %reduce_min3A_553 = arith.xori %select_n3A_548, %reduce_min3A_552 : vector<16xi32>
      %reduce_min3A_554 = tpu.scan <min>, %reduce_min3A_553 masked %reduce_min3A_550 : vector<16xi32>, vector<16xi1> -> vector<16xi32>
      %reduce_min3A_555 = arith.xori %reduce_min3A_554, %reduce_min3A_552 : vector<16xi32>
      %reduce_min3A_556 = vector.extract %reduce_min3A_555[15] : i32 from vector<16xi32>
      %mul3A_557 = arith.constant 16 : i32
      %mul3A_558 = vector.broadcast %mul3A_557 : i32 to vector<16xi32>
      %mul3A_559 = arith.muli %iota3A, %mul3A_558 : vector<16xi32>
      %add3A_560 = vector.broadcast %reduce_min3A_542 : i32 to vector<16xi32>
      %add3A_561 = arith.addi %mul3A_559, %add3A_560 : vector<16xi32>
      %gather3A_562 = tpu.vector_load_idx %arg8[%add3A_561] : memref<256xi32, #tpu.memory_space<vmem>>[vector<16xi32>], vector<16xi32>,
      %broadcast_in_dim3A_563 = arith.constant true
      %broadcast_in_dim3A_564 = vector.broadcast %broadcast_in_dim3A_563 : i1 to vector<16xi1>
      %masked_cumsum3A_565 = tpu.scan <sum>, %gather3A_562 masked %broadcast_in_dim3A_564 : vector<16xi32>, vector<16xi1> -> vector<16xi32>
      %add3A_566 = vector.broadcast %reduce_min3A_556 : i32 to vector<16xi32>
      %add3A_567 = arith.addi %masked_cumsum3A_565, %add3A_566 : vector<16xi32>
      %ge3A_568 = vector.broadcast %add3A_529 : i32 to vector<16xi32>
      %ge3A_569 = arith.cmpi sge, %add3A_567, %ge3A_568 : vector<16xi32>
      %mul3A_570 = arith.constant 16 : i32
      %mul3A_571 = arith.muli %reduce_min3A_542, %mul3A_570 : i32
      %jit3A_572 = arith.constant 2147483647 : i32
      %broadcast_in_dim3A_573 = vector.broadcast %jit3A_572 : i32 to vector<16xi32>
      %select_n3A_574 = arith.select %ge3A_569, %iota3A, %broadcast_in_dim3A_573 : vector<16xi1>, vector<16xi32>
      %reduce_min3A_575 = arith.constant true
      %reduce_min3A_576 = vector.broadcast %reduce_min3A_575 : i1 to vector<16xi1>
      %reduce_min3A_577 = arith.constant -2147483648 : i32
      %reduce_min3A_578 = vector.broadcast %reduce_min3A_577 : i32 to vector<16xi32>
      %reduce_min3A_579 = arith.xori %select_n3A_574, %reduce_min3A_578 : vector<16xi32>
      %reduce_min3A_580 = tpu.scan <min>, %reduce_min3A_579 masked %reduce_min3A_576 : vector<16xi32>, vector<16xi1> -> vector<16xi32>
      %reduce_min3A_581 = arith.xori %reduce_min3A_580, %reduce_min3A_578 : vector<16xi32>
      %reduce_min3A_582 = vector.extract %reduce_min3A_581[15] : i32 from vector<16xi32>
      %add3A_583 = arith.addi %mul3A_571, %reduce_min3A_582 : i32
      %jit3A_584 = arith.constant 2147483647 : i32
      %broadcast_in_dim3A_585 = vector.broadcast %jit3A_584 : i32 to vector<16xi32>
      %select_n3A_586 = arith.select %ge3A_569, %add3A_567, %broadcast_in_dim3A_585 : vector<16xi1>, vector<16xi32>
      %reduce_min3A_587 = arith.constant true
      %reduce_min3A_588 = vector.broadcast %reduce_min3A_587 : i1 to vector<16xi1>
      %reduce_min3A_589 = arith.constant -2147483648 : i32
      %reduce_min3A_590 = vector.broadcast %reduce_min3A_589 : i32 to vector<16xi32>
      %reduce_min3A_591 = arith.xori %select_n3A_586, %reduce_min3A_590 : vector<16xi32>
      %reduce_min3A_592 = tpu.scan <min>, %reduce_min3A_591 masked %reduce_min3A_588 : vector<16xi32>, vector<16xi1> -> vector<16xi32>
      %reduce_min3A_593 = arith.xori %reduce_min3A_592, %reduce_min3A_590 : vector<16xi32>
      %reduce_min3A_594 = vector.extract %reduce_min3A_593[15] : i32 from vector<16xi32>
      %sub3A_595 = arith.subi %reduce_max3A_526, %reduce_min3A_594 : i32
      %sub3A_596 = arith.subi %sub3A_453, %sub3A_595 : i32
      %mul3A_597 = arith.constant 128 : i32
      %mul3A_598 = arith.muli %add3A_456, %mul3A_597 : i32
      %add3A_599 = arith.addi %mul3A_598, %add3A_583 : i32
      %parallel_loop3A_600 = arith.constant 0 : i32
      %parallel_loop3A_601 = arith.constant 2048 : i32
      %parallel_loop3A_602 = arith.constant 1 : i32
      scf.for %parallel_loop3A_604 = %parallel_loop3A_600 to %parallel_loop3A_601 step %parallel_loop3A_602  : i32 {
        %parallel_loop3A_605 = arith.constant 16 : i32
        %parallel_loop3A_606 = arith.muli %parallel_loop3A_604, %parallel_loop3A_605 : i32
        %parallel_loop3A_607 = arith.index_cast %parallel_loop3A_606 : i32 to index
        %parallel_loop3A_608 = tpu.vector_load %arg4[%parallel_loop3A_607] {strides = array<i32>} : memref<32768xf32, #tpu.memory_space<vmem>>, vector<16xf32>,
        %parallel_loop3A_609 = tpu.bitcast %parallel_loop3A_608 : vector<16xf32> -> vector<16xi32>
        %parallel_loop3A_610 = arith.constant 2147483647 : i32
        %parallel_loop3A_611 = vector.broadcast %parallel_loop3A_610 : i32 to vector<16xi32>
        %parallel_loop3A_612 = arith.andi %parallel_loop3A_609, %parallel_loop3A_611 : vector<16xi32>
        %parallel_loop3A_613 = vector.broadcast %add3A_599 : i32 to vector<16xi32>
        %parallel_loop3A_614 = arith.cmpi sge, %parallel_loop3A_612, %parallel_loop3A_613 : vector<16xi32>
        %parallel_loop3A_615 = arith.constant 0.000000e+00 : f32
        %parallel_loop3A_616 = vector.broadcast %parallel_loop3A_615 : f32 to vector<16xf32>
        %parallel_loop3A_617 = arith.select %parallel_loop3A_614, %parallel_loop3A_608, %parallel_loop3A_616 : vector<16xi1>, vector<16xf32>
        %parallel_loop3A_618 = arith.index_cast %parallel_loop3A_606 : i32 to index
        %parallel_loop3A_619 = tpu.vector_load %arg4[%parallel_loop3A_618] {strides = array<i32>} : memref<32768xf32, #tpu.memory_space<vmem>>, vector<16xf32>,
        tpu.vector_store %arg4[%parallel_loop3A_618], %parallel_loop3A_617 {strides = array<i32>} : memref<32768xf32, #tpu.memory_space<vmem>>, vector<16xf32>,
      } {sc.loop_unroll_factor = 8 : i64, sc.parallel_access}
      "tpu.region"() ({
        %run_scoped3A = tpu.sem_alloc : memref<!tpu.dma_semaphore, #tpu.memory_space<semaphore_mem>>
        %dma_start3A = arith.constant 0 : i32
        %dma_start3A_604 = tpu.memref_slice %arg3[%add3A_17, %dma_start3A] : memref<128x32768xf32, #tpu.memory_space<hbm>> -> memref<1x32768xf32, #tpu.memory_space<hbm>>
        %dma_start3A_605 = tpu.memref_squeeze %dma_start3A_604 : memref<1x32768xf32, #tpu.memory_space<hbm>> -> memref<32768xf32, #tpu.memory_space<hbm>>
        %dma_start3A_606 = arith.constant 0 : i32
        %dma_start3A_607 = tpu.memref_slice %arg3[%add3A_17, %dma_start3A_606] : memref<128x32768xf32, #tpu.memory_space<hbm>> -> memref<1x32768xf32, #tpu.memory_space<hbm>>
        %dma_start3A_608 = tpu.memref_squeeze %dma_start3A_607 : memref<1x32768xf32, #tpu.memory_space<hbm>> -> memref<32768xf32, #tpu.memory_space<hbm>>
        tpu.enqueue_dma source(%arg4 : memref<32768xf32, #tpu.memory_space<vmem>>) target(%dma_start3A_608 : memref<32768xf32, #tpu.memory_space<hbm>>) target_semaphore(%run_scoped3A : memref<!tpu.dma_semaphore, #tpu.memory_space<semaphore_mem>>)
        %dma_wait3A = arith.constant 0 : i32
        %dma_wait3A_609 = tpu.memref_slice %arg3[%add3A_17, %dma_wait3A] : memref<128x32768xf32, #tpu.memory_space<hbm>> -> memref<1x32768xf32, #tpu.memory_space<hbm>>
        %dma_wait3A_610 = tpu.memref_squeeze %dma_wait3A_609 : memref<1x32768xf32, #tpu.memory_space<hbm>> -> memref<32768xf32, #tpu.memory_space<hbm>>
        %dma_wait3A_611 = arith.constant 0 : i32
        %dma_wait3A_612 = tpu.memref_slice %arg3[%add3A_17, %dma_wait3A_611] : memref<128x32768xf32, #tpu.memory_space<hbm>> -> memref<1x32768xf32, #tpu.memory_space<hbm>>
        %dma_wait3A_613 = tpu.memref_squeeze %dma_wait3A_612 : memref<1x32768xf32, #tpu.memory_space<hbm>> -> memref<32768xf32, #tpu.memory_space<hbm>>
        tpu.wait_dma2 semaphore(%run_scoped3A : memref<!tpu.dma_semaphore, #tpu.memory_space<semaphore_mem>>) src(%arg4 : memref<32768xf32, #tpu.memory_space<vmem>>) dst(%dma_wait3A_613 : memref<32768xf32, #tpu.memory_space<hbm>>)
        tpu.yield
      }) : () -> ()
      %scan3A_603 = arith.constant 0 : i32
      scf.yield %scan3A_603 : i32
    }
    %scan3A_14 = arith.constant 4 : i32
    return
  }
}

</mosaic_0001>

<sc_bundles>
// kernel: kernel.3.cloned.1.call-start
scs
__scs_entry_jumppad:
0x0: {  	(pc) =	sbr.rel $0x88, $3  }
0x1: {  	(tag) =	ssettag $0x0;
	lr =	simm.s32 $0x1  }
0x2: {  	[smem:$0x3FA0] =	sst lr;
	_ =	strace $0xD0000000  }
0x3: {  	_ = 	snop  }
0x4: {  	_ = 	snop  }
0x5: {  	_ = 	snop  }
0x6: {  	_ = 	snop  }
0x7: {  	_ = 	snop  }
__scs_overlays_trampoline_lowered:
0x8: {  	[smem:$0x3FAF] =	sst s0  }
0x9: {  	[smem:$0x3FB0] =	sst s1  }
0xa: {  	[smem:$0x3FB1] =	sst s2  }
0xb: {  	[smem:$0x3FB2] =	sst s3  }
0xc: {  	[smem:$0x3FB3] =	sst s4  }
0xd: {  	[smem:$0x3FB4] =	sst s5  }
0xe: {  	[smem:$0x3FB5] =	sst s6  }
0xf: {  	[smem:$0x3FB6] =	sst s7  }
0x10: {  	[smem:$0x3FB7] =	sst s8  }
0x11: {  	[smem:$0x3FB8] =	sst s9;
	s0 =	simm.s32 @!p0 $0x0  }
0x12: {  	s1 =	sld [smem:$0x3F9E];
	s0 =	simm.s32 @p0 $0x1  }
0x13: {  	[smem:$0x3FB9] =	sst s0;
	s0 =	simm.s32 @!p1 $0x0  }
0x14: {  	s2 =	sld [smem:$0x3F9D];
	s0 =	simm.s32 @p1 $0x1  }
0x15: {  	[smem:$0x3FBA] =	sst s0;
	s0 =	simm.s32 @!p2 $0x0  }
0x16: {  	s3 =	sld [smem:$0x3FDB];
	s0 =	simm.s32 @p2 $0x1  }
0x17: {  	s4 =	simm.s32 $0x1BF5;
	[smem:$0x3FBC] =	sst s0  }
0x18: {  	s0 =	sld [smem:$0x3F9F];
	_ =	swait.ge [sflag:s4], $0x0  }
0x19: {  	s7 =	sld [smem:$0x3FA0]  }
0x1a: {  	s8 =	sadd.s32 $0xFFFFE003, lr  }
0x1b: {  	s9 =	sadd.s32 $0xFFFFFEF7, lr;
	s5 =	simm.s32 $0xFFFFFFFF;
	p2 =	slt.u32 s8, $0xFFFFF086  }
0x1c: {  	p1 =	slt.u32 s9, $0xF7A;
	s5 =	simm.s32 @!p2 $0x0  }
0x1d: {  	s5 =	simm.s32 @p1 $0x1;
	p0 =	seq.s32 s7, s2  }
0x1e: {  	s7 =	smul.u32 @!p0 $0xF7A, s2;
	p2 =	seq.s32 @!p0 s5, $0x0  }
0x1f: {  	s9 =	smul.u32 $0xF7A, s1;
	s8 =	simm.s32 @!p0 $0x1BF5;
	p2 =	por !p2, p0  }
0x20: {  	[sflag:s8] =	ssyncset.s32 @!p0 $0xFFFFF086;
	s6 =	sadd.s32 @!p0 s3, s7;
	s7 =	simm.s32 @!p0 $0x108  }
0x21: {  	s3 =	sadd.s32 s3, s9;
	s6 =	sadd.s32 @!p0 $0x88, s6;
	s7 =	simm.s32 @p2 $0x1082  }
0x22: {  	[simem:s7], [sflag:s8] =	dma.local @!p0 [hbm:s6], $0xF7A  }
0x23: {  	s9 =	sor.u32 $0xD0000000, s2;
	s6 =	simm.s32 $0x108;
	_ =	swait.ge @!p0 [sflag:s8], $0x0  }
0x24: {  	s3 =	sadd.s32 $0x88, s3;
	s6 =	simm.s32 @!p1 $0x1082;
	[sflag:s4] =	ssyncset.s32 $0xFFFFF086  }
0x25: {  	[simem:s6], [sflag:s4] =	dma.local [hbm:s3], $0xF7A  }
0x26: {  	[smem:$0x3FA0] =	sst s1;
	(tag) =	ssettag s2;
	_ =	strace s9  }
0x27: {  	s1 =	sld [smem:$0x3FB0]  }
0x28: {  	s2 =	sld [smem:$0x3FB1]  }
0x29: {  	s4 =	sld [smem:$0x3FB3]  }
0x2a: {  	p0 =	seq.s32 s5, $0x0;
	s5 =	sld [smem:$0x3FB4]  }
0x2b: {  	s6 =	sld [smem:$0x3FB5]  }
0x2c: {  	s7 =	sld [smem:$0x3FB6]  }
0x2d: {  	s3 =	simm.s32 $0x108;
	s8 =	sld [smem:$0x3FB7]  }
0x2e: {  	s3 =	simm.s32 @!p0 $0x1082;
	s9 =	sld [smem:$0x3FB8]  }
0x2f: {  	lr =	sadd.s32 s0, s3;
	s0 =	sld [smem:$0x3FAF]  }
0x30: {  	s3 =	sld [smem:$0x3FB2]  }
0x31: {  	[smem:$0x3FBB] =	sst s10  }
0x32: {  	s10 =	sld [smem:$0x3FB9];
	_ =	sdelay $0x3  }
0x33: {  	p0 =	seq.s32 s10, $0x1;
	s10 =	sld [smem:$0x3FBB];
	_ =	sdelay $0x3  }
0x34: {  	[smem:$0x3FBB] =	sst s10  }
0x35: {  	s10 =	sld [smem:$0x3FBA];
	_ =	sdelay $0x3  }
0x36: {  	p1 =	seq.s32 s10, $0x1;
	s10 =	sld [smem:$0x3FBB];
	_ =	sdelay $0x3  }
0x37: {  	[smem:$0x3FBB] =	sst s10  }
0x38: {  	s10 =	sld [smem:$0x3FBC]  }
0x39: {  	_ = 	snop;
	(pc) =	sbr.ind lr, $3  }
0x3a: {  	_ = 	snop  }
0x3b: {  	_ = 	snop  }
0x3c: {  	p2 =	seq.s32 s10, $0x1;
	s10 =	sld [smem:$0x3FBB]  }
0x3d: {  	_ =	shalt  }
0x3e: {  	_ =	shalt  }
0x3f: {  	_ =	shalt  }
0x40: {  	_ =	shalt  }
0x41: {  	_ =	shalt  }
0x42: {  	_ =	shalt  }
0x43: {  	_ =	shalt  }
0x44: {  	_ =	shalt  }
0x45: {  	_ =	shalt  }
0x46: {  	_ =	shalt  }
0x47: {  	_ =	shalt  }
0x48: {  	_ =	shalt  }
0x49: {  	_ =	shalt  }
0x4a: {  	_ =	shalt  }
0x4b: {  	_ =	shalt  }
0x4c: {  	_ =	shalt  }
0x4d: {  	_ =	shalt  }
0x4e: {  	_ =	shalt  }
0x4f: {  	_ =	shalt  }
0x50: {  	_ =	shalt  }
0x51: {  	_ =	shalt  }
0x52: {  	_ =	shalt  }
0x53: {  	_ =	shalt  }
0x54: {  	_ =	shalt  }
0x55: {  	_ =	shalt  }
0x56: {  	_ =	shalt  }
0x57: {  	_ =	shalt  }
0x58: {  	_ =	shalt  }
0x59: {  	_ =	shalt  }
0x5a: {  	_ =	shalt  }
0x5b: {  	_ =	shalt  }
0x5c: {  	_ =	shalt  }
0x5d: {  	_ =	shalt  }
0x5e: {  	_ =	shalt  }
0x5f: {  	_ =	shalt  }
0x60: {  	_ =	shalt  }
0x61: {  	_ =	shalt  }
0x62: {  	_ =	shalt  }
0x63: {  	_ =	shalt  }
0x64: {  	_ =	shalt  }
0x65: {  	_ =	shalt  }
0x66: {  	_ =	shalt  }
0x67: {  	_ =	shalt  }
0x68: {  	_ =	shalt  }
0x69: {  	_ =	shalt  }
0x6a: {  	_ =	shalt  }
0x6b: {  	_ =	shalt  }
0x6c: {  	_ =	shalt  }
0x6d: {  	_ =	shalt  }
0x6e: {  	_ =	shalt  }
0x6f: {  	_ =	shalt  }
0x70: {  	_ =	shalt  }
0x71: {  	_ =	shalt  }
0x72: {  	_ =	shalt  }
0x73: {  	_ =	shalt  }
0x74: {  	_ =	shalt  }
0x75: {  	_ =	shalt  }
0x76: {  	_ =	shalt  }
0x77: {  	_ =	shalt  }
0x78: {  	_ =	shalt  }
0x79: {  	_ =	shalt  }
0x7a: {  	_ =	shalt  }
0x7b: {  	_ =	shalt  }
0x7c: {  	_ =	shalt  }
0x7d: {  	_ =	shalt  }
0x7e: {  	_ =	shalt  }
0x7f: {  	_ =	shalt  }
0x80: {  	_ =	shalt  }
0x81: {  	_ =	shalt  }
0x82: {  	_ =	shalt  }
0x83: {  	_ =	shalt  }
0x84: {  	_ =	shalt  }
0x85: {  	_ =	shalt  }
0x86: {  	_ =	shalt  }
0x87: {  	_ =	shalt  }
.Lfunc_end0:
.L_simem_size_0:
called_computation_lowered:
.L_overlay_start_0:
0x88: {  	s2 =	sld [smem:$0x3FD9]  }
0x89: {  	s3 =	sld [smem:$0x3FFE];
	_ =	sdelay $0x1  }
0x8a: {  	s1 =	srdreg.scid  }
0x8b: {  	s0 =	sand.u32 $0x1, s1  }
0x8c: {  	s18 =	sshll.u32 s0, $0xA;
	s2 =	sadd.s32 s3, s2  }
0x8d: {  	s2 =	sadd.s32 s2, s18  }
0x8e: {  	[smem:$0x3FC7] =	sst s2  }
0x8f: {  	_ = 	snop  }
0x90: {  	s2 =	sld [smem:$0x3FC9]  }
0x91: {  	s19 =	sld [smem:$0x3FD0];
	(tm) =	ssettm $0x1  }
0x92: {  	s4 =	sld [smem:$0x3FFB];
	_ =	sdelay $0x3  }
0x93: {  	_ =	strace s4  }
0x94: {  	s4 =	sld [smem:$0x3FFC];
	_ =	sdelay $0x3  }
0x95: {  	_ =	strace s4  }
0x96: {  	s4 =	sld [smem:$0x3FFD];
	_ =	sdelay $0x3  }
0x97: {  	_ =	strace s4  }
0x98: {  	_ =	strace $0x8FFFFFFF  }
0x99: {  	s20 =	sld [smem:$0x3FDB];
	_ =	sdelay $0x1  }
0x9a: {  	s5 =	simm.s32 $_scs_section_size  }
0x9b: {  	s6 =	simm.s32 $_size__tile_overlayer_lowered;
	s7 =	simm.s32 $_tile_overlayer_lowered  }
0x9c: {  	s23 =	simm.s32 $0x1BFF;
	s22 =	sshll.u32 s7, $0x1;
	s4 =	sadd.s32 s5, s20  }
0x9d: {  	s8 =	simm.s32 $0x0;
	s21 =	sshll.u32 s6, $0x1;
	s6 =	sadd.s32 s22, s4  }
0x9e: {  	[timem:s8], [sflag:s23] =	dma.local [hbm:s6], s21  }
0x9f: {  	_ =	swait.ge [sflag:s23], s21  }
0xa0: {  	s5 =	ssub.s32 $0x0, s21;
	[sflag:s23] =	ssyncset.done $0x0  }
0xa1: {  	[sflag:s23] =	ssyncadd.s32 s5;
	_ =	sdelay $0x1  }
0xa2: {  	s24 =	simm.s32 $0x1B8B  }
0xa3: {  	_ =	swait.ge [sflag:s24], $0x1  }
0xa4: {  	[sflag:s24] =	ssyncset.done $0x0  }
0xa5: {  	s25 =	simm.s32 $0x1B8E;
	[sflag:s24] =	ssyncadd.s32 $0xFFFFFFFF  }
0xa6: {  	s26 =	simm.s32 $execute0_lowered;
	[smem:$0x3FD2] =	sst s25  }
0xa7: {  	s5 =	sshll.u32 s26, $0x1;
	_ =	strace $0x80000046;
	[dreg:$0x1] =	wrdreg $0xFFFFFFFF  }
0xa8: {  	s28 =	simm.s32 $_size_execute0_lowered;
	s4 =	sadd.s32 s4, s5;
	[dreg:$0x0] =	wrdreg $0x0  }
0xa9: {  	s5 =	sshll.u32 s28, $0x1;
	[dreg:$0x2] =	wrdreg s4  }
0xaa: {  	[dreg:$0x3] =	wrdreg s5  }
0xab: {  	[dreg:$0x4] =	wrdreg $0xC0  }
0xac: {  	_ =	task [dreg:s8], $0x5FFFF  }
0xad: {  	[dreg:$0x1] =	wrdreg $0xFFFFFFFF  }
0xae: {  	[dreg:$0x0] =	wrdreg $0x60  }
0xaf: {  	[dreg:$0x2] =	wrdreg s2  }
0xb0: {  	[dreg:$0x3] =	wrdreg s19  }
0xb1: {  	[dreg:$0x4] =	wrdreg $0x9  }
0xb2: {  	_ =	task.clear_ibuf [dreg:s8], $0x5FFFF;
	_ =	strace $0x90000046  }
0xb3: {  	s29 =	simm.s32 $0x9;
	_ =	strace $0x80000048  }
0xb4: {  	_ =	swait.ge [sflag:s29], $0x1  }
0xb5: {  	[sflag:s29] =	ssyncadd.s32 $0xFFFFFFFF  }
0xb6: {  	_ =	strace $0x90000048  }
0xb7: {  	_ =	sfence  }
0xb8: {  	s30 =	sld [smem:$0x0];
	_ =	sdelay $0x2  }
0xb9: {  	s31 =	sshll.u32 s1, $0xD;
	s1 =	sshrl.u32 s1, $0x2  }
0xba: {  	s3 =	sand.u32 $0x4000, s31;
	s1 =	sadd.s32 s1, s30  }
0xbb: {  	s0 =	sor.u32 s3, s0;
	s1 =	sshll.u32 s1, $0x11  }
0xbc: {  	s0 =	sor.u32 s1, s0  }
0xbd: {  	s0 =	sadd.s32 $0x8F2B, s0  }
0xbe: {  	[sflag:s0] =	ssyncadd.remote.s32 $0x1  }
0xbf: {  	_ =	sfence.sel $0xFFFF  }
0xc0: {  	[dreg:$0x0] =	wrdreg $0xFFFFFFFF;
	(pc) =	sbr.abs _section_cstart, $3  }
0xc1: {  	[dreg:$0x1] =	wrdreg $0xFFFFFFFF  }
0xc2: {  	_ =	task.clear_ibuf [dreg:s8], $0x2FFFF;
	_ =	strace $0x9FFFFFFF  }
0xc3: {  	(tm) =	ssettm $0x7FFFFFFF  }
tec
execute0_lowered:
.L_overlay_start_1:
0x0: {  	(tag) =	ssettag $0x1  }
0x1: {  	s1 =	rddreg [dreg:$0x0]  }
0x2: {  	s2 =	rddreg [dreg:$0x1];
	s4 =	srdreg.scid;
	s3 =	simm.s32 $0x0  }
0x3: {  	s0 =	stileid.u32;
	s8 =	simm.s32 $0x400;
	s9 =	simm.s32 $0x1  }
0x4: {  	s10 =	simm.s32 $0x11000;
	s11 =	simm.s32 $0x8000;
	s5 =	sand.u32 $0x1, s4  }
0x5: {  	s12 =	simm.s32 $0x10000;
	s13 =	simm.s32 $0x0;
	s6 =	ssub.s32 $0x2, s5  }
0x6: {  	v0 =	vlaneseq.u32;
	[smem:$0x7FF] =	sst s3;
	s31 =	sshll.u32 s0, $0xF;
	s7 =	sshrl.u32 s6, $0x1  }
0x7: {  	v1 =	vimm.s32 $0x0;
	v2 =	vmul.u32 $0x100, v0;
	_ =	strace $0x80000047;
	s5 =	sshll.u32 s5, $0x6;
	s6 =	ssub.s32 s6, s7  }
0x8: {  	v3 =	vimm.s32 $0x1;
	v4 =	vmul.u32 $0x10, v0;
	v5 =	vor.u32 $0x80000000, v0;
	s5 =	sor.u32 s31, s5;
	s7 =	simm.s32 $0x80;
	s6 =	smax.u32 s6, $0x1  }
.LBB2_1:
0x9: {  	s14 =	simm.s32 $0x0  }
.LBB2_2:
0xa: {  	p0 =	sne.s32 s14, $0x3FC0  }
.Ltmp0:
0xb: {  	_ = 	snop;
	(pc) =	sbr.rel @p0 .LBB2_2-.Ltmp0, $3  }
0xc: {  	_ =	sdelay $0x1  }
0xd: {  	s15 =	sshra.s32 s14, $0x2  }
0xe: {  	s14 =	sadd.s32 $0x40, s14;
	[tilespmem:s15+$0x10000] =	vst v1  }
0xf: {  	s14 =	simm.s32 $0x0  }
.LBB2_4:
0x10: {  	s15 =	sshll.u32 s14, $0x4  }
0x11: {  	s15 =	sadd.s32 s5, s15  }
0x12: {  	s16 =	sadd.s32 s1, s15  }
0x13: {  	[tilespmem:s3], [sflag:$0x1] =	stream.strided.gather [hbm4b:s16+s7], $0x8000, s8, s7, $0x38;
	[tilespmem:$0x11100] =	vst v63  }
0x14: {  	_ =	swait.ge [sflag:s9], $0x8000  }
0x15: {  	[sflag:s9] =	ssyncset.done $0x0  }
0x16: {  	s31 =	simm.s32 $0x40;
	[sflag:s9] =	ssyncadd.s32 $0xFFFF8000  }
0x17: {  	v6 =	vld [tilespmem:s31+$0x30]  }
0x18: {  	v7 =	vld [tilespmem:s31+$0xFFFFFFD0]  }
0x19: {  	v8 =	vld [tilespmem:s31+$0xFFFFFFE0]  }
0x1a: {  	v9 =	vld [tilespmem:s31+$0xFFFFFFF0];
	_ =	sdelay $0x1  }
0x1b: {  	v10 =	vld [tilespmem:s31+$0x0];
	v6 =	vshrl.u32 v6, $0x17  }
0x1c: {  	v11 =	vld [tilespmem:s31+$0x10];
	v7 =	vshrl.u32 v7, $0x17;
	v6 =	vand.u32 $0xFF, v6  }
0x1d: {  	v14 =	vld [tilespmem:s31+$0xFFFFFFC0];
	v8 =	vshrl.u32 v8, $0x17;
	v7 =	vand.u32 $0xFF, v7;
	v13 =	vor.u32 v2, v6  }
0x1e: {  	v12 =	vld [tilespmem:s31+$0x20];
	v7 =	vor.u32 v2, v7;
	v6 =	vand.u32 $0xFF, v8;
	v8 =	vshrl.u32 v9, $0x17  }
0x1f: {  	v9 =	vor.u32 v2, v6;
	v6 =	vand.u32 $0xFF, v8  }
0x20: {  	v8 =	vshrl.u32 v10, $0x17;
	v10 =	vor.u32 v2, v6  }
0x21: {  	s16 =	simm.s32 $0x10000  }
0x22: {  	v63 =	vshrl.u32 v14, $0x17;
	v6 =	vand.u32 $0xFF, v8;
	v8 =	vshrl.u32 v11, $0x17;
	[tilespmem:v13+s16+$0x0] =	vst.idx.add.s32.msk $0xffff, v3  }
0x23: {  	v11 =	vshrl.u32 v12, $0x17;
	v6 =	vor.u32 v2, v6;
	v8 =	vand.u32 $0xFF, v8;
	[tilespmem:v7+s16+$0x0] =	vst.idx.add.s32.msk $0xffff, v3  }
0x24: {  	v7 =	vor.u32 v2, v8;
	v8 =	vand.u32 $0xFF, v11;
	v11 =	vand.u32 $0xFF, v63;
	[tilespmem:v9+s16+$0x0] =	vst.idx.add.s32.msk $0xffff, v3  }
0x25: {  	s17 =	simm.s32 $0x0;
	s18 =	simm.s32 $0xC0;
	v8 =	vor.u32 v2, v8;
	v9 =	vor.u32 v2, v11;
	[tilespmem:v10+s16+$0x0] =	vst.idx.add.s32.msk $0xffff, v3  }
.LBB2_5:
0x26: {  	v10 =	vld [tilespmem:s18+$0x30];
	s17 =	sadd.s32 $0x8, s17  }
0x27: {  	v11 =	vld [tilespmem:s18+$0xFFFFFFD0];
	p0 =	slt.u32 s17, $0x7F8  }
0x28: {  	v12 =	vld [tilespmem:s18+$0xFFFFFFE0]  }
0x29: {  	v13 =	vld [tilespmem:s18+$0xFFFFFFF0]  }
0x2a: {  	v14 =	vld [tilespmem:s18+$0x0]  }
0x2b: {  	v15 =	vld [tilespmem:s18+$0x10];
	v10 =	vshrl.u32 v10, $0x17  }
0x2c: {  	v11 =	vshrl.u32 v11, $0x17;
	v16 =	vld [tilespmem:s18+$0x20];
	v10 =	vand.u32 $0xFF, v10  }
0x2d: {  	v17 =	vld [tilespmem:s18+$0xFFFFFFC0];
	v11 =	vand.u32 $0xFF, v11;
	v12 =	vshrl.u32 v12, $0x17;
	v10 =	vor.u32 v2, v10  }
0x2e: {  	v11 =	vor.u32 v2, v11;
	v12 =	vand.u32 $0xFF, v12;
	v13 =	vshrl.u32 v13, $0x17;
	[tilespmem:v9+s16+$0x0] =	vst.idx.add.s32.msk $0xffff, v3  }
0x2f: {  	v12 =	vor.u32 v2, v12;
	v9 =	vand.u32 $0xFF, v13;
	v13 =	vshrl.u32 v14, $0x17;
	[tilespmem:v6+s16+$0x0] =	vst.idx.add.s32.msk $0xffff, v3  }
0x30: {  	v14 =	vor.u32 v2, v9;
	v6 =	vand.u32 $0xFF, v13;
	v9 =	vshrl.u32 v15, $0x17;
	[tilespmem:v7+s16+$0x0] =	vst.idx.add.s32.msk $0xffff, v3  }
.Ltmp1:
0x31: {  	v6 =	vor.u32 v2, v6;
	v7 =	vand.u32 $0xFF, v9;
	v9 =	vshrl.u32 v16, $0x17;
	[tilespmem:v8+s16+$0x0] =	vst.idx.add.s32.msk $0xffff, v3;
	(pc) =	sbr.rel @p0 .LBB2_5-.Ltmp1, $4  }
0x32: {  	s20 =	simm.s32 $0x0;
	v8 =	vshrl.u32 v17, $0x17;
	v7 =	vor.u32 v2, v7;
	v9 =	vand.u32 $0xFF, v9;
	[tilespmem:v10+s16+$0x0] =	vst.idx.add.s32.msk $0xffff, v3  }
0x33: {  	v10 =	vand.u32 $0xFF, v8;
	[tilespmem:v11+s16+$0x0] =	vst.idx.add.s32.msk $0xffff, v3;
	v8 =	vor.u32 v2, v9  }
0x34: {  	v9 =	vor.u32 v2, v10;
	[tilespmem:v12+s16+$0x0] =	vst.idx.add.s32.msk $0xffff, v3  }
0x35: {  	s18 =	sadd.s32 $0x80, s18;
	[tilespmem:v14+s16+$0x0] =	vst.idx.add.s32.msk $0xffff, v3  }
0x36: {  	_ =	sdelay $0x3  }
0x37: {  	[tilespmem:v9+s16+$0x0] =	vst.idx.add.s32.msk $0xffff, v3  }
0x38: {  	[tilespmem:v6+s16+$0x0] =	vst.idx.add.s32.msk $0xffff, v3  }
0x39: {  	[tilespmem:v7+s16+$0x0] =	vst.idx.add.s32.msk $0xffff, v3  }
0x3a: {  	[tilespmem:v8+s16+$0x0] =	vst.idx.add.s32.msk $0xffff, v3  }
0x3b: {  	v6 =	vld [tilespmem:s16+$0x0];
	[tilespmem:s16+$0x0] =	vst v1;
	s16 =	sand.u32 $0xF0, s20  }
0x3c: {  	v7 =	vld [tilespmem:s16+$0x10100]  }
0x3d: {  	v8 =	vld [tilespmem:s16+$0x10200]  }
0x3e: {  	v9 =	vld [tilespmem:s16+$0x10300]  }
0x3f: {  	[tilespmem:s16+$0x10100] =	vst v1;
	v10 =	vld [tilespmem:s16+$0x10400]  }
0x40: {  	[tilespmem:s16+$0x10200] =	vst v1;
	v11 =	vld [tilespmem:s16+$0x10500]  }
0x41: {  	[tilespmem:s16+$0x10500] =	vst v1;
	v12 =	vld [tilespmem:s16+$0x10600]  }
0x42: {  	[tilespmem:s16+$0x10600] =	vst v1;
	v13 =	vld [tilespmem:s16+$0x10700];
	v6 =	vadd.s32 v6, v7  }
0x43: {  	[tilespmem:s16+$0x10700] =	vst v1;
	v14 =	vld [tilespmem:s16+$0x10800];
	v6 =	vadd.s32 v8, v6  }
0x44: {  	[tilespmem:s16+$0x10800] =	vst v1;
	v15 =	vld [tilespmem:s16+$0x10900];
	v6 =	vadd.s32 v9, v6  }
0x45: {  	[tilespmem:s16+$0x10900] =	vst v1;
	v16 =	vld [tilespmem:s16+$0x10A00];
	v6 =	vadd.s32 v10, v6  }
0x46: {  	[tilespmem:s16+$0x10A00] =	vst v1;
	v17 =	vld [tilespmem:s16+$0x10B00];
	v7 =	vadd.s32 v11, v6  }
0x47: {  	s18 =	simm.s32 $0x10010;
	[tilespmem:s16+$0x10B00] =	vst v1;
	v18 =	vld [tilespmem:s16+$0x10C00];
	v7 =	vadd.s32 v12, v7  }
0x48: {  	[tilespmem:s16+$0x10C00] =	vst v1;
	v10 =	vld [tilespmem:s18+$0x0];
	v8 =	vadd.s32 v13, v7  }
0x49: {  	[tilespmem:s16+$0x10400] =	vst v1;
	v6 =	vld [tilespmem:s16+$0x10D00];
	v8 =	vadd.s32 v14, v8  }
0x4a: {  	[tilespmem:s16+$0x10300] =	vst v1;
	v7 =	vld [tilespmem:s16+$0x10E00];
	v8 =	vadd.s32 v15, v8  }
0x4b: {  	[tilespmem:s18+$0x0] =	vst v1;
	v9 =	vadd.s32 v16, v8;
	v8 =	vld [tilespmem:s16+$0x10F00]  }
0x4c: {  	s19 =	simm.s32 $0x10;
	[tilespmem:s16+$0x10D00] =	vst v1;
	v11 =	vadd.s32 v17, v9;
	v9 =	vor.u32 s20, v4  }
0x4d: {  	s17 =	simm.s32 $0x1;
	s21 =	sand.u32 $0xF0, s19;
	[tilespmem:s16+$0x10E00] =	vst v1;
	s20 =	simm.s32 $0x2;
	v11 =	vadd.s32 v18, v11  }
.LBB2_7:
0x4e: {  	p0 =	sne.s32 s20, $0xF;
	v12 =	vld [tilespmem:s21+$0x10100];
	[tilespmem:s21+$0x10100] =	vst v1;
	v6 =	vadd.s32 v6, v11  }
0x4f: {  	v11 =	vld [tilespmem:s21+$0x10200];
	[tilespmem:s21+$0x10200] =	vst v1;
	v6 =	vadd.s32 v7, v6  }
0x50: {  	v7 =	vld [tilespmem:s21+$0x10300];
	v6 =	vadd.s32 v8, v6;
	[tilespmem:s16+$0x10F00] =	vst v1;
	s16 =	smov.u32 s21  }
0x51: {  	v8 =	vld [tilespmem:s16+$0x10400];
	[tilespmem:v9+s10+$0x0] =	vst.idx.msk $0xffff, v6  }
0x52: {  	v6 =	vld [tilespmem:s16+$0x10500];
	[tilespmem:s16+$0x10500] =	vst v1  }
0x53: {  	v9 =	vadd.s32 v10, v12;
	v10 =	vld [tilespmem:s16+$0x10600];
	[tilespmem:s16+$0x10600] =	vst v1  }
0x54: {  	v9 =	vadd.s32 v11, v9;
	v11 =	vld [tilespmem:s16+$0x10700];
	[tilespmem:s16+$0x10700] =	vst v1  }
0x55: {  	v7 =	vadd.s32 v7, v9;
	v9 =	vld [tilespmem:s16+$0x10800];
	[tilespmem:s16+$0x10800] =	vst v1  }
0x56: {  	v7 =	vadd.s32 v8, v7;
	v8 =	vld [tilespmem:s16+$0x10900];
	[tilespmem:s16+$0x10900] =	vst v1  }
0x57: {  	v6 =	vadd.s32 v6, v7;
	v12 =	vld [tilespmem:s16+$0x10A00];
	[tilespmem:s16+$0x10A00] =	vst v1  }
0x58: {  	v6 =	vadd.s32 v10, v6;
	v10 =	vld [tilespmem:s16+$0x10B00];
	[tilespmem:s16+$0x10B00] =	vst v1  }
0x59: {  	v6 =	vadd.s32 v11, v6;
	v11 =	vld [tilespmem:s16+$0x10C00];
	[tilespmem:s16+$0x10C00] =	vst v1  }
.Ltmp2:
0x5a: {  	v7 =	vadd.s32 v9, v6;
	v6 =	vld [tilespmem:s16+$0x10D00];
	[tilespmem:s16+$0x10D00] =	vst v1;
	(pc) =	sbr.rel @p0 .LBB2_7-.Ltmp2, $4  }
0x5b: {  	v8 =	vadd.s32 v8, v7;
	v7 =	vld [tilespmem:s16+$0x10E00];
	[tilespmem:s16+$0x10E00] =	vst v1  }
0x5c: {  	[tilespmem:s16+$0x10400] =	vst v1;
	v9 =	vadd.s32 v12, v8;
	v8 =	vld [tilespmem:s16+$0x10F00]  }
0x5d: {  	s19 =	sadd.s32 $0x10, s19;
	s18 =	sadd.s32 $0x10, s18;
	[tilespmem:s16+$0x10300] =	vst v1;
	v12 =	vadd.s32 v10, v9;
	v9 =	vor.u32 s17, v4;
	s17 =	smov.u32 s20  }
0x5e: {  	s21 =	sand.u32 $0xF0, s19;
	s20 =	sadd.s32 $0x1, s20;
	v10 =	vld [tilespmem:s18+$0x0];
	[tilespmem:s18+$0x0] =	vst v1;
	v11 =	vadd.s32 v11, v12  }
0x5f: {  	v12 =	vld [tilespmem:s21+$0x10100]  }
0x60: {  	v13 =	vld [tilespmem:s21+$0x10200]  }
0x61: {  	v14 =	vld [tilespmem:s21+$0x10300]  }
0x62: {  	[tilespmem:s21+$0x10100] =	vst v1;
	v15 =	vld [tilespmem:s21+$0x10400]  }
0x63: {  	[tilespmem:s21+$0x10200] =	vst v1;
	v16 =	vld [tilespmem:s21+$0x10500]  }
0x64: {  	[tilespmem:s21+$0x10500] =	vst v1;
	v17 =	vld [tilespmem:s21+$0x10600];
	v10 =	vadd.s32 v10, v12  }
0x65: {  	[tilespmem:s21+$0x10600] =	vst v1;
	v18 =	vld [tilespmem:s21+$0x10700];
	v10 =	vadd.s32 v13, v10  }
0x66: {  	[tilespmem:s21+$0x10700] =	vst v1;
	v19 =	vld [tilespmem:s21+$0x10800];
	v10 =	vadd.s32 v14, v10  }
0x67: {  	[tilespmem:s21+$0x10800] =	vst v1;
	v20 =	vld [tilespmem:s21+$0x10900];
	v10 =	vadd.s32 v15, v10  }
0x68: {  	[tilespmem:s21+$0x10900] =	vst v1;
	v21 =	vld [tilespmem:s21+$0x10A00];
	v10 =	vadd.s32 v16, v10  }
0x69: {  	[tilespmem:s21+$0x10A00] =	vst v1;
	v12 =	vld [tilespmem:s21+$0x10B00];
	v10 =	vadd.s32 v17, v10  }
0x6a: {  	[tilespmem:s21+$0x10400] =	vst v1;
	v13 =	vld [tilespmem:s21+$0x10C00];
	v10 =	vadd.s32 v18, v10  }
0x6b: {  	v6 =	vadd.s32 v6, v11;
	[tilespmem:s16+$0x10F00] =	vst v1;
	v14 =	vld [tilespmem:s21+$0x10D00];
	v10 =	vadd.s32 v19, v10  }
0x6c: {  	[tilespmem:s21+$0x10300] =	vst v1;
	v6 =	vadd.s32 v7, v6;
	v15 =	vld [tilespmem:s21+$0x10E00];
	v10 =	vadd.s32 v20, v10  }
0x6d: {  	v11 =	vld [tilespmem:s21+$0x10F00];
	[tilespmem:s21+$0x10F00] =	vst v1;
	v6 =	vadd.s32 v8, v6;
	v10 =	vadd.s32 v21, v10  }
0x6e: {  	[tilespmem:v9+s10+$0x0] =	vst.idx.msk $0xffff, v6;
	v7 =	vadd.s32 v12, v10;
	v10 =	vor.u32 s17, v4  }
0x6f: {  	[tilespmem:s21+$0x10B00] =	vst v1;
	v7 =	vadd.s32 v13, v7  }
0x70: {  	[tilespmem:s21+$0x10C00] =	vst v1;
	v6 =	vadd.s32 v14, v7  }
0x71: {  	[tilespmem:s21+$0x10D00] =	vst v1;
	v6 =	vadd.s32 v15, v6  }
0x72: {  	[tilespmem:s21+$0x10E00] =	vst v1;
	v6 =	vadd.s32 v11, v6  }
0x73: {  	[tilespmem:v10+s10+$0x0] =	vst.idx.msk $0xffff, v6  }
0x74: {  	v6 =	vld [tilespmem:$0x11000]  }
0x75: {  	v7 =	vld [tilespmem:$0x11010]  }
0x76: {  	v8 =	vld [tilespmem:$0x11020]  }
0x77: {  	v9 =	vld [tilespmem:$0x11030]  }
0x78: {  	v10 =	vld [tilespmem:$0x11040]  }
0x79: {  	v11 =	vld [tilespmem:$0x11050]  }
0x7a: {  	v6 =	vadd.s32 v6, v7;
	v7 =	vld [tilespmem:$0x11060]  }
0x7b: {  	v6 =	vadd.s32 v8, v6;
	v8 =	vld [tilespmem:$0x11070]  }
0x7c: {  	v6 =	vadd.s32 v9, v6;
	v9 =	vld [tilespmem:$0x11080]  }
0x7d: {  	v6 =	vadd.s32 v10, v6;
	v10 =	vld [tilespmem:$0x11090]  }
0x7e: {  	v6 =	vadd.s32 v11, v6;
	v11 =	vld [tilespmem:$0x110A0]  }
0x7f: {  	v6 =	vadd.s32 v7, v6;
	v7 =	vld [tilespmem:$0x110B0]  }
0x80: {  	v6 =	vadd.s32 v8, v6;
	v8 =	vld [tilespmem:$0x110C0]  }
0x81: {  	v6 =	vadd.s32 v9, v6;
	v9 =	vld [tilespmem:$0x110D0]  }
0x82: {  	v6 =	vadd.s32 v10, v6;
	v10 =	vld [tilespmem:$0x110E0]  }
0x83: {  	v6 =	vadd.s32 v11, v6;
	v11 =	vld [tilespmem:$0x110F0]  }
0x84: {  	v6 =	vadd.s32 v7, v6  }
0x85: {  	v6 =	vadd.s32 v8, v6  }
0x86: {  	v6 =	vadd.s32 v9, v6  }
0x87: {  	v6 =	vadd.s32 v10, v6  }
0x88: {  	v6 =	vadd.s32 v11, v6  }
0x89: {  	(xrf0) =	vadd.scan.msk.s32 $0xffff, v6;
	_ =	sdelay $0x5  }
0x8a: {  	v7, _, _ =	vpop (xrf0)  }
0x8b: {  	v8 =	vxor.u32 $0x80000000, v7  }
0x8c: {  	(xrf0) =	vmax.scan.msk.u32 $0xffff, v8;
	_ =	sdelay $0x5  }
0x8d: {  	v8, _, _ =	vpop (xrf0)  }
0x8e: {  	(v2sf) =	vpush v8, $0xF;
	_ =	sdelay $0xe  }
0x8f: {  	s20 =	spop (v2sf)  }
0x90: {  	s28 =	sadd.s32 $0x7FFFC001, s20  }
0x91: {  	vm0 =	vlt.s32 v7, s28  }
0x92: {  	v8 =	vsel vm0, $0xFFFFFFFF, v5  }
0x93: {  	(xrf0) =	vmin.scan.msk.u32 $0xffff, v8;
	_ =	sdelay $0x5  }
0x94: {  	v8, _, _ =	vpop (xrf0)  }
0x95: {  	(v2sf) =	vpush v8, $0xF;
	_ =	sdelay $0xe  }
0x96: {  	s29 =	spop (v2sf)  }
0x97: {  	s18 =	sxor.u32 $0x80000000, s29  }
0x98: {  	v6 =	vsub.s32 v7, v6;
	v8 =	vmov s18  }
0x99: {  	v6 =	vxor.u32 $0x80000000, v6;
	vm0 =	veq.s32 v8, v0  }
0x9a: {  	v6 =	vnsel vm0, $0xFFFFFFFF, v6  }
0x9b: {  	(xrf0) =	vmin.scan.msk.u32 $0xffff, v6;
	_ =	sdelay $0x5  }
0x9c: {  	v6, _, _ =	vpop (xrf0)  }
0x9d: {  	(v2sf) =	vpush v6, $0xF;
	v6 =	vadd.s32 s18, v4;
	_ =	sdelay $0x4  }
0x9e: {  	v6 =	vld.idx.msk [tilespmem:v6+s10+$0x0], $0xffff;
	_ =	sdelay $0x4  }
0x9f: {  	(xrf0) =	vadd.scan.msk.s32 $0xffff, v6;
	_ =	sdelay $0x4  }
0xa0: {  	s30 =	spop (v2sf)  }
0xa1: {  	s18 =	sxor.u32 $0x80000000, s30;
	v6, _, _ =	vpop (xrf0)  }
0xa2: {  	v11 =	vadd.s32 s18, v6  }
0xa3: {  	vm0 =	vlt.s32 v11, s28  }
0xa4: {  	v6 =	vsel vm0, $0xFFFFFFFF, v5  }
0xa5: {  	(xrf0) =	vmin.scan.msk.u32 $0xffff, v6;
	_ =	sdelay $0x5  }
0xa6: {  	v6, _, _ =	vpop (xrf0)  }
0xa7: {  	(v2sf) =	vpush v6, $0xF;
	_ =	sdelay $0x9  }
0xa8: {  	s31 =	simm.s32 $0x40  }
0xa9: {  	v14 =	vld [tilespmem:s31+$0xFFFFFFD0]  }
0xaa: {  	v6 =	vld [tilespmem:s31+$0xFFFFFFC0]  }
0xab: {  	v7 =	vld [tilespmem:s31+$0x20]  }
0xac: {  	v9 =	vld [tilespmem:s31+$0x30]  }
0xad: {  	v10 =	vld [tilespmem:s31+$0x10];
	s17 =	sshll.u32 s29, $0x4;
	s19 =	spop (v2sf)  }
0xae: {  	s17 =	sadd.s32 s19, s17  }
0xaf: {  	v23 =	vimm.s32 $0x0;
	v12 =	vld [tilespmem:s31+$0xFFFFFFE0];
	v14 =	vand.u32 $0x7FFFFFFF, v14;
	v8 =	vand.u32 $0x7FFFFFFF, v6;
	s21 =	sadd.s32 $0x80000000, s17  }
0xb0: {  	v7 =	vand.u32 $0x7FFFFFFF, v7;
	v6 =	vshrl.u32 v8, $0x17;
	v13 =	vmov s21  }
0xb1: {  	v18 =	vld [tilespmem:s31+$0xFFFFFFF0];
	v17 =	vshrl.u32 v7, $0x17;
	vm1 =	veq.s32 v6, v13;
	v6 =	vand.u32 $0x7FFFFFFF, v9  }
0xb2: {  	v9 =	vand.u32 $0x7FFFFFFF, v10;
	v15 =	vmpcnt.ones.xlane vm1;
	v10 =	vshrl.u32 v6, $0x17  }
0xb3: {  	v20 =	vshrl.u32 v14, $0x17;
	vm0 =	veq.s32 v17, v13;
	vm6 =	veq.s32 v10, v13  }
0xb4: {  	v10 =	vand.u32 $0x7FFFFFFF, v12;
	v12 =	vld [tilespmem:s31+$0x0];
	v16 =	vadd.s32 v23, v15;
	v15 =	vsel vm6, $0x1, v1  }
0xb5: {  	vm5 =	veq.s32 v20, v13;
	v19 =	vshrl.u32 v9, $0x17;
	v17 =	vshrl.u32 v10, $0x17;
	(xrf0) =	vadd.scan.msk.s32 $0xffff, v15  }
0xb6: {  	vm2 =	veq.s32 v17, v13;
	v17 =	vsel vm1, $0x1, v1;
	v15 =	vand.u32 $0x7FFFFFFF, v18  }
0xb7: {  	vm4 =	veq.s32 v19, v13;
	v20 =	vsel vm2, $0x1, v1;
	(xrf0) =	vadd.scan.msk.s32 $0xffff, v17;
	v19 =	vshrl.u32 v15, $0x17  }
0xb8: {  	v18 =	vsel vm5, $0x1, v1;
	v17 =	vmpcnt.ones.xlane vm5;
	(xrf0) =	vadd.scan.msk.s32 $0xffff, v20;
	vm7 =	veq.s32 v19, v13  }
0xb9: {  	v12 =	vand.u32 $0x7FFFFFFF, v12;
	v22 =	vsel vm7, $0x1, v1;
	(xrf0) =	vadd.scan.msk.s32 $0xffff, v18;
	v25 =	vmpcnt.ones.xlane vm7  }
0xba: {  	v21 =	vmpcnt.ones.xlane vm2;
	v20 =	vsel vm4, $0x1, v1;
	v24 =	vshrl.u32 v12, $0x17;
	(xrf0) =	vadd.scan.msk.s32 $0xffff, v22  }
0xbb: {  	v19 =	vadd.s32 v16, v17;
	v22 =	vsel vm0, $0x1, v1;
	vm3 =	veq.s32 v24, v13;
	v18, _, _ =	vpop (xrf0);
	(xrf0) =	vadd.scan.msk.s32 $0xffff, v20  }
0xbc: {  	v21 =	vadd.s32 v19, v21;
	v24 =	vmpcnt.ones.xlane vm3;
	v26 =	vsel vm3, $0x1, v1;
	(xrf0) =	vadd.scan.msk.s32 $0xffff, v22  }
0xbd: {  	vm6 =	vmmov vm6;
	v20 =	vadd.s32 v21, v25;
	v25, _, _ =	vpop (xrf0);
	(xrf0) =	vadd.scan.msk.s32 $0xffff, v26  }
0xbe: {  	s16 =	simm.s32 $0x0;
	s17 =	simm.s32 $0xC0;
	v17 =	vmov s28;
	v22 =	vadd.s32 v20, v24;
	v24 =	vadd.s32 v25, v23;
	v23, _, _ =	vpop (xrf0)  }
.LBB2_9:
0xbf: {  	v25 =	vld [tilespmem:s17+$0xFFFFFFC0];
	s16 =	sadd.s32 $0x8, s16;
	v24 =	vadd.s32 $0xFFFFFFFF, v24;
	v26 =	vmpcnt.ones.xlane vm6;
	v27, _, _ =	vpop (xrf0)  }
0xc0: {  	v32 =	vmpcnt.ones.xlane vm4;
	v33 =	vmpcnt.ones.xlane vm0;
	v28 =	vld [tilespmem:s17+$0x20];
	p0 =	slt.u32 s16, $0x7F8;
	v16 =	vadd.s32 v27, v16;
	v30, _, _ =	vpop (xrf0)  }
0xc1: {  	v19 =	vadd.s32 v23, v19;
	v31 =	vld [tilespmem:s17+$0x30];
	v16 =	vadd.s32 $0xFFFFFFFF, v16;
	v21 =	vadd.s32 v30, v21;
	v23, _, _ =	vpop (xrf0)  }
0xc2: {  	v30 =	vld [tilespmem:s17+$0x10];
	v21 =	vadd.s32 $0xFFFFFFFF, v21;
	v23 =	vadd.s32 v23, v22;
	v22 =	vadd.s32 v22, v32;
	v27, _, _ =	vpop (xrf0)  }
0xc3: {  	v32 =	vld [tilespmem:s17+$0x0];
	v23 =	vadd.s32 $0xFFFFFFFF, v23;
	v27 =	vadd.s32 v27, v22;
	v22 =	vadd.s32 v22, v33;
	v29, _, _ =	vpop (xrf0)  }
0xc4: {  	v33 =	vld [tilespmem:s17+$0xFFFFFFD0];
	[tilespmem:v24+s11+$0x0] =	vst.idx.msk vm1, v8;
	v8 =	vand.u32 $0x7FFFFFFF, v25;
	v20 =	vadd.s32 v29, v20;
	v24 =	vadd.s32 $0xFFFFFFFF, v27  }
0xc5: {  	v19 =	vadd.s32 $0xFFFFFFFF, v19;
	v25 =	vshrl.u32 v8, $0x17;
	v27 =	vld [tilespmem:s17+$0xFFFFFFE0];
	v28 =	vand.u32 $0x7FFFFFFF, v28  }
0xc6: {  	vm1 =	veq.s32 v25, v13;
	v25 =	vshrl.u32 v28, $0x17;
	[tilespmem:v16+s11+$0x0] =	vst.idx.msk vm5, v14;
	v14 =	vadd.s32 v18, v22  }
0xc7: {  	v18 =	vand.u32 $0x7FFFFFFF, v31;
	v16 =	vmpcnt.ones.xlane vm1;
	[tilespmem:v21+s11+$0x0] =	vst.idx.msk vm7, v15;
	v15 =	vadd.s32 $0xFFFFFFFF, v14  }
0xc8: {  	v14 =	vshrl.u32 v18, $0x17;
	[tilespmem:v23+s11+$0x0] =	vst.idx.msk vm4, v9;
	v9 =	vand.u32 $0x7FFFFFFF, v30;
	v23 =	vadd.s32 v22, v26  }
0xc9: {  	v20 =	vadd.s32 $0xFFFFFFFF, v20;
	vm8 =	veq.s32 v14, v13;
	v16 =	vadd.s32 v23, v16;
	v21 =	vld [tilespmem:s17+$0xFFFFFFF0];
	[tilespmem:v24+s11+$0x0] =	vst.idx.msk vm0, v7  }
0xca: {  	vm0 =	veq.s32 v25, v13;
	v22 =	vsel vm8, $0x1, v1;
	v7 =	vmovc v28;
	[tilespmem:v19+s11+$0x0] =	vst.idx.msk vm2, v10;
	v10 =	vand.u32 $0x7FFFFFFF, v27  }
0xcb: {  	v14 =	vand.u32 $0x7FFFFFFF, v33;
	v24 =	vshrl.u32 v9, $0x17;
	v19 =	vshrl.u32 v10, $0x17;
	(xrf0) =	vadd.scan.msk.s32 $0xffff, v22  }
0xcc: {  	v25 =	vsel vm0, $0x1, v1;
	v22 =	vshrl.u32 v14, $0x17;
	vm2 =	veq.s32 v19, v13;
	[tilespmem:v15+s11+$0x0] =	vst.idx.msk vm6, v6;
	v6 =	vmovc v18  }
0xcd: {  	vm4 =	veq.s32 v24, v13;
	vm5 =	veq.s32 v22, v13;
	v18 =	vsel vm2, $0x1, v1  }
0xce: {  	v19 =	vsel vm1, $0x1, v1;
	v22 =	vmpcnt.ones.xlane vm5;
	v15 =	vand.u32 $0x7FFFFFFF, v21;
	[tilespmem:v20+s11+$0x0] =	vst.idx.msk vm3, v12  }
0xcf: {  	v24 =	vsel vm4, $0x1, v1;
	v20 =	vsel vm5, $0x1, v1;
	v12 =	vshrl.u32 v15, $0x17;
	(xrf0) =	vadd.scan.msk.s32 $0xffff, v19  }
0xd0: {  	v19 =	vadd.s32 v16, v22;
	vm7 =	veq.s32 v12, v13;
	v12 =	vand.u32 $0x7FFFFFFF, v32;
	(xrf0) =	vadd.scan.msk.s32 $0xffff, v18  }
0xd1: {  	v21 =	vmpcnt.ones.xlane vm2;
	v22 =	vsel vm7, $0x1, v1;
	v26 =	vshrl.u32 v12, $0x17;
	(xrf0) =	vadd.scan.msk.s32 $0xffff, v20;
	v18, _, _ =	vpop (xrf0)  }
.Ltmp3:
0xd2: {  	vm6 =	vmmov vm8;
	v20 =	vmpcnt.ones.xlane vm7;
	vm3 =	veq.s32 v26, v13;
	(xrf0) =	vadd.scan.msk.s32 $0xffff, v22;
	(pc) =	sbr.rel @p0 .LBB2_9-.Ltmp3, $4  }
0xd3: {  	v21 =	vadd.s32 v19, v21;
	v26 =	vsel vm3, $0x1, v1;
	v22 =	vmpcnt.ones.xlane vm3;
	(xrf0) =	vadd.scan.msk.s32 $0xffff, v24  }
0xd4: {  	v20 =	vadd.s32 v21, v20;
	(xrf0) =	vadd.scan.msk.s32 $0xffff, v25  }
0xd5: {  	v22 =	vadd.s32 v20, v22;
	v24, _, _ =	vpop (xrf0);
	(xrf0) =	vadd.scan.msk.s32 $0xffff, v26  }
0xd6: {  	s17 =	sadd.s32 $0x80, s17;
	v24 =	vadd.s32 v24, v23;
	v23, _, _ =	vpop (xrf0)  }
0xd7: {  	v13 =	vmpcnt.ones.xlane vm4  }
0xd8: {  	v25 =	vmpcnt.ones.xlane vm0  }
0xd9: {  	v26 =	vmpcnt.ones.xlane vm6;
	v13 =	vadd.s32 v22, v13  }
0xda: {  	vm8 =	vlt.s32 v11, v17;
	v50 =	vxor.u32 $0x80000000, v11;
	v25 =	vadd.s32 v13, v25  }
0xdb: {  	v11 =	vsel vm8, $0xFFFFFFFF, v50;
	v51 =	vadd.s32 v25, v26  }
0xdc: {  	(xrf0) =	vmin.scan.msk.u32 $0xffff, v11;
	v52 =	vxor.u32 $0x80000000, v51  }
0xdd: {  	v53, _, _ =	vpop (xrf0);
	(xrf0) =	vmax.scan.msk.u32 $0xffff, v52  }
0xde: {  	v54, _, _ =	vpop (xrf0)  }
0xdf: {  	v55, _, _ =	vpop (xrf0)  }
0xe0: {  	v27, _, _ =	vpop (xrf0)  }
0xe1: {  	v28, _, _ =	vpop (xrf0)  }
0xe2: {  	v29, _, _ =	vpop (xrf0)  }
0xe3: {  	(v2sf) =	vpush v29, $0xF;
	v56, _, _ =	vpop (xrf0)  }
0xe4: {  	(v2sf) =	vpush v56, $0xF;
	_ =	sdelay $0xb  }
0xe5: {  	v57 =	vadd.s32 $0xFFFFFFFF, v24;
	v19 =	vadd.s32 v23, v19  }
0xe6: {  	v16 =	vadd.s32 v53, v16;
	v59 =	vadd.s32 $0xFFFFFFFF, v19  }
0xe7: {  	v16 =	vadd.s32 $0xFFFFFFFF, v16;
	v11 =	vadd.s32 v54, v21;
	s22 =	spop (v2sf)  }
0xe8: {  	v11 =	vadd.s32 $0xFFFFFFFF, v11;
	v58 =	vadd.s32 v55, v22;
	s19 =	spop (v2sf)  }
0xe9: {  	v21 =	vadd.s32 $0xFFFFFFFF, v58;
	v13 =	vadd.s32 v27, v13;
	s18 =	sadd.s32 $0x8000000F, s19  }
0xea: {  	v60 =	vadd.s32 v18, v25;
	v13 =	vadd.s32 $0xFFFFFFFF, v13;
	[tilespmem:v57+s11+$0x0] =	vst.idx.msk vm1, v8;
	s16 =	sshrl.u32 s18, $0x4  }
0xeb: {  	v61 =	vadd.s32 v28, v20;
	v62 =	vadd.s32 $0xFFFFFFFF, v60;
	[tilespmem:v59+s11+$0x0] =	vst.idx.msk vm2, v10;
	s17 =	sand.u32 $0xFFFFFF8, s16  }
0xec: {  	v63 =	vadd.s32 $0xFFFFFFFF, v61;
	[tilespmem:v16+s11+$0x0] =	vst.idx.msk vm5, v14;
	p0 =	seq.s32 s17, $0x0  }
.Ltmp4:
0xed: {  	[tilespmem:v11+s11+$0x0] =	vst.idx.msk vm7, v15;
	(pc) =	sbr.rel @p0 .LBB2_14-.Ltmp4, $4  }
0xee: {  	[tilespmem:v21+s11+$0x0] =	vst.idx.msk vm4, v9  }
0xef: {  	[tilespmem:v13+s11+$0x0] =	vst.idx.msk vm0, v7  }
0xf0: {  	[tilespmem:v62+s11+$0x0] =	vst.idx.msk vm6, v6  }
0xf1: {  	[tilespmem:v63+s11+$0x0] =	vst.idx.msk vm3, v12;
	s19 =	sxor.u32 $0x80000000, s19  }
0xf2: {  	s25 =	simm.s32 $0x8040  }
0xf3: {  	v13 =	vld [tilespmem:s25+$0x0]  }
0xf4: {  	v14 =	vld [tilespmem:s25+$0x30]  }
0xf5: {  	v15 =	vld [tilespmem:s25+$0x20]  }
0xf6: {  	s24 =	simm.s32 $0x50;
	v9 =	vld [tilespmem:s25+$0xFFFFFFC0]  }
0xf7: {  	v6 =	vmov s19;
	s23 =	simm.s32 $0x70;
	s26 =	simm.s32 $0x20;
	s29 =	simm.s32 $0x10;
	v10 =	vor.u32 s24, v0;
	v16 =	vld [tilespmem:s25+$0xFFFFFFD0]  }
0xf8: {  	s28 =	simm.s32 $0x0;
	s30 =	simm.s32 $0x60;
	v11 =	vor.u32 s29, v0;
	v12 =	vor.u32 s26, v0;
	v17 =	vor.u32 s23, v0  }
0xf9: {  	v8 =	vor.u32 s28, v0;
	v20 =	vor.u32 s30, v0;
	vm0 =	vlt.s32 v17, v6  }
0xfa: {  	p1 =	sgt.u32 s17, $0x8;
	v18 =	vshrl.u32 v13, $0xF;
	v13 =	vshrl.u32 v14, $0xF;
	v14 =	vshrl.u32 v15, $0xF  }
.Ltmp5:
0xfb: {  	v9 =	vshrl.u32 v9, $0xF;
	v15 =	vand.u32 $0xFF, v13;
	v14 =	vand.u32 $0xFF, v14;
	(pc) =	sbr.rel @!p1 .LBB2_13-.Ltmp5, $4  }
0xfc: {  	v19 =	vand.u32 $0xFF, v18;
	v18 =	vld [tilespmem:s25+$0xFFFFFFE0];
	v17 =	vor.u32 v2, v15;
	v15 =	vshrl.u32 v16, $0xF  }
0xfd: {  	s4 =	simm.s32 $0x30;
	v16 =	vor.u32 v2, v14;
	v14 =	vand.u32 $0xFF, v15;
	v15 =	vor.u32 v2, v19;
	v19 =	vld [tilespmem:s25+$0x10]  }
0xfe: {  	s31 =	simm.s32 $0x40;
	v7 =	vor.u32 s4, v0;
	vm1 =	vlt.s32 v20, v6;
	v9 =	vand.u32 $0xFF, v9;
	v13 =	vld [tilespmem:s25+$0xFFFFFFF0]  }
0xff: {  	s24 =	simm.s32 $0x8;
	v20 =	vor.u32 s31, v0;
	v9 =	vor.u32 v2, v9;
	s25 =	simm.s32 $0x80C0;
	v14 =	vor.u32 v2, v14  }
.LBB2_12:
0x100: {  	v21 =	vld [tilespmem:s25+$0xFFFFFFC0];
	s24 =	sadd.s32 $0x8, s24;
	vm5 =	vlt.s32 v20, v6;
	s23 =	sadd.s32 $0x80, s23  }
0x101: {  	vm2 =	vlt.s32 v11, v6;
	vm3 =	vlt.s32 v12, v6;
	vm4 =	vlt.s32 v10, v6;
	s26 =	sadd.s32 $0xFFFFFFB0, s23;
	v20 =	vld [tilespmem:s25+$0x0];
	s28 =	sadd.s32 $0xFFFFFFE0, s23;
	p1 =	slt.u32 s24, s17  }
0x102: {  	s29 =	sadd.s32 $0xFFFFFF90, s23;
	s30 =	sadd.s32 $0xFFFFFFA0, s23;
	s31 =	sadd.s32 $0xFFFFFFC0, s23;
	v11 =	vshrl.u32 v18, $0xF;
	v10 =	vor.u32 s28, v0;
	v12 =	vshrl.u32 v19, $0xF;
	[tilespmem:v17+s12+$0x0] =	vst.idx.add.s32.msk vm0, v3  }
0x103: {  	v13 =	vshrl.u32 v13, $0xF;
	v11 =	vand.u32 $0xFF, v11;
	v17 =	vld [tilespmem:s25+$0x30];
	v12 =	vand.u32 $0xFF, v12  }
0x104: {  	v13 =	vand.u32 $0xFF, v13;
	v18 =	vor.u32 v2, v11;
	v19 =	vor.u32 v2, v12;
	[tilespmem:v16+s12+$0x0] =	vst.idx.add.s32.msk vm1, v3  }
0x105: {  	v22 =	vor.u32 v2, v13;
	v11 =	vor.u32 s30, v0;
	v12 =	vor.u32 s26, v0;
	v16 =	vld [tilespmem:s25+$0x20]  }
0x106: {  	v23 =	vor.u32 s29, v0;
	v24 =	vor.u32 s31, v0;
	[tilespmem:v15+s12+$0x0] =	vst.idx.add.s32.msk vm5, v3  }
0x107: {  	v15 =	vld [tilespmem:s25+$0xFFFFFFD0]  }
0x108: {  	vm6 =	vlt.s32 v8, v6;
	v8 =	vmovc v23;
	vm5 =	vlt.s32 v7, v6;
	v7 =	vmov v24;
	v13 =	vld [tilespmem:s25+$0xFFFFFFF0]  }
0x109: {  	v23 =	vor.u32 s23, v0;
	v21 =	vshrl.u32 v21, $0xF;
	v20 =	vshrl.u32 v20, $0xF;
	[tilespmem:v19+s12+$0x0] =	vst.idx.add.s32.msk vm4, v3  }
0x10a: {  	s26 =	sadd.s32 $0xFFFFFFF0, s23;
	vm0 =	vlt.s32 v23, v6;
	v17 =	vshrl.u32 v17, $0xF;
	v19 =	vand.u32 $0xFF, v21;
	[tilespmem:v18+s12+$0x0] =	vst.idx.add.s32.msk vm3, v3  }
.Ltmp6:
0x10b: {  	v17 =	vand.u32 $0xFF, v17;
	v21 =	vor.u32 v2, v19;
	v16 =	vshrl.u32 v16, $0xF;
	[tilespmem:v14+s12+$0x0] =	vst.idx.add.s32.msk vm2, v3;
	(pc) =	sbr.rel @p1 .LBB2_12-.Ltmp6, $4  }
0x10c: {  	v17 =	vor.u32 v2, v17;
	v14 =	vor.u32 s26, v0;
	v16 =	vand.u32 $0xFF, v16;
	v18 =	vld [tilespmem:s25+$0xFFFFFFE0]  }
0x10d: {  	v20 =	vand.u32 $0xFF, v20;
	s26 =	sadd.s32 $0xFFFFFFD0, s23;
	v15 =	vshrl.u32 v15, $0xF;
	v16 =	vor.u32 v2, v16;
	v19 =	vld [tilespmem:s25+$0x10]  }
0x10e: {  	vm1 =	vlt.s32 v14, v6;
	v23 =	vand.u32 $0xFF, v15;
	v15 =	vor.u32 v2, v20;
	[tilespmem:v9+s12+$0x0] =	vst.idx.add.s32.msk vm6, v3  }
0x10f: {  	v20 =	vor.u32 s26, v0;
	s25 =	sadd.s32 $0x80, s25;
	v14 =	vor.u32 v2, v23;
	v9 =	vmov v21;
	[tilespmem:v22+s12+$0x0] =	vst.idx.add.s32.msk vm5, v3  }
.LBB2_13:
0x110: {  	_ = 	snop  }
0x111: {  	vm2 =	vlt.s32 v20, v6  }
0x112: {  	vm5 =	vlt.s32 v11, v6  }
0x113: {  	vm3 =	vlt.s32 v10, v6;
	vm14 =	vlt.s32 v8, v6;
	v59 =	vshrl.u32 v18, $0xF  }
0x114: {  	vm4 =	vlt.s32 v12, v6;
	v19 =	vshrl.u32 v19, $0xF;
	v10 =	vand.u32 $0xFF, v59  }
0x115: {  	[tilespmem:v17+s12+$0x0] =	vst.idx.add.s32.msk vm0, v3;
	v60 =	vand.u32 $0xFF, v19;
	v10 =	vor.u32 v2, v10;
	v62 =	vshrl.u32 v13, $0xF  }
0x116: {  	[tilespmem:v16+s12+$0x0] =	vst.idx.add.s32.msk vm1, v3;
	vm15 =	vlt.s32 v7, v6;
	v61 =	vor.u32 v2, v60;
	v63 =	vand.u32 $0xFF, v62  }
0x117: {  	v6 =	vor.u32 v2, v63;
	[tilespmem:v15+s12+$0x0] =	vst.idx.add.s32.msk vm2, v3  }
0x118: {  	[tilespmem:v14+s12+$0x0] =	vst.idx.add.s32.msk vm5, v3  }
0x119: {  	[tilespmem:v9+s12+$0x0] =	vst.idx.add.s32.msk vm14, v3  }
0x11a: {  	[tilespmem:v10+s12+$0x0] =	vst.idx.add.s32.msk vm4, v3  }
0x11b: {  	[tilespmem:v61+s12+$0x0] =	vst.idx.add.s32.msk vm3, v3  }
0x11c: {  	[tilespmem:v6+s12+$0x0] =	vst.idx.add.s32.msk vm15, v3  }
.LBB2_14:
0x11d: {  	p1 =	sne.s32 s17, s16  }
.Ltmp7:
0x11e: {  	_ = 	snop;
	(pc) =	sbr.rel @!p1 .LBB2_15-.Ltmp7, $1  }
0x11f: {  	_ =	sdelay $0x3  }
0x120: {  	s23 =	sshll.u32 s18, $0x2  }
0x121: {  	s23 =	sshra.s32 s23, $0x2  }
0x122: {  	s23 =	sand.u32 $0xFFFFFF80, s23  }
0x123: {  	v6 =	vmov s19;
	s24 =	sand.u32 $0xFFFFFF80, s18;
	s25 =	smov.u32 s17;
	s23 =	sadd.s32 $0x8000, s23  }
.LBB2_37:
0x124: {  	v7 =	vld [tilespmem:s23+$0x0];
	_ =	sdelay $0x4  }
0x125: {  	v8 =	vor.u32 s24, v0;
	v7 =	vshrl.u32 v7, $0xF  }
0x126: {  	s25 =	sadd.s32 $0x1, s25;
	vm0 =	vlt.s32 v8, v6;
	v7 =	vand.u32 $0xFF, v7  }
0x127: {  	p1 =	slt.u32 s25, s16;
	v7 =	vor.u32 v2, v7  }
.Ltmp8:
0x128: {  	_ = 	snop;
	(pc) =	sbr.rel @p1 .LBB2_37-.Ltmp8, $2  }
0x129: {  	_ =	sdelay $0x2  }
0x12a: {  	s23 =	sadd.s32 $0x10, s23;
	s24 =	sadd.s32 $0x10, s24;
	[tilespmem:v7+s12+$0x0] =	vst.idx.add.s32.msk vm0, v3  }
.LBB2_15:
0x12b: {  	s20 =	sxor.u32 $0x80000000, s20  }
0x12c: {  	s22 =	sxor.u32 $0x80000000, s22;
	s26 =	simm.s32 $0x0;
	s31 =	simm.s32 $0x10000  }
0x12d: {  	s20 =	ssub.s32 s22, s20;
	v6 =	vld [tilespmem:s31+$0x0];
	[tilespmem:s31+$0x0] =	vst v1;
	s22 =	sand.u32 $0xF0, s26  }
0x12e: {  	v7 =	vld [tilespmem:s22+$0x10100]  }
0x12f: {  	v8 =	vld [tilespmem:s22+$0x10200]  }
0x130: {  	v9 =	vld [tilespmem:s22+$0x10300]  }
0x131: {  	[tilespmem:s22+$0x10100] =	vst v1;
	v10 =	vld [tilespmem:s22+$0x10400]  }
0x132: {  	[tilespmem:s22+$0x10200] =	vst v1;
	v11 =	vld [tilespmem:s22+$0x10500]  }
0x133: {  	[tilespmem:s22+$0x10500] =	vst v1;
	v12 =	vld [tilespmem:s22+$0x10600]  }
0x134: {  	[tilespmem:s22+$0x10600] =	vst v1;
	v13 =	vld [tilespmem:s22+$0x10700];
	v6 =	vadd.s32 v6, v7  }
0x135: {  	[tilespmem:s22+$0x10700] =	vst v1;
	v14 =	vld [tilespmem:s22+$0x10800];
	v6 =	vadd.s32 v8, v6  }
0x136: {  	[tilespmem:s22+$0x10800] =	vst v1;
	v15 =	vld [tilespmem:s22+$0x10900];
	v6 =	vadd.s32 v9, v6  }
0x137: {  	[tilespmem:s22+$0x10900] =	vst v1;
	v16 =	vld [tilespmem:s22+$0x10A00];
	v6 =	vadd.s32 v10, v6  }
0x138: {  	[tilespmem:s22+$0x10A00] =	vst v1;
	v17 =	vld [tilespmem:s22+$0x10B00];
	v7 =	vadd.s32 v11, v6  }
0x139: {  	s24 =	simm.s32 $0x10010;
	[tilespmem:s22+$0x10B00] =	vst v1;
	v18 =	vld [tilespmem:s22+$0x10C00];
	v7 =	vadd.s32 v12, v7  }
0x13a: {  	[tilespmem:s22+$0x10C00] =	vst v1;
	v10 =	vld [tilespmem:s24+$0x0];
	v8 =	vadd.s32 v13, v7  }
0x13b: {  	[tilespmem:s22+$0x10400] =	vst v1;
	v6 =	vld [tilespmem:s22+$0x10D00];
	v8 =	vadd.s32 v14, v8  }
0x13c: {  	[tilespmem:s22+$0x10300] =	vst v1;
	v7 =	vld [tilespmem:s22+$0x10E00];
	v8 =	vadd.s32 v15, v8  }
0x13d: {  	[tilespmem:s24+$0x0] =	vst v1;
	v9 =	vadd.s32 v16, v8;
	v8 =	vld [tilespmem:s22+$0x10F00]  }
0x13e: {  	s25 =	simm.s32 $0x10;
	[tilespmem:s22+$0x10D00] =	vst v1;
	v11 =	vadd.s32 v17, v9;
	v9 =	vor.u32 s26, v4  }
0x13f: {  	s23 =	simm.s32 $0x1;
	s28 =	sand.u32 $0xF0, s25;
	[tilespmem:s22+$0x10E00] =	vst v1;
	s26 =	simm.s32 $0x2;
	v11 =	vadd.s32 v18, v11  }
.LBB2_16:
0x140: {  	p1 =	sne.s32 s26, $0xF;
	v12 =	vld [tilespmem:s28+$0x10100];
	[tilespmem:s28+$0x10100] =	vst v1;
	v6 =	vadd.s32 v6, v11  }
0x141: {  	v11 =	vld [tilespmem:s28+$0x10200];
	[tilespmem:s28+$0x10200] =	vst v1;
	v6 =	vadd.s32 v7, v6  }
0x142: {  	v7 =	vld [tilespmem:s28+$0x10300];
	v6 =	vadd.s32 v8, v6;
	[tilespmem:s22+$0x10F00] =	vst v1;
	s22 =	smov.u32 s28  }
0x143: {  	v8 =	vld [tilespmem:s22+$0x10400];
	[tilespmem:v9+s10+$0x0] =	vst.idx.msk $0xffff, v6  }
0x144: {  	v6 =	vld [tilespmem:s22+$0x10500];
	[tilespmem:s22+$0x10500] =	vst v1  }
0x145: {  	v9 =	vadd.s32 v10, v12;
	v10 =	vld [tilespmem:s22+$0x10600];
	[tilespmem:s22+$0x10600] =	vst v1  }
0x146: {  	v9 =	vadd.s32 v11, v9;
	v11 =	vld [tilespmem:s22+$0x10700];
	[tilespmem:s22+$0x10700] =	vst v1  }
0x147: {  	v7 =	vadd.s32 v7, v9;
	v9 =	vld [tilespmem:s22+$0x10800];
	[tilespmem:s22+$0x10800] =	vst v1  }
0x148: {  	v7 =	vadd.s32 v8, v7;
	v8 =	vld [tilespmem:s22+$0x10900];
	[tilespmem:s22+$0x10900] =	vst v1  }
0x149: {  	v6 =	vadd.s32 v6, v7;
	v12 =	vld [tilespmem:s22+$0x10A00];
	[tilespmem:s22+$0x10A00] =	vst v1  }
0x14a: {  	v6 =	vadd.s32 v10, v6;
	v10 =	vld [tilespmem:s22+$0x10B00];
	[tilespmem:s22+$0x10B00] =	vst v1  }
0x14b: {  	v6 =	vadd.s32 v11, v6;
	v11 =	vld [tilespmem:s22+$0x10C00];
	[tilespmem:s22+$0x10C00] =	vst v1  }
.Ltmp9:
0x14c: {  	v7 =	vadd.s32 v9, v6;
	v6 =	vld [tilespmem:s22+$0x10D00];
	[tilespmem:s22+$0x10D00] =	vst v1;
	(pc) =	sbr.rel @p1 .LBB2_16-.Ltmp9, $4  }
0x14d: {  	v8 =	vadd.s32 v8, v7;
	v7 =	vld [tilespmem:s22+$0x10E00];
	[tilespmem:s22+$0x10E00] =	vst v1  }
0x14e: {  	[tilespmem:s22+$0x10400] =	vst v1;
	v9 =	vadd.s32 v12, v8;
	v8 =	vld [tilespmem:s22+$0x10F00]  }
0x14f: {  	s25 =	sadd.s32 $0x10, s25;
	s24 =	sadd.s32 $0x10, s24;
	[tilespmem:s22+$0x10300] =	vst v1;
	v12 =	vadd.s32 v10, v9;
	v9 =	vor.u32 s23, v4;
	s23 =	smov.u32 s26  }
0x150: {  	s28 =	sand.u32 $0xF0, s25;
	s26 =	sadd.s32 $0x1, s26;
	v10 =	vld [tilespmem:s24+$0x0];
	[tilespmem:s24+$0x0] =	vst v1;
	v11 =	vadd.s32 v11, v12  }
0x151: {  	v12 =	vld [tilespmem:s28+$0x10100]  }
0x152: {  	v13 =	vld [tilespmem:s28+$0x10200]  }
0x153: {  	v14 =	vld [tilespmem:s28+$0x10300]  }
0x154: {  	[tilespmem:s28+$0x10100] =	vst v1;
	v15 =	vld [tilespmem:s28+$0x10400]  }
0x155: {  	[tilespmem:s28+$0x10200] =	vst v1;
	v16 =	vld [tilespmem:s28+$0x10500]  }
0x156: {  	[tilespmem:s28+$0x10500] =	vst v1;
	v17 =	vld [tilespmem:s28+$0x10600];
	v10 =	vadd.s32 v10, v12  }
0x157: {  	[tilespmem:s28+$0x10600] =	vst v1;
	v18 =	vld [tilespmem:s28+$0x10700];
	v10 =	vadd.s32 v13, v10  }
0x158: {  	[tilespmem:s28+$0x10700] =	vst v1;
	v19 =	vld [tilespmem:s28+$0x10800];
	v10 =	vadd.s32 v14, v10  }
0x159: {  	[tilespmem:s28+$0x10800] =	vst v1;
	v20 =	vld [tilespmem:s28+$0x10900];
	v10 =	vadd.s32 v15, v10  }
0x15a: {  	[tilespmem:s28+$0x10900] =	vst v1;
	v21 =	vld [tilespmem:s28+$0x10A00];
	v10 =	vadd.s32 v16, v10  }
0x15b: {  	[tilespmem:s28+$0x10A00] =	vst v1;
	v45 =	vld [tilespmem:s28+$0x10B00];
	v10 =	vadd.s32 v17, v10  }
0x15c: {  	[tilespmem:s28+$0x10B00] =	vst v1;
	v46 =	vld [tilespmem:s28+$0x10C00];
	v10 =	vadd.s32 v18, v10  }
0x15d: {  	[tilespmem:s28+$0x10C00] =	vst v1;
	v47 =	vld [tilespmem:s28+$0x10D00];
	v10 =	vadd.s32 v19, v10  }
0x15e: {  	[tilespmem:s28+$0x10D00] =	vst v1;
	v48 =	vld [tilespmem:s28+$0x10E00];
	v10 =	vadd.s32 v20, v10  }
0x15f: {  	[tilespmem:s28+$0x10E00] =	vst v1;
	v6 =	vadd.s32 v6, v11;
	v49 =	vld [tilespmem:s28+$0x10F00];
	v10 =	vadd.s32 v21, v10  }
0x160: {  	[tilespmem:s28+$0x10400] =	vst v1;
	v50 =	vor.u32 s23, v4;
	v6 =	vadd.s32 v7, v6;
	v7 =	vadd.s32 v45, v10  }
0x161: {  	[tilespmem:s22+$0x10F00] =	vst v1;
	v6 =	vadd.s32 v8, v6;
	v7 =	vadd.s32 v46, v7  }
0x162: {  	[tilespmem:v9+s10+$0x0] =	vst.idx.msk $0xffff, v6;
	v6 =	vadd.s32 v47, v7  }
0x163: {  	[tilespmem:s28+$0x10300] =	vst v1;
	v6 =	vadd.s32 v48, v6  }
0x164: {  	[tilespmem:s28+$0x10F00] =	vst v1;
	v6 =	vadd.s32 v49, v6  }
0x165: {  	[tilespmem:v50+s10+$0x0] =	vst.idx.msk $0xffff, v6  }
0x166: {  	v6 =	vld [tilespmem:$0x11000]  }
0x167: {  	v7 =	vld [tilespmem:$0x11010]  }
0x168: {  	v51 =	vld [tilespmem:$0x11020]  }
0x169: {  	v9 =	vld [tilespmem:$0x11030]  }
0x16a: {  	v10 =	vld [tilespmem:$0x11040]  }
0x16b: {  	v52 =	vld [tilespmem:$0x11050]  }
0x16c: {  	v6 =	vadd.s32 v6, v7;
	v7 =	vld [tilespmem:$0x11060]  }
0x16d: {  	v53 =	vld [tilespmem:$0x11070];
	v6 =	vadd.s32 v51, v6  }
0x16e: {  	v54 =	vld [tilespmem:$0x11080];
	v6 =	vadd.s32 v9, v6  }
0x16f: {  	v55 =	vld [tilespmem:$0x11090];
	v6 =	vadd.s32 v10, v6  }
0x170: {  	v56 =	vld [tilespmem:$0x110A0];
	v6 =	vadd.s32 v52, v6  }
0x171: {  	v6 =	vadd.s32 v7, v6;
	v7 =	vld [tilespmem:$0x110B0]  }
0x172: {  	v57 =	vld [tilespmem:$0x110C0];
	v6 =	vadd.s32 v53, v6  }
0x173: {  	v58 =	vld [tilespmem:$0x110D0];
	v6 =	vadd.s32 v54, v6  }
0x174: {  	v59 =	vld [tilespmem:$0x110E0];
	v6 =	vadd.s32 v55, v6  }
0x175: {  	v60 =	vld [tilespmem:$0x110F0];
	v6 =	vadd.s32 v56, v6  }
0x176: {  	v6 =	vadd.s32 v7, v6  }
0x177: {  	v6 =	vadd.s32 v57, v6  }
0x178: {  	v6 =	vadd.s32 v58, v6  }
0x179: {  	v6 =	vadd.s32 v59, v6  }
0x17a: {  	v6 =	vadd.s32 v60, v6  }
0x17b: {  	(xrf0) =	vadd.scan.msk.s32 $0xffff, v6;
	_ =	sdelay $0x5  }
0x17c: {  	v7, _, _ =	vpop (xrf0)  }
0x17d: {  	v61 =	vxor.u32 $0x80000000, v7  }
0x17e: {  	(xrf0) =	vmax.scan.msk.u32 $0xffff, v61;
	_ =	sdelay $0x5  }
0x17f: {  	v8, _, _ =	vpop (xrf0)  }
0x180: {  	(v2sf) =	vpush v8, $0xF;
	_ =	sdelay $0xe  }
0x181: {  	s26 =	spop (v2sf)  }
0x182: {  	s22 =	sxor.u32 $0x80000000, s26  }
0x183: {  	s28 =	ssub.s32 s22, s20  }
0x184: {  	s23 =	sadd.s32 $0xFFFFC001, s28  }
0x185: {  	vm0 =	vlt.s32 v7, s23  }
0x186: {  	v62 =	vsel vm0, $0xFFFFFFFF, v5  }
0x187: {  	(xrf0) =	vmin.scan.msk.u32 $0xffff, v62;
	_ =	sdelay $0x5  }
0x188: {  	v8, _, _ =	vpop (xrf0)  }
0x189: {  	(v2sf) =	vpush v8, $0xF;
	_ =	sdelay $0xe  }
0x18a: {  	s24 =	spop (v2sf)  }
0x18b: {  	s25 =	sxor.u32 $0x80000000, s24  }
0x18c: {  	v6 =	vsub.s32 v7, v6;
	v63 =	vmov s25  }
0x18d: {  	v6 =	vxor.u32 $0x80000000, v6;
	vm14 =	veq.s32 v63, v0  }
0x18e: {  	v6 =	vnsel vm14, $0xFFFFFFFF, v6  }
0x18f: {  	(xrf0) =	vmin.scan.msk.u32 $0xffff, v6;
	_ =	sdelay $0x5  }
0x190: {  	v6, _, _ =	vpop (xrf0)  }
0x191: {  	(v2sf) =	vpush v6, $0xF;
	v6 =	vadd.s32 s25, v4;
	_ =	sdelay $0x4  }
0x192: {  	v6 =	vld.idx.msk [tilespmem:v6+s10+$0x0], $0xffff;
	_ =	sdelay $0x4  }
0x193: {  	(xrf0) =	vadd.scan.msk.s32 $0xffff, v6;
	_ =	sdelay $0x4  }
0x194: {  	s29 =	spop (v2sf)  }
0x195: {  	s25 =	sxor.u32 $0x80000000, s29;
	v6, _, _ =	vpop (xrf0)  }
0x196: {  	v6 =	vadd.s32 s25, v6  }
0x197: {  	vm15 =	vlt.s32 v6, s23  }
0x198: {  	v7 =	vsel vm15, $0xFFFFFFFF, v5  }
0x199: {  	v6 =	vxor.u32 $0x80000000, v6;
	(xrf0) =	vmin.scan.msk.u32 $0xffff, v7  }
0x19a: {  	v6 =	vsel vm15, $0xFFFFFFFF, v6  }
0x19b: {  	(xrf0) =	vmin.scan.msk.u32 $0xffff, v6;
	_ =	sdelay $0x3  }
0x19c: {  	v6, _, _ =	vpop (xrf0)  }
0x19d: {  	(v2sf) =	vpush v6, $0xF  }
0x19e: {  	v6, _, _ =	vpop (xrf0)  }
0x19f: {  	(v2sf) =	vpush v6, $0xF;
	_ =	sdelay $0xa  }
.Ltmp10:
0x1a0: {  	_ = 	snop;
	(pc) =	sbr.rel @p0 .LBB2_18-.Ltmp10, $4  }
0x1a1: {  	s21 =	sshll.u32 s21, $0x8;
	s30 =	sshll.u32 s24, $0x4  }
0x1a2: {  	s21 =	sadd.s32 s21, s30;
	s31 =	spop (v2sf)  }
0x1a3: {  	s21 =	sadd.s32 s31, s21  }
0x1a4: {  	s23 =	spop (v2sf);
	s21 =	sadd.s32 $0x80000000, s21  }
0x1a5: {  	s24 =	simm.s32 $0x8040  }
0x1a6: {  	v7 =	vmov s19;
	s26 =	simm.s32 $0x0;
	v6 =	vld [tilespmem:s24+$0xFFFFFFC0]  }
0x1a7: {  	v8 =	vmov s21;
	v17 =	vimm.s32 $0x0;
	s28 =	simm.s32 $0x10;
	s0 =	simm.s32 $0x40;
	s29 =	simm.s32 $0x60;
	v13 =	vor.u32 s26, v0;
	v9 =	vld [tilespmem:s24+$0x30]  }
0x1a8: {  	s30 =	simm.s32 $0x50;
	s4 =	simm.s32 $0x30;
	v14 =	vor.u32 s28, v0;
	v11 =	vor.u32 s0, v0;
	v12 =	vor.u32 s29, v0;
	v10 =	vld [tilespmem:s24+$0xFFFFFFE0]  }
0x1a9: {  	s25 =	simm.s32 $0x70;
	s31 =	simm.s32 $0x20;
	v15 =	vor.u32 s4, v0;
	v16 =	vor.u32 s30, v0;
	vm1 =	vlt.s32 v11, v7;
	v11 =	vld [tilespmem:s24+$0xFFFFFFD0]  }
0x1aa: {  	v19 =	vor.u32 s31, v0;
	v20 =	vor.u32 s25, v0;
	vm0 =	vlt.s32 v13, v7;
	v13 =	vld [tilespmem:s24+$0xFFFFFFF0]  }
0x1ab: {  	vm7 =	vlt.s32 v12, v7;
	vm6 =	vlt.s32 v16, v7;
	vm3 =	vlt.s32 v14, v7  }
0x1ac: {  	vm4 =	vlt.s32 v19, v7;
	v14 =	vld [tilespmem:s24+$0x10];
	vm8 =	vlt.s32 v20, v7;
	vm5 =	vlt.s32 v15, v7  }
0x1ad: {  	v18 =	vshrl.u32 v6, $0xF;
	v12 =	vshrl.u32 v6, $0x7;
	v19 =	vshrl.u32 v9, $0xF  }
0x1ae: {  	v16 =	vand.u32 $0xFF, v12;
	vm2 =	veq.s32 v18, v8;
	v18 =	vshrl.u32 v10, $0x7  }
0x1af: {  	v15 =	vshrl.u32 v13, $0xF;
	v23 =	vshrl.u32 v11, $0xF;
	vm0 =	vmand vm0, vm2  }
0x1b0: {  	v21 =	vand.u32 $0xFF, v18;
	vm2 =	veq.s32 v19, v8;
	v19 =	vshrl.u32 v10, $0xF  }
0x1b1: {  	v12 =	vld [tilespmem:s24+$0x0];
	v20 =	vor.u32 v2, v16;
	vm9 =	veq.s32 v15, v8;
	v15 =	vshrl.u32 v14, $0xF  }
0x1b2: {  	vm15 =	veq.s32 v23, v8;
	v18 =	vsel vm0, $0x1, v1;
	v22 =	vmpcnt.ones.xlane vm0  }
0x1b3: {  	vm5 =	vmand vm5, vm9;
	vm14 =	veq.s32 v15, v8;
	vm2 =	vmand vm8, vm2  }
0x1b4: {  	vm8 =	veq.s32 v19, v8;
	v15 =	vld [tilespmem:s24+$0x20];
	vm3 =	vmand vm3, vm15;
	v21 =	vor.u32 v2, v21  }
0x1b5: {  	vm6 =	vmand vm6, vm14;
	v24 =	vsel vm2, $0x1, v1;
	vm4 =	vmand vm4, vm8  }
0x1b6: {  	v26 =	vmpcnt.ones.xlane vm3;
	v32 =	vsel vm3, $0x1, v1;
	v16 =	vshrl.u32 v12, $0xF  }
0x1b7: {  	(xrf0) =	vadd.scan.msk.s32 $0xffff, v18;
	v19 =	vsel vm6, $0x1, v1;
	vm10 =	veq.s32 v16, v8;
	v16 =	vshrl.u32 v14, $0x7  }
0x1b8: {  	(xrf0) =	vadd.scan.msk.s32 $0xffff, v24;
	v24 =	vmpcnt.ones.xlane vm4;
	v18 =	vadd.s32 v17, v22;
	v16 =	vand.u32 $0xFF, v16  }
0x1b9: {  	v28 =	vshrl.u32 v15, $0xF;
	v25 =	vor.u32 v2, v16;
	v16 =	vsel vm5, $0x1, v1  }
0x1ba: {  	v27 =	vsel vm4, $0x1, v1;
	v22 =	vadd.s32 v18, v26;
	vm8 =	veq.s32 v28, v8;
	(xrf0) =	vadd.scan.msk.s32 $0xffff, v16  }
0x1bb: {  	v30 =	vmpcnt.ones.xlane vm6;
	v24 =	vadd.s32 v22, v24;
	vm7 =	vmand vm7, vm8;
	(xrf0) =	vadd.scan.msk.s32 $0xffff, v27  }
0x1bc: {  	vm1 =	vmand vm1, vm10;
	v27 =	vshrl.u32 v11, $0x7;
	v28 =	vsel vm7, $0x1, v1;
	(xrf0) =	vadd.scan.msk.s32 $0xffff, v19  }
0x1bd: {  	v23 =	vmpcnt.ones.xlane vm1;
	v26 =	vsel vm1, $0x1, v1;
	v19 =	vand.u32 $0xFF, v27  }
0x1be: {  	v29, _, _ =	vpop (xrf0);
	v27 =	vshrl.u32 v13, $0x7;
	(xrf0) =	vadd.scan.msk.s32 $0xffff, v28;
	v31 =	vor.u32 v2, v19;
	v19 =	vmpcnt.ones.xlane vm5  }
0x1bf: {  	v33 =	vshrl.u32 v15, $0x7;
	v16 =	vmpcnt.ones.xlane vm2;
	v27 =	vand.u32 $0xFF, v27;
	v28, _, _ =	vpop (xrf0);
	(xrf0) =	vadd.scan.msk.s32 $0xffff, v26  }
0x1c0: {  	v27 =	vor.u32 v2, v27;
	[tilespmem:v25+s12+$0x0] =	vst.idx.add.s32.msk vm6, v3;
	v25 =	vshrl.u32 v9, $0x7;
	v34 =	vadd.s32 v24, v19;
	v26, _, _ =	vpop (xrf0)  }
0x1c1: {  	v19 =	vand.u32 $0xFF, v33;
	v25 =	vand.u32 $0xFF, v25;
	(xrf0) =	vadd.scan.msk.s32 $0xffff, v32;
	v26 =	vadd.s32 v26, v24;
	v24, _, _ =	vpop (xrf0)  }
0x1c2: {  	p0 =	sgt.u32 s17, $0x8;
	v62 =	vor.u32 v2, v19;
	v19 =	vadd.s32 v24, v22;
	v22 =	vadd.s32 v34, v23;
	v23, _, _ =	vpop (xrf0)  }
.Ltmp11:
0x1c3: {  	[tilespmem:v20+s12+$0x0] =	vst.idx.add.s32.msk vm0, v3;
	v63 =	vmpcnt.ones.xlane vm7;
	v25 =	vor.u32 v2, v25;
	v23 =	vadd.s32 v23, v22;
	(pc) =	sbr.rel @!p0 .LBB2_40-.Ltmp11, $4  }
0x1c4: {  	[tilespmem:v21+s12+$0x0] =	vst.idx.add.s32.msk vm4, v3;
	v20 =	vadd.s32 $0xFFFFFFFF, v26;
	v22 =	vadd.s32 v22, v30;
	v24, _, _ =	vpop (xrf0);
	v30 =	vshrl.u32 v12, $0x7  }
0x1c5: {  	[tilespmem:v31+s12+$0x0] =	vst.idx.add.s32.msk vm3, v3;
	v26 =	vadd.s32 v24, v22;
	v21 =	vadd.s32 v22, v63;
	v24 =	vadd.s32 $0xFFFFFFFF, v23  }
0x1c6: {  	[tilespmem:v27+s12+$0x0] =	vst.idx.add.s32.msk vm5, v3;
	v22 =	vadd.s32 $0xFFFFFFFF, v26;
	v26 =	vadd.s32 v28, v21;
	v28 =	vadd.s32 v29, v17;
	v23, _, _ =	vpop (xrf0)  }
0x1c7: {  	s25 =	simm.s32 $0xF0;
	s26 =	simm.s32 $0x80C0;
	s24 =	simm.s32 $0x8;
	[tilespmem:v62+s12+$0x0] =	vst.idx.add.s32.msk vm7, v3;
	v17 =	vadd.s32 v23, v34;
	v27, _, _ =	vpop (xrf0);
	v23 =	vadd.s32 $0xFFFFFFFF, v28;
	v28 =	vand.u32 $0xFF, v30  }
.LBB2_39:
0x1c8: {  	s28 =	sadd.s32 $0xFFFFFF90, s25;
	v29 =	vld [tilespmem:s26+$0xFFFFFFC0];
	s29 =	sadd.s32 $0xFFFFFFA0, s25;
	s30 =	sadd.s32 $0xFFFFFFE0, s25;
	v18 =	vadd.s32 v27, v18;
	v27 =	vor.u32 v2, v28;
	v28 =	vadd.s32 $0xFFFFFFFF, v17  }
0x1c9: {  	s24 =	sadd.s32 $0x8, s24;
	v30 =	vor.u32 s28, v0;
	v31 =	vor.u32 s29, v0;
	s28 =	sadd.s32 $0xFFFFFFD0, s25;
	s29 =	sadd.s32 $0xFFFFFFF0, s25;
	[tilespmem:v20+s11+$0x0] =	vst.idx.msk vm5, v13;
	v13 =	vadd.s32 $0xFFFFFFFF, v26  }
0x1ca: {  	s31 =	sadd.s32 $0xFFFFFFC0, s25;
	v17 =	vadd.s32 v21, v16;
	p0 =	slt.u32 s24, s17;
	v20 =	vor.u32 s28, v0;
	v26 =	vor.u32 s29, v0;
	v32 =	vld [tilespmem:s26+$0x30];
	[tilespmem:v24+s11+$0x0] =	vst.idx.msk vm6, v14  }
0x1cb: {  	v19 =	vadd.s32 $0xFFFFFFFF, v19;
	v21 =	vor.u32 s31, v0;
	v14 =	vor.u32 s30, v0;
	v16 =	vld [tilespmem:s26+$0xFFFFFFE0];
	[tilespmem:v22+s11+$0x0] =	vst.idx.msk vm7, v15  }
0x1cc: {  	s28 =	sadd.s32 $0xFFFFFFB0, s25;
	vm8 =	vlt.s32 v20, v7;
	vm7 =	vlt.s32 v26, v7;
	v15 =	vadd.s32 $0xFFFFFFFF, v18;
	[tilespmem:v25+s12+$0x0] =	vst.idx.add.s32.msk vm2, v3  }
0x1cd: {  	vm6 =	vlt.s32 v14, v7;
	v18 =	vshrl.u32 v29, $0xF;
	v20 =	vshrl.u32 v29, $0x7;
	v22 =	vld [tilespmem:s26+$0xFFFFFFD0];
	[tilespmem:v23+s11+$0x0] =	vst.idx.msk vm0, v6;
	v6 =	vmovc v29  }
0x1ce: {  	vm9 =	vlt.s32 v31, v7;
	v14 =	vor.u32 s28, v0;
	v20 =	vand.u32 $0xFF, v20;
	v23 =	vld [tilespmem:s26+$0x0];
	[tilespmem:v13+s11+$0x0] =	vst.idx.msk vm2, v9  }
0x1cf: {  	vm10 =	vlt.s32 v14, v7;
	vm0 =	vlt.s32 v30, v7;
	v13 =	vld [tilespmem:s26+$0xFFFFFFF0];
	v24 =	vshrl.u32 v32, $0xF;
	v9 =	vmovc v32  }
0x1d0: {  	v25 =	vor.u32 s25, v0;
	vm2 =	veq.s32 v18, v8;
	v18 =	vshrl.u32 v16, $0x7;
	v14 =	vld [tilespmem:s26+$0x10];
	[tilespmem:v19+s11+$0x0] =	vst.idx.msk vm4, v10;
	v10 =	vmovc v16  }
0x1d1: {  	vm0 =	vmand vm0, vm2;
	vm2 =	veq.s32 v24, v8;
	v19 =	vand.u32 $0xFF, v18;
	[tilespmem:v27+s12+$0x0] =	vst.idx.add.s32.msk vm1, v3  }
0x1d2: {  	v16 =	vsel vm0, $0x1, v1;
	vm4 =	vlt.s32 v25, v7;
	v18 =	vshrl.u32 v10, $0xF;
	[tilespmem:v28+s11+$0x0] =	vst.idx.msk vm1, v12  }
0x1d3: {  	v20 =	vor.u32 v2, v20;
	v24 =	vshrl.u32 v23, $0xF;
	(xrf0) =	vadd.scan.msk.s32 $0xffff, v16;
	[tilespmem:v15+s11+$0x0] =	vst.idx.msk vm3, v11;
	v11 =	vmovc v22  }
0x1d4: {  	vm1 =	vlt.s32 v21, v7;
	v16 =	vmpcnt.ones.xlane vm0;
	v12 =	vmovc v23;
	v15 =	vshrl.u32 v13, $0xF  }
0x1d5: {  	v21 =	vshrl.u32 v11, $0xF;
	vm3 =	veq.s32 v15, v8;
	v15 =	vshrl.u32 v14, $0xF  }
0x1d6: {  	vm2 =	vmand vm4, vm2;
	vm5 =	vmand vm1, vm3;
	vm1 =	veq.s32 v15, v8  }
0x1d7: {  	vm4 =	veq.s32 v24, v8;
	vm3 =	veq.s32 v18, v8;
	vm6 =	vmand vm6, vm1;
	v15 =	vld [tilespmem:s26+$0x20]  }
0x1d8: {  	v22 =	vsel vm2, $0x1, v1;
	v18 =	vshrl.u32 v14, $0x7;
	[tilespmem:v20+s12+$0x0] =	vst.idx.add.s32.msk vm0, v3;
	v20 =	vsel vm6, $0x1, v1  }
0x1d9: {  	vm11 =	veq.s32 v21, v8;
	vm1 =	vmand vm8, vm4;
	v18 =	vand.u32 $0xFF, v18;
	v23, _, _ =	vpop (xrf0);
	(xrf0) =	vadd.scan.msk.s32 $0xffff, v22  }
0x1da: {  	vm4 =	vmand vm10, vm3;
	v21 =	vmpcnt.ones.xlane vm1;
	v22 =	vor.u32 v2, v18  }
0x1db: {  	vm3 =	vmand vm9, vm11;
	v24 =	vmpcnt.ones.xlane vm4;
	v18 =	vsel vm5, $0x1, v1  }
0x1dc: {  	v25 =	vmpcnt.ones.xlane vm3;
	v26 =	vsel vm4, $0x1, v1;
	v27 =	vshrl.u32 v15, $0xF;
	(xrf0) =	vadd.scan.msk.s32 $0xffff, v18  }
0x1dd: {  	v18 =	vadd.s32 v17, v16;
	v16 =	vmpcnt.ones.xlane vm2;
	vm8 =	veq.s32 v27, v8;
	(xrf0) =	vadd.scan.msk.s32 $0xffff, v26  }
0x1de: {  	v25 =	vadd.s32 v18, v25;
	v26 =	vsel vm1, $0x1, v1;
	vm7 =	vmand vm7, vm8  }
0x1df: {  	v27 =	vshrl.u32 v11, $0x7;
	v24 =	vadd.s32 v25, v24;
	v28 =	vsel vm7, $0x1, v1;
	(xrf0) =	vadd.scan.msk.s32 $0xffff, v20;
	v29, _, _ =	vpop (xrf0)  }
0x1e0: {  	v30 =	vmpcnt.ones.xlane vm6;
	v20 =	vand.u32 $0xFF, v27;
	v27 =	vshrl.u32 v13, $0x7;
	(xrf0) =	vadd.scan.msk.s32 $0xffff, v28  }
0x1e1: {  	v31 =	vor.u32 v2, v19;
	v19 =	vmpcnt.ones.xlane vm5;
	v28 =	vor.u32 v2, v20;
	[tilespmem:v22+s12+$0x0] =	vst.idx.add.s32.msk vm6, v3  }
0x1e2: {  	v33 =	vsel vm3, $0x1, v1;
	v22 =	vand.u32 $0xFF, v27;
	v27 =	vshrl.u32 v15, $0x7;
	v32, _, _ =	vpop (xrf0);
	(xrf0) =	vadd.scan.msk.s32 $0xffff, v26  }
0x1e3: {  	v26 =	vadd.s32 v32, v24;
	v32 =	vadd.s32 v24, v19;
	v19 =	vand.u32 $0xFF, v27;
	(xrf0) =	vadd.scan.msk.s32 $0xffff, v33;
	v20, _, _ =	vpop (xrf0)  }
0x1e4: {  	v27 =	vor.u32 v2, v22;
	v22 =	vmpcnt.ones.xlane vm7;
	v33 =	vor.u32 v2, v19  }
0x1e5: {  	v19 =	vadd.s32 v20, v25;
	v20 =	vadd.s32 $0xFFFFFFFF, v26;
	v21 =	vadd.s32 v32, v21;
	v24, _, _ =	vpop (xrf0)  }
.Ltmp12:
0x1e6: {  	v25 =	vshrl.u32 v9, $0x7;
	[tilespmem:v31+s12+$0x0] =	vst.idx.add.s32.msk vm4, v3;
	v24 =	vadd.s32 v24, v21;
	v21 =	vadd.s32 v21, v30;
	v26, _, _ =	vpop (xrf0);
	(pc) =	sbr.rel @p0 .LBB2_39-.Ltmp12, $4  }
0x1e7: {  	[tilespmem:v28+s12+$0x0] =	vst.idx.add.s32.msk vm3, v3;
	v28 =	vshrl.u32 v12, $0x7;
	v26 =	vadd.s32 v26, v21;
	v21 =	vadd.s32 v21, v22  }
0x1e8: {  	v24 =	vadd.s32 $0xFFFFFFFF, v24;
	v22 =	vadd.s32 $0xFFFFFFFF, v26;
	v26 =	vadd.s32 v29, v21;
	v29, _, _ =	vpop (xrf0)  }
0x1e9: {  	v23 =	vadd.s32 v23, v17;
	v25 =	vand.u32 $0xFF, v25;
	[tilespmem:v27+s12+$0x0] =	vst.idx.add.s32.msk vm5, v3;
	v17 =	vadd.s32 v29, v32;
	v27, _, _ =	vpop (xrf0)  }
0x1ea: {  	s25 =	sadd.s32 $0x80, s25;
	s26 =	sadd.s32 $0x80, s26;
	v23 =	vadd.s32 $0xFFFFFFFF, v23;
	v25 =	vor.u32 v2, v25;
	v28 =	vand.u32 $0xFF, v28;
	[tilespmem:v33+s12+$0x0] =	vst.idx.add.s32.msk vm7, v3  }
.LBB2_40:
0x1eb: {  	_ =	sdelay $0x4  }
0x1ec: {  	[tilespmem:v20+s11+$0x0] =	vst.idx.msk vm5, v13;
	v7 =	vadd.s32 $0xFFFFFFFF, v26  }
0x1ed: {  	[tilespmem:v24+s11+$0x0] =	vst.idx.msk vm6, v14;
	v8 =	vadd.s32 $0xFFFFFFFF, v19  }
0x1ee: {  	v61 =	vor.u32 v2, v28;
	[tilespmem:v22+s11+$0x0] =	vst.idx.msk vm7, v15  }
0x1ef: {  	v62 =	vadd.s32 v27, v18;
	v63 =	vadd.s32 $0xFFFFFFFF, v17;
	[tilespmem:v25+s12+$0x0] =	vst.idx.add.s32.msk vm2, v3  }
0x1f0: {  	[tilespmem:v23+s11+$0x0] =	vst.idx.msk vm0, v6;
	v14 =	vadd.s32 $0xFFFFFFFF, v62  }
.Ltmp13:
0x1f1: {  	[tilespmem:v7+s11+$0x0] =	vst.idx.msk vm2, v9;
	(pc) =	sbr.rel .LBB2_19-.Ltmp13, $4  }
0x1f2: {  	[tilespmem:v8+s11+$0x0] =	vst.idx.msk vm4, v10  }
0x1f3: {  	[tilespmem:v61+s12+$0x0] =	vst.idx.add.s32.msk vm1, v3  }
0x1f4: {  	[tilespmem:v63+s11+$0x0] =	vst.idx.msk vm1, v12  }
0x1f5: {  	v6 =	vadd.s32 v21, v16;
	[tilespmem:v14+s11+$0x0] =	vst.idx.msk vm3, v11  }
.LBB2_18:
0x1f6: {  	v6 =	vimm.s32 $0x0  }
.LBB2_19:
0x1f7: {  	p0 =	seq.s32 s17, s16  }
.Ltmp14:
0x1f8: {  	_ = 	snop;
	(pc) =	sbr.rel @p0 .LBB2_22-.Ltmp14, $1  }
0x1f9: {  	_ =	sdelay $0x3  }
0x1fa: {  	s24 =	sshll.u32 s18, $0x2  }
0x1fb: {  	s24 =	sshra.s32 s24, $0x2  }
0x1fc: {  	s24 =	sand.u32 $0xFFFFFF80, s24  }
0x1fd: {  	v7 =	vmov s19;
	v8 =	vmov s21;
	s18 =	sand.u32 $0xFFFFFF80, s18;
	s19 =	sadd.s32 $0x8000, s24  }
.LBB2_21:
0x1fe: {  	v9 =	vld [tilespmem:s19+$0x0];
	_ =	sdelay $0x4  }
0x1ff: {  	v10 =	vor.u32 s18, v0;
	v11 =	vshrl.u32 v9, $0xF  }
0x200: {  	vm0 =	vlt.s32 v10, v7;
	vm1 =	veq.s32 v11, v8  }
0x201: {  	vm0 =	vmand vm0, vm1  }
0x202: {  	v10 =	vsel vm0, $0x1, v1  }
0x203: {  	(xrf0) =	vadd.scan.msk.s32 $0xffff, v10;
	_ =	sdelay $0x4  }
0x204: {  	v10 =	vshrl.u32 v9, $0x7  }
0x205: {  	v10 =	vand.u32 $0xFF, v10;
	v11, _, _ =	vpop (xrf0)  }
0x206: {  	s17 =	sadd.s32 $0x1, s17;
	v10 =	vor.u32 v2, v10;
	v11 =	vadd.s32 v11, v6  }
0x207: {  	p0 =	slt.u32 s17, s16;
	v11 =	vadd.s32 $0xFFFFFFFF, v11  }
.Ltmp15:
0x208: {  	_ = 	snop;
	(pc) =	sbr.rel @p0 .LBB2_21-.Ltmp15, $4  }
0x209: {  	_ = 	snop  }
0x20a: {  	v12 =	vmpcnt.ones.xlane vm0  }
0x20b: {  	[tilespmem:v10+s12+$0x0] =	vst.idx.add.s32.msk vm0, v3  }
0x20c: {  	s19 =	sadd.s32 $0x10, s19;
	s18 =	sadd.s32 $0x10, s18;
	v6 =	vadd.s32 v6, v12;
	[tilespmem:v11+s11+$0x0] =	vst.idx.msk vm0, v9  }
.LBB2_22:
0x20d: {  	s16 =	simm.s32 $0x10000;
	s24 =	simm.s32 $0x0  }
0x20e: {  	v7 =	vld [tilespmem:s16+$0x0];
	[tilespmem:s16+$0x0] =	vst v1;
	s17 =	sand.u32 $0xF0, s24  }
0x20f: {  	v8 =	vld [tilespmem:s17+$0x10100]  }
0x210: {  	v9 =	vld [tilespmem:s17+$0x10200]  }
0x211: {  	v10 =	vld [tilespmem:s17+$0x10300]  }
0x212: {  	[tilespmem:s17+$0x10100] =	vst v1;
	v11 =	vld [tilespmem:s17+$0x10400]  }
0x213: {  	[tilespmem:s17+$0x10200] =	vst v1;
	v12 =	vld [tilespmem:s17+$0x10500]  }
0x214: {  	[tilespmem:s17+$0x10500] =	vst v1;
	v13 =	vld [tilespmem:s17+$0x10600]  }
0x215: {  	[tilespmem:s17+$0x10600] =	vst v1;
	v14 =	vld [tilespmem:s17+$0x10700];
	v7 =	vadd.s32 v7, v8  }
0x216: {  	[tilespmem:s17+$0x10700] =	vst v1;
	v15 =	vld [tilespmem:s17+$0x10800];
	v7 =	vadd.s32 v9, v7  }
0x217: {  	[tilespmem:s17+$0x10800] =	vst v1;
	v16 =	vld [tilespmem:s17+$0x10900];
	v7 =	vadd.s32 v10, v7  }
0x218: {  	[tilespmem:s17+$0x10900] =	vst v1;
	v17 =	vld [tilespmem:s17+$0x10A00];
	v7 =	vadd.s32 v11, v7  }
0x219: {  	[tilespmem:s17+$0x10A00] =	vst v1;
	v18 =	vld [tilespmem:s17+$0x10B00];
	v8 =	vadd.s32 v12, v7  }
0x21a: {  	s19 =	simm.s32 $0x10010;
	[tilespmem:s17+$0x10B00] =	vst v1;
	v19 =	vld [tilespmem:s17+$0x10C00];
	v8 =	vadd.s32 v13, v8  }
0x21b: {  	[tilespmem:s17+$0x10C00] =	vst v1;
	v11 =	vld [tilespmem:s19+$0x0];
	v9 =	vadd.s32 v14, v8  }
0x21c: {  	[tilespmem:s17+$0x10400] =	vst v1;
	v7 =	vld [tilespmem:s17+$0x10D00];
	v9 =	vadd.s32 v15, v9  }
0x21d: {  	[tilespmem:s17+$0x10300] =	vst v1;
	v8 =	vld [tilespmem:s17+$0x10E00];
	v9 =	vadd.s32 v16, v9  }
0x21e: {  	s31 =	sadd.s32 s23, s20;
	[tilespmem:s19+$0x0] =	vst v1;
	v10 =	vadd.s32 v17, v9;
	v9 =	vld [tilespmem:s17+$0x10F00]  }
0x21f: {  	s20 =	simm.s32 $0x10;
	s18 =	simm.s32 $0x1;
	s16 =	ssub.s32 s22, s31;
	[tilespmem:s17+$0x10D00] =	vst v1;
	v12 =	vadd.s32 v18, v10;
	v10 =	vor.u32 s24, v4  }
0x220: {  	s23 =	sand.u32 $0xF0, s20;
	s22 =	simm.s32 $0x2;
	s16 =	sadd.s32 $0x80000000, s16;
	[tilespmem:s17+$0x10E00] =	vst v1;
	v12 =	vadd.s32 v19, v12  }
.LBB2_23:
0x221: {  	p0 =	sne.s32 s22, $0xF;
	v13 =	vld [tilespmem:s23+$0x10100];
	[tilespmem:s23+$0x10100] =	vst v1;
	v7 =	vadd.s32 v7, v12  }
0x222: {  	v12 =	vld [tilespmem:s23+$0x10200];
	[tilespmem:s23+$0x10200] =	vst v1;
	v7 =	vadd.s32 v8, v7  }
0x223: {  	v8 =	vld [tilespmem:s23+$0x10300];
	v7 =	vadd.s32 v9, v7;
	[tilespmem:s17+$0x10F00] =	vst v1;
	s17 =	smov.u32 s23  }
0x224: {  	v9 =	vld [tilespmem:s17+$0x10400];
	[tilespmem:v10+s10+$0x0] =	vst.idx.msk $0xffff, v7  }
0x225: {  	v7 =	vld [tilespmem:s17+$0x10500];
	[tilespmem:s17+$0x10500] =	vst v1  }
0x226: {  	v10 =	vadd.s32 v11, v13;
	v11 =	vld [tilespmem:s17+$0x10600];
	[tilespmem:s17+$0x10600] =	vst v1  }
0x227: {  	v10 =	vadd.s32 v12, v10;
	v12 =	vld [tilespmem:s17+$0x10700];
	[tilespmem:s17+$0x10700] =	vst v1  }
0x228: {  	v8 =	vadd.s32 v8, v10;
	v10 =	vld [tilespmem:s17+$0x10800];
	[tilespmem:s17+$0x10800] =	vst v1  }
0x229: {  	v8 =	vadd.s32 v9, v8;
	v9 =	vld [tilespmem:s17+$0x10900];
	[tilespmem:s17+$0x10900] =	vst v1  }
0x22a: {  	v7 =	vadd.s32 v7, v8;
	v13 =	vld [tilespmem:s17+$0x10A00];
	[tilespmem:s17+$0x10A00] =	vst v1  }
0x22b: {  	v7 =	vadd.s32 v11, v7;
	v11 =	vld [tilespmem:s17+$0x10B00];
	[tilespmem:s17+$0x10B00] =	vst v1  }
0x22c: {  	v7 =	vadd.s32 v12, v7;
	v12 =	vld [tilespmem:s17+$0x10C00];
	[tilespmem:s17+$0x10C00] =	vst v1  }
.Ltmp16:
0x22d: {  	v8 =	vadd.s32 v10, v7;
	v7 =	vld [tilespmem:s17+$0x10D00];
	[tilespmem:s17+$0x10D00] =	vst v1;
	(pc) =	sbr.rel @p0 .LBB2_23-.Ltmp16, $4  }
0x22e: {  	v9 =	vadd.s32 v9, v8;
	v8 =	vld [tilespmem:s17+$0x10E00];
	[tilespmem:s17+$0x10E00] =	vst v1  }
0x22f: {  	[tilespmem:s17+$0x10400] =	vst v1;
	v10 =	vadd.s32 v13, v9;
	v9 =	vld [tilespmem:s17+$0x10F00]  }
0x230: {  	s20 =	sadd.s32 $0x10, s20;
	s19 =	sadd.s32 $0x10, s19;
	[tilespmem:s17+$0x10300] =	vst v1;
	v13 =	vadd.s32 v11, v10;
	v10 =	vor.u32 s18, v4;
	s18 =	smov.u32 s22  }
0x231: {  	s23 =	sand.u32 $0xF0, s20;
	s22 =	sadd.s32 $0x1, s22;
	v11 =	vld [tilespmem:s19+$0x0];
	[tilespmem:s19+$0x0] =	vst v1;
	v12 =	vadd.s32 v12, v13  }
0x232: {  	v13 =	vld [tilespmem:s23+$0x10100]  }
0x233: {  	v14 =	vld [tilespmem:s23+$0x10200]  }
0x234: {  	v15 =	vld [tilespmem:s23+$0x10300]  }
0x235: {  	[tilespmem:s23+$0x10100] =	vst v1;
	v16 =	vld [tilespmem:s23+$0x10400]  }
0x236: {  	[tilespmem:s23+$0x10200] =	vst v1;
	v17 =	vld [tilespmem:s23+$0x10500]  }
0x237: {  	[tilespmem:s23+$0x10500] =	vst v1;
	v18 =	vld [tilespmem:s23+$0x10600];
	v11 =	vadd.s32 v11, v13  }
0x238: {  	[tilespmem:s23+$0x10600] =	vst v1;
	v19 =	vld [tilespmem:s23+$0x10700];
	v11 =	vadd.s32 v14, v11  }
0x239: {  	[tilespmem:s23+$0x10700] =	vst v1;
	v20 =	vld [tilespmem:s23+$0x10800];
	v11 =	vadd.s32 v15, v11  }
0x23a: {  	[tilespmem:s23+$0x10800] =	vst v1;
	v21 =	vld [tilespmem:s23+$0x10900];
	v11 =	vadd.s32 v16, v11  }
0x23b: {  	[tilespmem:s23+$0x10900] =	vst v1;
	v22 =	vld [tilespmem:s23+$0x10A00];
	v11 =	vadd.s32 v17, v11  }
0x23c: {  	[tilespmem:s23+$0x10A00] =	vst v1;
	v42 =	vld [tilespmem:s23+$0x10B00];
	v11 =	vadd.s32 v18, v11  }
0x23d: {  	[tilespmem:s23+$0x10B00] =	vst v1;
	v43 =	vld [tilespmem:s23+$0x10C00];
	v11 =	vadd.s32 v19, v11  }
0x23e: {  	[tilespmem:s23+$0x10C00] =	vst v1;
	v44 =	vld [tilespmem:s23+$0x10D00];
	v11 =	vadd.s32 v20, v11  }
0x23f: {  	[tilespmem:s23+$0x10D00] =	vst v1;
	v45 =	vld [tilespmem:s23+$0x10E00];
	v11 =	vadd.s32 v21, v11  }
0x240: {  	[tilespmem:s23+$0x10E00] =	vst v1;
	v7 =	vadd.s32 v7, v12;
	v46 =	vld [tilespmem:s23+$0x10F00];
	v11 =	vadd.s32 v22, v11  }
0x241: {  	[tilespmem:s23+$0x10400] =	vst v1;
	v48 =	vor.u32 s18, v4;
	v7 =	vadd.s32 v8, v7;
	v47 =	vadd.s32 v42, v11  }
0x242: {  	[tilespmem:s17+$0x10F00] =	vst v1;
	v7 =	vadd.s32 v9, v7;
	v8 =	vadd.s32 v43, v47  }
0x243: {  	[tilespmem:v10+s10+$0x0] =	vst.idx.msk $0xffff, v7;
	v7 =	vadd.s32 v44, v8  }
0x244: {  	[tilespmem:s23+$0x10300] =	vst v1;
	v7 =	vadd.s32 v45, v7  }
0x245: {  	[tilespmem:s23+$0x10F00] =	vst v1;
	v7 =	vadd.s32 v46, v7  }
0x246: {  	[tilespmem:v48+s10+$0x0] =	vst.idx.msk $0xffff, v7  }
0x247: {  	v7 =	vld [tilespmem:$0x11000]  }
0x248: {  	v49 =	vld [tilespmem:$0x11010]  }
0x249: {  	v50 =	vld [tilespmem:$0x11020]  }
0x24a: {  	v10 =	vld [tilespmem:$0x11030]  }
0x24b: {  	v11 =	vld [tilespmem:$0x11040]  }
0x24c: {  	v51 =	vld [tilespmem:$0x11050]  }
0x24d: {  	v52 =	vld [tilespmem:$0x11060];
	v7 =	vadd.s32 v7, v49  }
0x24e: {  	v53 =	vld [tilespmem:$0x11070];
	v7 =	vadd.s32 v50, v7  }
0x24f: {  	v54 =	vld [tilespmem:$0x11080];
	v7 =	vadd.s32 v10, v7  }
0x250: {  	v55 =	vld [tilespmem:$0x11090];
	v7 =	vadd.s32 v11, v7  }
0x251: {  	v56 =	vld [tilespmem:$0x110A0];
	v7 =	vadd.s32 v51, v7  }
0x252: {  	v57 =	vld [tilespmem:$0x110B0];
	v7 =	vadd.s32 v52, v7  }
0x253: {  	v58 =	vld [tilespmem:$0x110C0];
	v7 =	vadd.s32 v53, v7  }
0x254: {  	v59 =	vld [tilespmem:$0x110D0];
	v7 =	vadd.s32 v54, v7  }
0x255: {  	v60 =	vld [tilespmem:$0x110E0];
	v7 =	vadd.s32 v55, v7  }
0x256: {  	v61 =	vld [tilespmem:$0x110F0];
	v7 =	vadd.s32 v56, v7  }
0x257: {  	v7 =	vadd.s32 v57, v7  }
0x258: {  	v7 =	vadd.s32 v58, v7  }
0x259: {  	v7 =	vadd.s32 v59, v7  }
0x25a: {  	v6 =	vxor.u32 $0x80000000, v6;
	v7 =	vadd.s32 v60, v7  }
0x25b: {  	(xrf0) =	vmax.scan.msk.u32 $0xffff, v6;
	v6 =	vadd.s32 v61, v7  }
0x25c: {  	(xrf0) =	vadd.scan.msk.s32 $0xffff, v6;
	_ =	sdelay $0x4  }
0x25d: {  	v7, _, _ =	vpop (xrf0)  }
0x25e: {  	v62, _, _ =	vpop (xrf0)  }
0x25f: {  	v63 =	vxor.u32 $0x80000000, v62  }
0x260: {  	(xrf0) =	vmax.scan.msk.u32 $0xffff, v63;
	_ =	sdelay $0x5  }
0x261: {  	(v2sf) =	vpush v7, $0xF;
	v7, _, _ =	vpop (xrf0)  }
0x262: {  	(v2sf) =	vpush v7, $0xF;
	_ =	sdelay $0xd  }
0x263: {  	s24 =	spop (v2sf)  }
0x264: {  	s25 =	spop (v2sf)  }
0x265: {  	s16 =	sadd.s32 s25, s16  }
0x266: {  	s16 =	sadd.s32 $0x7FFFC001, s16  }
0x267: {  	vm0 =	vlt.s32 v62, s16  }
0x268: {  	v7 =	vsel vm0, $0xFFFFFFFF, v5  }
0x269: {  	(xrf0) =	vmin.scan.msk.u32 $0xffff, v7;
	_ =	sdelay $0x5  }
0x26a: {  	v7, _, _ =	vpop (xrf0)  }
0x26b: {  	(v2sf) =	vpush v7, $0xF;
	_ =	sdelay $0xe  }
0x26c: {  	s26 =	spop (v2sf)  }
0x26d: {  	s19 =	sxor.u32 $0x80000000, s26  }
0x26e: {  	v6 =	vsub.s32 v62, v6;
	v7 =	vmov s19  }
0x26f: {  	v6 =	vxor.u32 $0x80000000, v6;
	vm14 =	veq.s32 v7, v0  }
0x270: {  	v6 =	vnsel vm14, $0xFFFFFFFF, v6  }
0x271: {  	(xrf0) =	vmin.scan.msk.u32 $0xffff, v6;
	_ =	sdelay $0x5  }
0x272: {  	v6, _, _ =	vpop (xrf0)  }
0x273: {  	(v2sf) =	vpush v6, $0xF;
	v6 =	vadd.s32 s19, v4;
	_ =	sdelay $0x4  }
0x274: {  	v6 =	vld.idx.msk [tilespmem:v6+s10+$0x0], $0xffff;
	_ =	sdelay $0x4  }
0x275: {  	(xrf0) =	vadd.scan.msk.s32 $0xffff, v6;
	_ =	sdelay $0x4  }
0x276: {  	s28 =	spop (v2sf)  }
0x277: {  	s19 =	sxor.u32 $0x80000000, s28;
	v6, _, _ =	vpop (xrf0)  }
0x278: {  	v6 =	vadd.s32 s19, v6  }
0x279: {  	vm15 =	vlt.s32 v6, s16  }
0x27a: {  	v7 =	vsel vm15, $0xFFFFFFFF, v5  }
0x27b: {  	v6 =	vxor.u32 $0x80000000, v6;
	(xrf0) =	vmin.scan.msk.u32 $0xffff, v7  }
0x27c: {  	v6 =	vsel vm15, $0xFFFFFFFF, v6  }
0x27d: {  	(xrf0) =	vmin.scan.msk.u32 $0xffff, v6;
	_ =	sdelay $0x3  }
0x27e: {  	v6, _, _ =	vpop (xrf0)  }
0x27f: {  	(v2sf) =	vpush v6, $0xF  }
0x280: {  	v6, _, _ =	vpop (xrf0)  }
0x281: {  	(v2sf) =	vpush v6, $0xF;
	_ =	sdelay $0x6  }
0x282: {  	s22 =	sadd.s32 $0x8000000F, s24  }
0x283: {  	s18 =	sshrl.u32 s22, $0x4  }
0x284: {  	s19 =	sand.u32 $0xFFFFFF8, s18  }
0x285: {  	p0 =	seq.s32 s19, $0x0  }
.Ltmp17:
0x286: {  	_ = 	snop;
	(pc) =	sbr.rel @p0 .LBB2_28-.Ltmp17, $4  }
0x287: {  	s20 =	sshll.u32 s21, $0x8;
	s29 =	sshll.u32 s26, $0x4  }
0x288: {  	s20 =	sadd.s32 s20, s29;
	s30 =	spop (v2sf)  }
0x289: {  	s31 =	sadd.s32 s30, s20  }
0x28a: {  	s21 =	sxor.u32 $0x80000000, s24;
	s20 =	spop (v2sf);
	s17 =	sadd.s32 $0x80000000, s31  }
0x28b: {  	s24 =	simm.s32 $0x8040  }
0x28c: {  	v8 =	vld [tilespmem:s24+$0x30]  }
0x28d: {  	v9 =	vld [tilespmem:s24+$0xFFFFFFC0]  }
0x28e: {  	v10 =	vld [tilespmem:s24+$0xFFFFFFD0]  }
0x28f: {  	v6 =	vmov s21;
	s23 =	simm.s32 $0x70;
	s25 =	simm.s32 $0x0;
	v12 =	vld [tilespmem:s24+$0xFFFFFFF0]  }
0x290: {  	v7 =	vmov s17;
	s4 =	simm.s32 $0x10;
	s26 =	simm.s32 $0x20;
	s29 =	simm.s32 $0x30;
	v16 =	vld [tilespmem:s24+$0x0];
	v13 =	vor.u32 s23, v0;
	v19 =	vor.u32 s25, v0  }
0x291: {  	s28 =	simm.s32 $0x40;
	s30 =	simm.s32 $0x50;
	v17 =	vld [tilespmem:s24+$0x10];
	v21 =	vor.u32 s4, v0;
	v22 =	vor.u32 s26, v0;
	v24 =	vor.u32 s29, v0  }
0x292: {  	v11 =	vld [tilespmem:s24+$0xFFFFFFE0];
	v25 =	vor.u32 s28, v0;
	v27 =	vor.u32 s30, v0;
	vm0 =	vlt.s32 v13, v6  }
0x293: {  	vm9 =	vlt.s32 v19, v6;
	vm12 =	vlt.s32 v21, v6;
	vm11 =	vlt.s32 v24, v6  }
0x294: {  	v18 =	vld [tilespmem:s24+$0x20];
	vm10 =	vlt.s32 v25, v6;
	v14 =	vshrl.u32 v8, $0x7;
	v15 =	vshrl.u32 v9, $0x7  }
0x295: {  	v13 =	vshrl.u32 v10, $0x7;
	v8 =	vand.u32 $0x7F, v8;
	v23 =	vshrl.u32 v12, $0x7  }
0x296: {  	v26 =	vshrl.u32 v16, $0x7;
	v28 =	vshrl.u32 v17, $0x7;
	vm1 =	veq.s32 v14, v7  }
0x297: {  	s31 =	simm.s32 $0x60;
	v9 =	vand.u32 $0x7F, v9;
	v14 =	vshrl.u32 v11, $0x7;
	vm0 =	vmand vm0, vm1  }
0x298: {  	p0 =	sgt.u32 s19, $0x8;
	v20 =	vor.u32 v2, v8;
	v8 =	vor.u32 s31, v0;
	vm4 =	veq.s32 v15, v7  }
.Ltmp18:
0x299: {  	vm5 =	veq.s32 v13, v7;
	v13 =	vshrl.u32 v18, $0x7;
	vm6 =	veq.s32 v23, v7;
	(pc) =	sbr.rel @!p0 .LBB2_27-.Ltmp18, $4  }
0x29a: {  	vm8 =	veq.s32 v26, v7;
	vm3 =	veq.s32 v28, v7;
	v15 =	vand.u32 $0x7F, v10  }
0x29b: {  	v10 =	vand.u32 $0x7F, v18;
	vm7 =	veq.s32 v14, v7;
	vm2 =	veq.s32 v13, v7  }
0x29c: {  	v14 =	vand.u32 $0x7F, v11;
	v13 =	vand.u32 $0x7F, v12;
	v12 =	vand.u32 $0x7F, v16  }
0x29d: {  	s24 =	simm.s32 $0x8;
	s25 =	simm.s32 $0x80C0;
	v11 =	vand.u32 $0x7F, v17;
	vm1 =	vlt.s32 v22, v6;
	[tilespmem:v20+s12+$0x0] =	vst.idx.add.s32.msk vm0, v3;
	vm0 =	vlt.s32 v27, v6  }
.LBB2_26:
0x29e: {  	v16 =	vld [tilespmem:s25+$0x30];
	s24 =	sadd.s32 $0x8, s24;
	vm9 =	vmand vm9, vm4;
	vm5 =	vmand vm12, vm5;
	vm12 =	vlt.s32 v8, v6  }
0x29f: {  	vm7 =	vmand vm1, vm7;
	vm4 =	vmand vm11, vm6;
	vm6 =	vmand vm10, vm8;
	v17 =	vld [tilespmem:s25+$0xFFFFFFC0];
	p0 =	slt.u32 s24, s19  }
0x2a0: {  	v8 =	vor.u32 v2, v9;
	vm1 =	vmand vm0, vm3;
	vm0 =	vmand vm12, vm2;
	v18 =	vld [tilespmem:s25+$0xFFFFFFD0]  }
0x2a1: {  	v9 =	vor.u32 v2, v15;
	v14 =	vor.u32 v2, v14;
	v13 =	vor.u32 v2, v13;
	v19 =	vld [tilespmem:s25+$0xFFFFFFE0]  }
0x2a2: {  	v12 =	vor.u32 v2, v12;
	v11 =	vor.u32 v2, v11;
	v21 =	vor.u32 v2, v10;
	s23 =	sadd.s32 $0x80, s23;
	v20 =	vld [tilespmem:s25+$0xFFFFFFF0]  }
0x2a3: {  	s26 =	sadd.s32 $0xFFFFFFA0, s23;
	s28 =	sadd.s32 $0xFFFFFFB0, s23;
	s29 =	sadd.s32 $0xFFFFFFC0, s23;
	v15 =	vor.u32 s23, v0;
	v10 =	vld [tilespmem:s25+$0x0];
	v22 =	vshrl.u32 v16, $0x7  }
0x2a4: {  	s30 =	sadd.s32 $0xFFFFFFD0, s23;
	s31 =	sadd.s32 $0xFFFFFFE0, s23;
	s0 =	sadd.s32 $0xFFFFFFF0, s23;
	vm2 =	vlt.s32 v15, v6;
	v23 =	vshrl.u32 v17, $0x7;
	v24 =	vld [tilespmem:s25+$0x10];
	vm3 =	veq.s32 v22, v7  }
0x2a5: {  	s4 =	sadd.s32 $0xFFFFFF90, s23;
	v16 =	vand.u32 $0x7F, v16;
	v15 =	vshrl.u32 v18, $0x7;
	v22 =	vld [tilespmem:s25+$0x20];
	vm2 =	vmand vm2, vm3  }
0x2a6: {  	v25 =	vor.u32 s4, v0;
	v16 =	vor.u32 v2, v16;
	v26 =	vshrl.u32 v19, $0x7;
	[tilespmem:v8+s12+$0x0] =	vst.idx.add.s32.msk vm9, v3  }
0x2a7: {  	v27 =	vor.u32 s26, v0;
	v28 =	vor.u32 s28, v0;
	v29 =	vshrl.u32 v20, $0x7;
	[tilespmem:v9+s12+$0x0] =	vst.idx.add.s32.msk vm5, v3  }
0x2a8: {  	v30 =	vor.u32 s29, v0;
	v31 =	vor.u32 s30, v0;
	v32 =	vshrl.u32 v10, $0x7;
	[tilespmem:v14+s12+$0x0] =	vst.idx.add.s32.msk vm7, v3  }
0x2a9: {  	v33 =	vor.u32 s31, v0;
	v8 =	vor.u32 s0, v0;
	v14 =	vshrl.u32 v24, $0x7;
	[tilespmem:v13+s12+$0x0] =	vst.idx.add.s32.msk vm4, v3  }
0x2aa: {  	vm5 =	veq.s32 v15, v7;
	vm4 =	veq.s32 v23, v7;
	v13 =	vshrl.u32 v22, $0x7;
	[tilespmem:v12+s12+$0x0] =	vst.idx.add.s32.msk vm6, v3  }
0x2ab: {  	v9 =	vand.u32 $0x7F, v17;
	vm7 =	veq.s32 v26, v7;
	vm6 =	veq.s32 v29, v7;
	[tilespmem:v16+s12+$0x0] =	vst.idx.add.s32.msk vm2, v3  }
.Ltmp19:
0x2ac: {  	vm8 =	veq.s32 v32, v7;
	vm3 =	veq.s32 v14, v7;
	vm2 =	veq.s32 v13, v7;
	(pc) =	sbr.rel @p0 .LBB2_26-.Ltmp19, $4  }
0x2ad: {  	v15 =	vand.u32 $0x7F, v18;
	v14 =	vand.u32 $0x7F, v19;
	v13 =	vand.u32 $0x7F, v20;
	[tilespmem:v11+s12+$0x0] =	vst.idx.add.s32.msk vm1, v3  }
0x2ae: {  	v12 =	vand.u32 $0x7F, v10;
	v10 =	vand.u32 $0x7F, v22;
	v11 =	vand.u32 $0x7F, v24;
	[tilespmem:v21+s12+$0x0] =	vst.idx.add.s32.msk vm0, v3  }
0x2af: {  	vm12 =	vlt.s32 v27, v6;
	vm9 =	vlt.s32 v25, v6;
	vm1 =	vlt.s32 v28, v6  }
0x2b0: {  	vm11 =	vlt.s32 v30, v6;
	vm10 =	vlt.s32 v31, v6;
	s25 =	sadd.s32 $0x80, s25;
	vm0 =	vlt.s32 v33, v6  }
.LBB2_27:
0x2b1: {  	vm4 =	vmand vm9, vm4  }
0x2b2: {  	vm5 =	vmand vm12, vm5;
	v7 =	vor.u32 v2, v9  }
0x2b3: {  	vm1 =	vmand vm1, vm7;
	v62 =	vor.u32 v2, v15  }
0x2b4: {  	vm6 =	vmand vm11, vm6;
	v14 =	vor.u32 v2, v14  }
0x2b5: {  	vm14 =	vmand vm10, vm8;
	v13 =	vor.u32 v2, v13  }
0x2b6: {  	vm15 =	vlt.s32 v8, v6;
	vm0 =	vmand vm0, vm3;
	v6 =	vor.u32 v2, v12  }
0x2b7: {  	v63 =	vor.u32 v2, v11;
	vm2 =	vmand vm15, vm2;
	[tilespmem:v7+s12+$0x0] =	vst.idx.add.s32.msk vm4, v3  }
0x2b8: {  	v7 =	vor.u32 v2, v10;
	[tilespmem:v62+s12+$0x0] =	vst.idx.add.s32.msk vm5, v3  }
0x2b9: {  	[tilespmem:v14+s12+$0x0] =	vst.idx.add.s32.msk vm1, v3  }
0x2ba: {  	[tilespmem:v13+s12+$0x0] =	vst.idx.add.s32.msk vm6, v3  }
0x2bb: {  	[tilespmem:v6+s12+$0x0] =	vst.idx.add.s32.msk vm14, v3  }
0x2bc: {  	[tilespmem:v63+s12+$0x0] =	vst.idx.add.s32.msk vm0, v3  }
0x2bd: {  	[tilespmem:v7+s12+$0x0] =	vst.idx.add.s32.msk vm2, v3  }
.LBB2_28:
0x2be: {  	p0 =	sne.s32 s19, s18  }
.Ltmp20:
0x2bf: {  	_ = 	snop;
	(pc) =	sbr.rel @!p0 .LBB2_29-.Ltmp20, $1  }
0x2c0: {  	_ =	sdelay $0x3  }
0x2c1: {  	s23 =	sshll.u32 s22, $0x2  }
0x2c2: {  	s23 =	sshra.s32 s23, $0x2  }
0x2c3: {  	s23 =	sand.u32 $0xFFFFFF80, s23  }
0x2c4: {  	v6 =	vmov s21;
	v7 =	vmov s17;
	s22 =	sand.u32 $0xFFFFFF80, s22;
	s21 =	sadd.s32 $0x8000, s23  }
.LBB2_42:
0x2c5: {  	v8 =	vld [tilespmem:s21+$0x0];
	_ =	sdelay $0x4  }
0x2c6: {  	v9 =	vor.u32 s22, v0;
	v10 =	vshrl.u32 v8, $0x7  }
0x2c7: {  	vm0 =	vlt.s32 v9, v6;
	vm1 =	veq.s32 v10, v7  }
0x2c8: {  	s19 =	sadd.s32 $0x1, s19;
	v8 =	vand.u32 $0x7F, v8;
	vm0 =	vmand vm0, vm1  }
0x2c9: {  	p0 =	slt.u32 s19, s18;
	v8 =	vor.u32 v2, v8  }
.Ltmp21:
0x2ca: {  	_ = 	snop;
	(pc) =	sbr.rel @p0 .LBB2_42-.Ltmp21, $2  }
0x2cb: {  	_ =	sdelay $0x2  }
0x2cc: {  	s21 =	sadd.s32 $0x10, s21;
	s22 =	sadd.s32 $0x10, s22;
	[tilespmem:v8+s12+$0x0] =	vst.idx.add.s32.msk vm0, v3  }
.LBB2_29:
0x2cd: {  	s23 =	simm.s32 $0x0;
	s19 =	simm.s32 $0x10000  }
0x2ce: {  	v6 =	vld [tilespmem:s19+$0x0];
	[tilespmem:s19+$0x0] =	vst v1;
	s19 =	sand.u32 $0xF0, s23  }
0x2cf: {  	v7 =	vld [tilespmem:s19+$0x10100]  }
0x2d0: {  	v8 =	vld [tilespmem:s19+$0x10200]  }
0x2d1: {  	v9 =	vld [tilespmem:s19+$0x10300]  }
0x2d2: {  	[tilespmem:s19+$0x10100] =	vst v1;
	v10 =	vld [tilespmem:s19+$0x10400]  }
0x2d3: {  	[tilespmem:s19+$0x10200] =	vst v1;
	v11 =	vld [tilespmem:s19+$0x10500]  }
0x2d4: {  	[tilespmem:s19+$0x10500] =	vst v1;
	v12 =	vld [tilespmem:s19+$0x10600]  }
0x2d5: {  	[tilespmem:s19+$0x10600] =	vst v1;
	v13 =	vld [tilespmem:s19+$0x10700];
	v6 =	vadd.s32 v6, v7  }
0x2d6: {  	[tilespmem:s19+$0x10700] =	vst v1;
	v14 =	vld [tilespmem:s19+$0x10800];
	v6 =	vadd.s32 v8, v6  }
0x2d7: {  	[tilespmem:s19+$0x10800] =	vst v1;
	v15 =	vld [tilespmem:s19+$0x10900];
	v6 =	vadd.s32 v9, v6  }
0x2d8: {  	[tilespmem:s19+$0x10900] =	vst v1;
	v16 =	vld [tilespmem:s19+$0x10A00];
	v6 =	vadd.s32 v10, v6  }
0x2d9: {  	[tilespmem:s19+$0x10A00] =	vst v1;
	v17 =	vld [tilespmem:s19+$0x10B00];
	v7 =	vadd.s32 v11, v6  }
0x2da: {  	s21 =	simm.s32 $0x10010;
	[tilespmem:s19+$0x10B00] =	vst v1;
	v18 =	vld [tilespmem:s19+$0x10C00];
	v7 =	vadd.s32 v12, v7  }
0x2db: {  	[tilespmem:s19+$0x10C00] =	vst v1;
	v10 =	vld [tilespmem:s21+$0x0];
	v8 =	vadd.s32 v13, v7  }
0x2dc: {  	[tilespmem:s19+$0x10400] =	vst v1;
	v6 =	vld [tilespmem:s19+$0x10D00];
	v8 =	vadd.s32 v14, v8  }
0x2dd: {  	[tilespmem:s19+$0x10300] =	vst v1;
	v7 =	vld [tilespmem:s19+$0x10E00];
	v8 =	vadd.s32 v15, v8  }
0x2de: {  	[tilespmem:s21+$0x0] =	vst v1;
	v9 =	vadd.s32 v16, v8;
	v8 =	vld [tilespmem:s19+$0x10F00]  }
0x2df: {  	s18 =	sxor.u32 $0x7FFFFFFF, s20;
	s22 =	simm.s32 $0x10;
	s20 =	simm.s32 $0x1;
	[tilespmem:s19+$0x10D00] =	vst v1;
	v11 =	vadd.s32 v17, v9;
	v9 =	vor.u32 s23, v4  }
0x2e0: {  	s18 =	sadd.s32 $0x1, s18;
	s24 =	sand.u32 $0xF0, s22;
	[tilespmem:s19+$0x10E00] =	vst v1;
	s23 =	simm.s32 $0x2;
	v11 =	vadd.s32 v18, v11  }
.LBB2_30:
0x2e1: {  	p0 =	sne.s32 s23, $0xF;
	v12 =	vld [tilespmem:s24+$0x10100];
	[tilespmem:s24+$0x10100] =	vst v1;
	v6 =	vadd.s32 v6, v11  }
0x2e2: {  	v11 =	vld [tilespmem:s24+$0x10200];
	[tilespmem:s24+$0x10200] =	vst v1;
	v6 =	vadd.s32 v7, v6  }
0x2e3: {  	v7 =	vld [tilespmem:s24+$0x10300];
	v6 =	vadd.s32 v8, v6;
	[tilespmem:s19+$0x10F00] =	vst v1;
	s19 =	smov.u32 s24  }
0x2e4: {  	v8 =	vld [tilespmem:s19+$0x10400];
	[tilespmem:v9+s10+$0x0] =	vst.idx.msk $0xffff, v6  }
0x2e5: {  	v6 =	vld [tilespmem:s19+$0x10500];
	[tilespmem:s19+$0x10500] =	vst v1  }
0x2e6: {  	v9 =	vadd.s32 v10, v12;
	v10 =	vld [tilespmem:s19+$0x10600];
	[tilespmem:s19+$0x10600] =	vst v1  }
0x2e7: {  	v9 =	vadd.s32 v11, v9;
	v11 =	vld [tilespmem:s19+$0x10700];
	[tilespmem:s19+$0x10700] =	vst v1  }
0x2e8: {  	v7 =	vadd.s32 v7, v9;
	v9 =	vld [tilespmem:s19+$0x10800];
	[tilespmem:s19+$0x10800] =	vst v1  }
0x2e9: {  	v7 =	vadd.s32 v8, v7;
	v8 =	vld [tilespmem:s19+$0x10900];
	[tilespmem:s19+$0x10900] =	vst v1  }
0x2ea: {  	v6 =	vadd.s32 v6, v7;
	v12 =	vld [tilespmem:s19+$0x10A00];
	[tilespmem:s19+$0x10A00] =	vst v1  }
0x2eb: {  	v6 =	vadd.s32 v10, v6;
	v10 =	vld [tilespmem:s19+$0x10B00];
	[tilespmem:s19+$0x10B00] =	vst v1  }
0x2ec: {  	v6 =	vadd.s32 v11, v6;
	v11 =	vld [tilespmem:s19+$0x10C00];
	[tilespmem:s19+$0x10C00] =	vst v1  }
.Ltmp22:
0x2ed: {  	v7 =	vadd.s32 v9, v6;
	v6 =	vld [tilespmem:s19+$0x10D00];
	[tilespmem:s19+$0x10D00] =	vst v1;
	(pc) =	sbr.rel @p0 .LBB2_30-.Ltmp22, $4  }
0x2ee: {  	v8 =	vadd.s32 v8, v7;
	v7 =	vld [tilespmem:s19+$0x10E00];
	[tilespmem:s19+$0x10E00] =	vst v1  }
0x2ef: {  	[tilespmem:s19+$0x10400] =	vst v1;
	v9 =	vadd.s32 v12, v8;
	v8 =	vld [tilespmem:s19+$0x10F00]  }
0x2f0: {  	s22 =	sadd.s32 $0x10, s22;
	s21 =	sadd.s32 $0x10, s21;
	[tilespmem:s19+$0x10300] =	vst v1;
	v12 =	vadd.s32 v10, v9;
	v9 =	vor.u32 s20, v4;
	s20 =	smov.u32 s23  }
0x2f1: {  	s24 =	sand.u32 $0xF0, s22;
	s23 =	sadd.s32 $0x1, s23;
	v10 =	vld [tilespmem:s21+$0x0];
	[tilespmem:s21+$0x0] =	vst v1;
	v11 =	vadd.s32 v11, v12  }
0x2f2: {  	v12 =	vld [tilespmem:s24+$0x10100]  }
0x2f3: {  	v13 =	vld [tilespmem:s24+$0x10200]  }
0x2f4: {  	v14 =	vld [tilespmem:s24+$0x10300]  }
0x2f5: {  	[tilespmem:s24+$0x10100] =	vst v1;
	v15 =	vld [tilespmem:s24+$0x10400]  }
0x2f6: {  	[tilespmem:s24+$0x10200] =	vst v1;
	v16 =	vld [tilespmem:s24+$0x10500]  }
0x2f7: {  	[tilespmem:s24+$0x10500] =	vst v1;
	v17 =	vld [tilespmem:s24+$0x10600];
	v10 =	vadd.s32 v10, v12  }
0x2f8: {  	[tilespmem:s24+$0x10600] =	vst v1;
	v18 =	vld [tilespmem:s24+$0x10700];
	v10 =	vadd.s32 v13, v10  }
0x2f9: {  	[tilespmem:s24+$0x10700] =	vst v1;
	v19 =	vld [tilespmem:s24+$0x10800];
	v10 =	vadd.s32 v14, v10  }
0x2fa: {  	[tilespmem:s24+$0x10800] =	vst v1;
	v20 =	vld [tilespmem:s24+$0x10900];
	v10 =	vadd.s32 v15, v10  }
0x2fb: {  	[tilespmem:s24+$0x10900] =	vst v1;
	v21 =	vld [tilespmem:s24+$0x10A00];
	v10 =	vadd.s32 v16, v10  }
0x2fc: {  	[tilespmem:s24+$0x10A00] =	vst v1;
	v12 =	vld [tilespmem:s24+$0x10B00];
	v10 =	vadd.s32 v17, v10  }
0x2fd: {  	[tilespmem:s24+$0x10400] =	vst v1;
	v13 =	vld [tilespmem:s24+$0x10C00];
	v10 =	vadd.s32 v18, v10  }
0x2fe: {  	v6 =	vadd.s32 v6, v11;
	[tilespmem:s19+$0x10F00] =	vst v1;
	v14 =	vld [tilespmem:s24+$0x10D00];
	v10 =	vadd.s32 v19, v10  }
0x2ff: {  	[tilespmem:s24+$0x10300] =	vst v1;
	v6 =	vadd.s32 v7, v6;
	v15 =	vld [tilespmem:s24+$0x10E00];
	v10 =	vadd.s32 v20, v10  }
0x300: {  	v11 =	vld [tilespmem:s24+$0x10F00];
	[tilespmem:s24+$0x10F00] =	vst v1;
	v6 =	vadd.s32 v8, v6;
	v10 =	vadd.s32 v21, v10  }
0x301: {  	[tilespmem:v9+s10+$0x0] =	vst.idx.msk $0xffff, v6;
	v7 =	vadd.s32 v12, v10;
	v10 =	vor.u32 s20, v4  }
0x302: {  	[tilespmem:s24+$0x10B00] =	vst v1;
	v7 =	vadd.s32 v13, v7  }
0x303: {  	[tilespmem:s24+$0x10C00] =	vst v1;
	v6 =	vadd.s32 v14, v7  }
0x304: {  	[tilespmem:s24+$0x10D00] =	vst v1;
	v6 =	vadd.s32 v15, v6  }
0x305: {  	[tilespmem:s24+$0x10E00] =	vst v1;
	v6 =	vadd.s32 v11, v6  }
0x306: {  	[tilespmem:v10+s10+$0x0] =	vst.idx.msk $0xffff, v6  }
0x307: {  	v6 =	vld [tilespmem:$0x11000]  }
0x308: {  	v7 =	vld [tilespmem:$0x11010]  }
0x309: {  	v8 =	vld [tilespmem:$0x11020]  }
0x30a: {  	v9 =	vld [tilespmem:$0x11030]  }
0x30b: {  	v10 =	vld [tilespmem:$0x11040]  }
0x30c: {  	v11 =	vld [tilespmem:$0x11050]  }
0x30d: {  	v6 =	vadd.s32 v6, v7;
	v7 =	vld [tilespmem:$0x11060]  }
0x30e: {  	v6 =	vadd.s32 v8, v6;
	v8 =	vld [tilespmem:$0x11070]  }
0x30f: {  	v6 =	vadd.s32 v9, v6;
	v9 =	vld [tilespmem:$0x11080]  }
0x310: {  	v6 =	vadd.s32 v10, v6;
	v10 =	vld [tilespmem:$0x11090]  }
0x311: {  	v6 =	vadd.s32 v11, v6;
	v11 =	vld [tilespmem:$0x110A0]  }
0x312: {  	v6 =	vadd.s32 v7, v6;
	v7 =	vld [tilespmem:$0x110B0]  }
0x313: {  	v6 =	vadd.s32 v8, v6;
	v8 =	vld [tilespmem:$0x110C0]  }
0x314: {  	v6 =	vadd.s32 v9, v6;
	v9 =	vld [tilespmem:$0x110D0]  }
0x315: {  	v6 =	vadd.s32 v10, v6;
	v10 =	vld [tilespmem:$0x110E0]  }
0x316: {  	v6 =	vadd.s32 v11, v6;
	v11 =	vld [tilespmem:$0x110F0]  }
0x317: {  	v6 =	vadd.s32 v7, v6  }
0x318: {  	v6 =	vadd.s32 v8, v6  }
0x319: {  	v6 =	vadd.s32 v9, v6  }
0x31a: {  	v6 =	vadd.s32 v10, v6  }
0x31b: {  	v6 =	vadd.s32 v11, v6  }
0x31c: {  	(xrf0) =	vadd.scan.msk.s32 $0xffff, v6;
	_ =	sdelay $0x5  }
0x31d: {  	v7, _, _ =	vpop (xrf0)  }
0x31e: {  	v8 =	vxor.u32 $0x80000000, v7  }
0x31f: {  	(xrf0) =	vmax.scan.msk.u32 $0xffff, v8;
	_ =	sdelay $0x5  }
0x320: {  	v8, _, _ =	vpop (xrf0)  }
0x321: {  	(v2sf) =	vpush v8, $0xF;
	_ =	sdelay $0xe  }
0x322: {  	s4 =	sadd.s32 s18, s16;
	s0 =	spop (v2sf)  }
0x323: {  	s0 =	sadd.s32 s0, s4  }
0x324: {  	s0 =	sadd.s32 $0x80000000, s0  }
0x325: {  	vm0 =	vlt.s32 v7, s0  }
0x326: {  	v8 =	vsel vm0, $0xFFFFFFFF, v5  }
0x327: {  	(xrf0) =	vmin.scan.msk.u32 $0xffff, v8;
	_ =	sdelay $0x5  }
0x328: {  	v8, _, _ =	vpop (xrf0)  }
0x329: {  	(v2sf) =	vpush v8, $0xF;
	_ =	sdelay $0xe  }
0x32a: {  	s25 =	spop (v2sf)  }
0x32b: {  	s26 =	sxor.u32 $0x80000000, s25  }
0x32c: {  	v6 =	vsub.s32 v7, v6;
	v8 =	vmov s26  }
0x32d: {  	v6 =	vxor.u32 $0x80000000, v6;
	vm0 =	veq.s32 v8, v0  }
0x32e: {  	v6 =	vnsel vm0, $0xFFFFFFFF, v6  }
0x32f: {  	(xrf0) =	vmin.scan.msk.u32 $0xffff, v6;
	_ =	sdelay $0x5  }
0x330: {  	v6, _, _ =	vpop (xrf0)  }
0x331: {  	(v2sf) =	vpush v6, $0xF;
	v6 =	vadd.s32 s26, v4;
	_ =	sdelay $0x4  }
0x332: {  	v6 =	vld.idx.msk [tilespmem:v6+s10+$0x0], $0xffff;
	_ =	sdelay $0x4  }
0x333: {  	(xrf0) =	vadd.scan.msk.s32 $0xffff, v6;
	_ =	sdelay $0x4  }
0x334: {  	s28 =	spop (v2sf)  }
0x335: {  	s16 =	sxor.u32 $0x80000000, s28;
	v6, _, _ =	vpop (xrf0)  }
0x336: {  	v6 =	vadd.s32 s16, v6  }
0x337: {  	vm0 =	vlt.s32 v6, s0  }
0x338: {  	v6 =	vsel vm0, $0xFFFFFFFF, v5  }
0x339: {  	(xrf0) =	vmin.scan.msk.u32 $0xffff, v6;
	_ =	sdelay $0x5  }
0x33a: {  	v6, _, _ =	vpop (xrf0)  }
0x33b: {  	(v2sf) =	vpush v6, $0xF;
	_ =	sdelay $0xb  }
0x33c: {  	s16 =	simm.s32 $0x40  }
0x33d: {  	v14 =	vld [tilespmem:s16+$0x30]  }
0x33e: {  	s30 =	sshll.u32 s17, $0x7;
	s29 =	sshll.u32 s25, $0x4;
	v13 =	vld [tilespmem:s16+$0xFFFFFFD0]  }
0x33f: {  	s0 =	sadd.s32 s30, s29;
	v12 =	vld [tilespmem:s16+$0xFFFFFFE0];
	s31 =	spop (v2sf)  }
0x340: {  	v11 =	vld [tilespmem:s16+$0xFFFFFFF0];
	s0 =	sadd.s32 s31, s0  }
0x341: {  	v10 =	vld [tilespmem:s16+$0x0];
	s0 =	sadd.s32 $0x80000000, s0  }
0x342: {  	v8 =	vld [tilespmem:s16+$0x10];
	v9 =	vand.u32 $0x7FFFFFFF, v14;
	v6 =	vmov s0  }
0x343: {  	v7 =	vld [tilespmem:s16+$0x20];
	v15 =	vand.u32 $0x7FFFFFFF, v13;
	vm1 =	vgt.s32 v6, v9  }
0x344: {  	s17 =	simm.s32 $0x0;
	s18 =	simm.s32 $0xC0;
	v9 =	vld [tilespmem:s16+$0xFFFFFFC0];
	vm0 =	vgt.s32 v6, v15;
	v15 =	vand.u32 $0x7FFFFFFF, v12;
	v14 =	vsel vm1, $0x0, v14  }
.LBB2_32:
0x345: {  	v16 =	vld [tilespmem:s18+$0x30];
	s17 =	sadd.s32 $0x8, s17;
	v17 =	vsel vm0, $0x0, v13;
	vm0 =	vgt.s32 v6, v15;
	v15 =	vand.u32 $0x7FFFFFFF, v11;
	[tilespmem:s16+$0x30] =	vst v14  }
0x346: {  	v13 =	vld [tilespmem:s18+$0xFFFFFFD0];
	p0 =	slt.u32 s17, $0x7F8;
	[tilespmem:s16+$0xFFFFFFD0] =	vst v17;
	v14 =	vsel vm0, $0x0, v12;
	vm0 =	vgt.s32 v6, v15;
	v15 =	vand.u32 $0x7FFFFFFF, v10  }
0x347: {  	v12 =	vld [tilespmem:s18+$0xFFFFFFE0];
	[tilespmem:s16+$0xFFFFFFE0] =	vst v14;
	v14 =	vsel vm0, $0x0, v11;
	vm0 =	vgt.s32 v6, v15;
	v15 =	vand.u32 $0x7FFFFFFF, v8  }
.Ltmp23:
0x348: {  	v11 =	vld [tilespmem:s18+$0xFFFFFFF0];
	[tilespmem:s16+$0xFFFFFFF0] =	vst v14;
	v14 =	vsel vm0, $0x0, v10;
	vm0 =	vgt.s32 v6, v15;
	v15 =	vand.u32 $0x7FFFFFFF, v7;
	(pc) =	sbr.rel @p0 .LBB2_32-.Ltmp23, $4  }
0x349: {  	v10 =	vld [tilespmem:s18+$0x0];
	v17 =	vand.u32 $0x7FFFFFFF, v9;
	[tilespmem:s16+$0x0] =	vst v14;
	v14 =	vsel vm0, $0x0, v8;
	vm0 =	vgt.s32 v6, v15  }
0x34a: {  	v8 =	vld [tilespmem:s18+$0x10];
	v15 =	vand.u32 $0x7FFFFFFF, v16;
	vm1 =	vgt.s32 v6, v17;
	[tilespmem:s16+$0x10] =	vst v14;
	v14 =	vsel vm0, $0x0, v7  }
0x34b: {  	v17 =	vand.u32 $0x7FFFFFFF, v13;
	v7 =	vld [tilespmem:s18+$0x20];
	vm2 =	vgt.s32 v6, v15;
	v18 =	vsel vm1, $0x0, v9;
	[tilespmem:s16+$0x20] =	vst v14  }
0x34c: {  	v9 =	vld [tilespmem:s18+$0xFFFFFFC0];
	vm0 =	vgt.s32 v6, v17;
	v15 =	vand.u32 $0x7FFFFFFF, v12;
	v14 =	vsel vm2, $0x0, v16;
	[tilespmem:s16+$0xFFFFFFC0] =	vst v18;
	s16 =	smov.u32 s18;
	s18 =	sadd.s32 $0x80, s18  }
0x34d: {  	v13 =	vsel vm0, $0x0, v13;
	vm11 =	vgt.s32 v6, v15;
	v56 =	vand.u32 $0x7FFFFFFF, v11;
	[tilespmem:s16+$0x30] =	vst v14  }
0x34e: {  	[tilespmem:s16+$0xFFFFFFD0] =	vst v13;
	v12 =	vsel vm11, $0x0, v12;
	vm12 =	vgt.s32 v6, v56;
	v57 =	vand.u32 $0x7FFFFFFF, v10  }
0x34f: {  	[tilespmem:s16+$0xFFFFFFE0] =	vst v12;
	v58 =	vsel vm12, $0x0, v11;
	vm13 =	vgt.s32 v6, v57;
	v59 =	vand.u32 $0x7FFFFFFF, v8  }
0x350: {  	[tilespmem:s16+$0xFFFFFFF0] =	vst v58;
	v60 =	vsel vm13, $0x0, v10;
	vm14 =	vgt.s32 v6, v59;
	v61 =	vand.u32 $0x7FFFFFFF, v7  }
0x351: {  	v62 =	vand.u32 $0x7FFFFFFF, v9;
	[tilespmem:s16+$0x0] =	vst v60;
	v63 =	vsel vm14, $0x0, v8;
	vm15 =	vgt.s32 v6, v61  }
0x352: {  	s14 =	sadd.s32 $0x1, s14;
	vm1 =	vgt.s32 v6, v62;
	[tilespmem:s16+$0x10] =	vst v63;
	v6 =	vsel vm15, $0x0, v7  }
0x353: {  	p0 =	sne.s32 s14, $0x4;
	v7 =	vsel vm1, $0x0, v9;
	[tilespmem:s16+$0x20] =	vst v6  }
.Ltmp24:
0x354: {  	s0 =	sadd.s32 s2, s15;
	[tilespmem:s16+$0xFFFFFFC0] =	vst v7;
	(pc) =	sbr.rel @p0 .LBB2_4-.Ltmp24, $4  }
0x355: {  	[hbm4b:s0+s7] =	stream.strided.scatter [tilespmem:s3], [sflag:$0x1], $0x8000, s8, s7, $0x38;
	[tilespmem:$0x11100] =	vst v63  }
0x356: {  	_ =	swait.ge [sflag:s9], $0x8000  }
0x357: {  	[sflag:s9] =	ssyncset.done $0x0  }
0x358: {  	[sflag:s9] =	ssyncadd.s32 $0xFFFF8000  }
0x359: {  	s13 =	sadd.s32 $0x1, s13  }
0x35a: {  	p0 =	sne.s32 s13, s6  }
.Ltmp25:
0x35b: {  	_ = 	snop;
	(pc) =	sbr.rel @p0 .LBB2_1-.Ltmp25, $1  }
0x35c: {  	_ =	sdelay $0x3  }
0x35d: {  	_ =	sfence.sel $0x180000  }
0x35e: {  	[bflag:$0x0] =	sbarrier.arrive $0xFFFF  }
0x35f: {  	_ =	strace $0x90000047  }
0x360: {  	s0 =	stileid.u32;
	[bflag:$0x2] =	sbarrier.arrive $0xFFFF  }
0x361: {  	p0 =	sne.s32 s0, $0x0;
	s0 =	rddreg [dreg:$0x2]  }
0x362: {  	s0 =	sadd.s32 @!p0 $0x100000, s0  }
0x363: {  	[sflag:s0] =	ssyncadd.tile.s32 @!p0 $0x1;
	_ =	shalt  }
.Lfunc_end2:
_tile_overlayer_lowered:
.L_overlay_start_2:
0x364: {  	(tag) =	ssettag $0x2  }
0x365: {  	s0 =	rddreg [dreg:$0x0];
	s2 =	stileid.u32  }
0x366: {  	s1 =	rddreg [dreg:$0x1];
	p0 =	sne.s32 s2, $0x0  }
0x367: {  	s3 =	rddreg [dreg:$0x2];
	[bflag:$0x3] =	sbarrier.arrive $0xFFFF;
	s2 =	simm.s32 @!p0 $0x1C01  }
0x368: {  	[timem:s3], [sflag:s2] =	dma.local @!p0 [hbm:s0], s1  }
0x369: {  	s0 =	simm.s32 @!p0 $0x1  }
0x36a: {  	_ =	swait.ge @!p0 [sflag:s0], s1  }
0x36b: {  	s1 =	ssub.s32 @!p0 $0x0, s1;
	[sflag:s0] =	ssyncset.done @!p0 $0x0  }
0x36c: {  	[sflag:s0] =	ssyncadd.s32 @!p0 s1  }
0x36d: {  	[bflag:$0x3] =	sbarrier.arrive $0xFFFF  }
0x36e: {  	_ =	shalt  }

</sc_bundles>
